<compile_context>
chip_gen: v7x
topology: tpu7x:2x2x1
jax: 0.10.2.dev20260603
libtpu: 0.0.44.dev20260713+nightly
codegen_flags: <defaults>
</compile_context>

<pallas_src>
import functools

import jax
import jax.numpy as jnp
from jax import lax
from jax.experimental import pallas as pl
from jax.experimental.pallas import tpu as pltpu
from jax.experimental.pallas import tpu_sc as plsc

N_NODES = 10000
N_PAD = 10112
D = 128
DH = D // 2
E = 320000
NC = 2
NS = 16
NW = NC * NS
K = 125
DEG_EDGES_PER_W = E // NW
DEG_CHUNKS = DEG_EDGES_PER_W // K
AGG_EDGES_PER_T = E // NS
AGG_CHUNKS = AGG_EDGES_PER_T // K
NBUF = 5
RPT = N_PAD // NS

_mesh = plsc.VectorSubcoreMesh(core_axis_name="c", subcore_axis_name="s")


def _deg_body(src_hbm, dst_hbm, out_hbm, sidx_v, didx_v, ones_v, zbuf_v,
              degs_sh, degd_sh, gsem, dsem):
    c = lax.axis_index("c")
    s = lax.axis_index("s")
    wid = s * NC + c
    pltpu.sync_copy(src_hbm.at[wid], sidx_v)
    pltpu.sync_copy(dst_hbm.at[wid], didx_v)

    lane = lax.iota(jnp.int32, 16)
    e0 = jnp.where(lane == 0, 1.0, 0.0).astype(jnp.float32)
    z16 = jnp.zeros((16,), jnp.float32)

    def zfill(r, _):
        zbuf_v[r, :] = z16
        return 0

    lax.fori_loop(0, RPT, zfill, 0)

    def ofill(r, _):
        ones_v[r, :] = e0
        return 0

    lax.fori_loop(0, K, ofill, 0)

    pltpu.sync_copy(zbuf_v, degs_sh.at[pl.ds(s * RPT, RPT)])
    pltpu.sync_copy(zbuf_v, degd_sh.at[pl.ds(s * RPT, RPT)])
    plsc.subcore_barrier()

    def body(i, _):
        jj = i * NBUF
        descs = []
        for t in range(NBUF):
            descs.append(pltpu.async_copy(ones_v, degs_sh.at[sidx_v.at[jj + t]],
                                          gsem.at[t], add=True))
            descs.append(pltpu.async_copy(ones_v, degd_sh.at[didx_v.at[jj + t]],
                                          dsem.at[t], add=True))
        for d in descs:
            d.wait()
        return 0

    lax.fori_loop(0, DEG_CHUNKS // NBUF, body, 0)
    plsc.subcore_barrier()

    pltpu.sync_copy(degs_sh.at[pl.ds(s * RPT, RPT)],
                    out_hbm.at[c, 0, pl.ds(s * RPT, RPT)])
    pltpu.sync_copy(degd_sh.at[pl.ds(s * RPT, RPT)],
                    out_hbm.at[c, 1, pl.ds(s * RPT, RPT)])


_deg_call = pl.kernel(
    _deg_body,
    out_type=jax.ShapeDtypeStruct((NC, 2, N_PAD, 16), jnp.float32),
    mesh=_mesh,
    scratch_types=[
        pltpu.VMEM((DEG_CHUNKS, K), jnp.int32),
        pltpu.VMEM((DEG_CHUNKS, K), jnp.int32),
        pltpu.VMEM((K, 16), jnp.float32),
        pltpu.VMEM((RPT, 16), jnp.float32),
        pltpu.VMEM_SHARED((N_PAD, 16), jnp.float32),
        pltpu.VMEM_SHARED((N_PAD, 16), jnp.float32),
        pltpu.SemaphoreType.DMA((NBUF,)),
        pltpu.SemaphoreType.DMA((NBUF,)),
    ],
    compiler_params=pltpu.CompilerParams(use_tc_tiling_on_sc=False),
)


def _agg_body(h_hbm, src_hbm, dst_hbm, out_hbm, sidx_v, didx_v, rv,
              acc_sh, gsem, ssem):
    c = lax.axis_index("c")
    s = lax.axis_index("s")
    pltpu.sync_copy(src_hbm.at[s], sidx_v)
    pltpu.sync_copy(dst_hbm.at[s], didx_v)

    z16 = jnp.zeros((16,), jnp.float32)

    def zfill(r, _):
        for cc in range(DH // 16):
            rv[0, r, pl.ds(cc * 16, 16)] = z16
        return 0

    lax.fori_loop(0, K, zfill, 0)

    for t in range(5):
        pltpu.sync_copy(rv.at[0], acc_sh.at[pl.ds(s * RPT + t * K, K)])
    pltpu.sync_copy(rv.at[0].at[pl.ds(0, RPT - 5 * K)],
                    acc_sh.at[pl.ds(s * RPT + 5 * K, RPT - 5 * K)])
    plsc.subcore_barrier()

    for t in range(NBUF):
        pltpu.async_copy(h_hbm.at[c].at[sidx_v.at[t]], rv.at[t], gsem.at[t])

    def body(i, _):
        jj = i * NBUF
        for t in range(NBUF):
            pltpu.make_async_copy(h_hbm.at[c].at[sidx_v.at[jj + t]],
                                  rv.at[t], gsem.at[t]).wait()
        descs = []
        for t in range(NBUF):
            descs.append(pltpu.async_copy(rv.at[t], acc_sh.at[didx_v.at[jj + t]],
                                          ssem.at[t], add=True))
        for t in range(NBUF):
            descs[t].wait()

            @pl.when(jj + NBUF < AGG_CHUNKS)
            def _(t=t, jj=jj):
                pltpu.async_copy(h_hbm.at[c].at[sidx_v.at[jj + t + NBUF]],
                                 rv.at[t], gsem.at[t])

        return 0

    lax.fori_loop(0, AGG_CHUNKS // NBUF, body, 0)
    plsc.subcore_barrier()

    pltpu.sync_copy(acc_sh.at[pl.ds(s * RPT, RPT)],
                    out_hbm.at[c, pl.ds(s * RPT, RPT)])


_agg_call = pl.kernel(
    _agg_body,
    out_type=jax.ShapeDtypeStruct((NC, N_PAD, DH), jnp.float32),
    mesh=_mesh,
    scratch_types=[
        pltpu.VMEM((AGG_CHUNKS, K), jnp.int32),
        pltpu.VMEM((AGG_CHUNKS, K), jnp.int32),
        pltpu.VMEM((NBUF, K, DH), jnp.float32),
        pltpu.VMEM_SHARED((N_PAD, DH), jnp.float32),
        pltpu.SemaphoreType.DMA((NBUF,)),
        pltpu.SemaphoreType.DMA((NBUF,)),
    ],
    compiler_params=pltpu.CompilerParams(use_tc_tiling_on_sc=False),
)

_RB = 1000


def _h_body(x_ref, w_ref, b_ref, dp_ref, o_ref):
    dp = dp_ref[...]
    deg = dp[0, 0] + dp[1, 0]
    scale = lax.rsqrt(jnp.sum(deg, axis=1, keepdims=True) + 1e-5)
    h = jnp.dot(x_ref[...], w_ref[0], preferred_element_type=jnp.float32)
    o_ref[0] = (h + b_ref[0]) * scale


def _h_call(x, W2, b2, degparts):
    return pl.pallas_call(
        _h_body,
        grid=(NC, N_NODES // _RB),
        in_specs=[
            pl.BlockSpec((_RB, D), lambda j, i: (i, 0)),
            pl.BlockSpec((1, D, DH), lambda j, i: (j, 0, 0)),
            pl.BlockSpec((1, 1, DH), lambda j, i: (j, 0, 0)),
            pl.BlockSpec((NC, 1, _RB, 16), lambda j, i: (0, 0, i, 0)),
        ],
        out_specs=pl.BlockSpec((1, _RB, DH), lambda j, i: (j, i, 0)),
        out_shape=jax.ShapeDtypeStruct((NC, N_NODES, DH), jnp.float32),
    )(x, W2, b2, degparts)


def _out_body(ap_ref, dp_ref, o_ref):
    ap = ap_ref[...]
    dp = dp_ref[...]
    deg = dp[0, 0] + dp[1, 0]
    dinv = lax.rsqrt(jnp.sum(deg, axis=1, keepdims=True) + 1e-5)
    o_ref[...] = jnp.concatenate([ap[0], ap[1]], axis=-1) * dinv


def _out_call(accparts, degparts):
    return pl.pallas_call(
        _out_body,
        grid=(N_NODES // _RB,),
        in_specs=[
            pl.BlockSpec((NC, _RB, DH), lambda i: (0, i, 0)),
            pl.BlockSpec((NC, 1, _RB, 16), lambda i: (0, 1, i, 0)),
        ],
        out_specs=pl.BlockSpec((_RB, D), lambda i: (i, 0)),
        out_shape=jax.ShapeDtypeStruct((N_NODES, D), jnp.float32),
    )(accparts, degparts)


def kernel(x, edge_index, W, b):
    src = edge_index[0].astype(jnp.int32)
    dst = edge_index[1].astype(jnp.int32)
    src_deg = src.reshape(NW, DEG_CHUNKS, K)
    dst_deg = dst.reshape(NW, DEG_CHUNKS, K)
    src_agg = src.reshape(NS, AGG_CHUNKS, K)
    dst_agg = dst.reshape(NS, AGG_CHUNKS, K)
    W2 = W.astype(jnp.float32).reshape(1, D, D)
    W2 = jnp.concatenate([W2[:, :, :DH], W2[:, :, DH:]], axis=0)
    b2 = b.astype(jnp.float32).reshape(1, 1, D)
    b2 = jnp.concatenate([b2[:, :, :DH], b2[:, :, DH:]], axis=0)
    degparts = _deg_call(src_deg, dst_deg)
    hsplit = _h_call(x.astype(jnp.float32), W2, b2, degparts)
    accparts = _agg_call(hsplit, src_agg, dst_agg)
    return _out_call(accparts, degparts)

# --- scband reference (transcript-rebuilt; emitter-appended) ---
"""Pipeline reference for scband-graph-synthesizer-31636729102834 (READ-ONLY COPY).

The authoritative reference and input builder live on the scoring server;
editing this copy changes nothing except your own understanding.
"""

import jax, jax.numpy as jnp
import numpy as np

N_NODES = 10000
N_EDGES = 320000
D_IN = 128
D_OUT = 128


def setup_inputs(seed: int = 0) -> dict:
    key = jax.random.key(seed)
    k_x, k_e, k_w, k_b = jax.random.split(key, 4)
    x = jax.random.normal(k_x, (N_NODES, D_IN), dtype=jnp.float32)
    edge_index = jax.random.randint(k_e, (2, N_EDGES), 0, N_NODES, dtype=jnp.int64)
    # learned parameters of the message-passing layer (orthogonal-ish init via normal)
    W = jax.random.normal(k_w, (D_IN, D_OUT), dtype=jnp.float32) * (1.0 / np.sqrt(D_IN))
    b = jnp.zeros((D_OUT,), dtype=jnp.float32)
    return {"x": x, "edge_index": edge_index, "W": W, "b": b}


def reference(x, edge_index, W, b):
    # GCN-style message passing with asymmetric normalization
    # (deg_src^-1/2 on source side, deg_dst^-1/2 on destination side),
    # matching asymmetric_gcn_norm in the original module.
    src = edge_index[0]
    dst = edge_index[1]
    N = x.shape[0]
    ones = jnp.ones((src.shape[0],), dtype=jnp.float32)
    deg_src = jnp.zeros((N,), dtype=jnp.float32).at[src].add(ones) + 1e-05
    deg_dst = jnp.zeros((N,), dtype=jnp.float32).at[dst].add(ones) + 1e-05
    deg_src_inv_sqrt = jnp.power(deg_src, -0.5)
    deg_src_inv_sqrt = jnp.where(jnp.isinf(deg_src_inv_sqrt), 0.0, deg_src_inv_sqrt)
    deg_dst_inv_sqrt = jnp.power(deg_dst, -0.5)
    deg_dst_inv_sqrt = jnp.where(jnp.isinf(deg_dst_inv_sqrt), 0.0, deg_dst_inv_sqrt)
    # linear transform
    h = x @ W + b
    # gather source features, apply per-edge normalization
    coeff = deg_dst_inv_sqrt[dst] * deg_src_inv_sqrt[src]
    msg = h[src] * coeff[:, None]
    # scatter-add aggregation at destination nodes
    out = jnp.zeros((N, h.shape[1]), dtype=h.dtype).at[dst].add(msg)
    return out


if False:  # reference __main__ guard neutralized (emitter)
    inp = setup_inputs()
    o = reference(**inp)
    print(o.shape, o.dtype)

if __name__ == "__main__":
    import jax
    _d = setup_inputs()
    print(jax.jit(kernel)(*tuple(_d.values())))

</pallas_src>

<mosaic_0001>
#map = affine_map<(d0, d1) -> (0, 0, 0)>
#map1 = affine_map<(d0, d1) -> (0, 0, 0, 0)>
module attributes {stable_mosaic.version = 14 : i64} {
  func.func @_deg_body(%arg0: i32, %arg1: i32, %arg2: memref<32x80x125xi32, #tpu.memory_space<hbm>>, %arg3: memref<32x80x125xi32, #tpu.memory_space<hbm>>, %arg4: memref<2x2x10112x16xf32, #tpu.memory_space<hbm>>, %arg5: memref<80x125xi32, #tpu.memory_space<vmem>>, %arg6: memref<80x125xi32, #tpu.memory_space<vmem>>, %arg7: memref<125x16xf32, #tpu.memory_space<vmem>>, %arg8: memref<632x16xf32, #tpu.memory_space<vmem>>, %arg9: memref<10112x16xf32, #tpu.memory_space<vmem_shared>>, %arg10: memref<10112x16xf32, #tpu.memory_space<vmem_shared>>, %arg11: memref<5x!tpu.dma_semaphore, #tpu.memory_space<semaphore_mem>>, %arg12: memref<5x!tpu.dma_semaphore, #tpu.memory_space<semaphore_mem>>) attributes {dimension_semantics = [#tpu.dimension_semantics<core_parallel>, #tpu.dimension_semantics<subcore_parallel>], iteration_bounds = array<i64: 2, 16>, scalar_prefetch = 0 : i64, scratch_operands = 8 : i64, tpu.core_type = #tpu.core_type<sc_vector_subcore>, window_params = [{transform_indices = #map}, {transform_indices = #map}, {transform_indices = #map1}]} {
    %mul3A = arith.constant 2 : i32
    %mul3A_0 = arith.muli %arg1, %mul3A : i32
    %add3A = arith.addi %mul3A_0, %arg0 : i32
    "tpu.region"() ({
      %run_scoped3A_41 = tpu.sem_alloc : memref<!tpu.dma_semaphore, #tpu.memory_space<semaphore_mem>>
      %dma_start3A = arith.constant 0 : i32
      %dma_start3A_42 = arith.constant 0 : i32
      %dma_start3A_43 = tpu.memref_slice %arg2[%add3A, %dma_start3A, %dma_start3A_42] : memref<32x80x125xi32, #tpu.memory_space<hbm>> -> memref<1x80x125xi32, #tpu.memory_space<hbm>>
      %dma_start3A_44 = tpu.memref_squeeze %dma_start3A_43 : memref<1x80x125xi32, #tpu.memory_space<hbm>> -> memref<80x125xi32, #tpu.memory_space<hbm>>
      %dma_start3A_45 = arith.constant 0 : i32
      %dma_start3A_46 = arith.constant 0 : i32
      %dma_start3A_47 = tpu.memref_slice %arg2[%add3A, %dma_start3A_45, %dma_start3A_46] : memref<32x80x125xi32, #tpu.memory_space<hbm>> -> memref<1x80x125xi32, #tpu.memory_space<hbm>>
      %dma_start3A_48 = tpu.memref_squeeze %dma_start3A_47 : memref<1x80x125xi32, #tpu.memory_space<hbm>> -> memref<80x125xi32, #tpu.memory_space<hbm>>
      tpu.enqueue_dma source(%dma_start3A_48 : memref<80x125xi32, #tpu.memory_space<hbm>>) target(%arg5 : memref<80x125xi32, #tpu.memory_space<vmem>>) target_semaphore(%run_scoped3A_41 : memref<!tpu.dma_semaphore, #tpu.memory_space<semaphore_mem>>)
      %dma_wait3A = arith.constant 0 : i32
      %dma_wait3A_49 = arith.constant 0 : i32
      %dma_wait3A_50 = tpu.memref_slice %arg2[%add3A, %dma_wait3A, %dma_wait3A_49] : memref<32x80x125xi32, #tpu.memory_space<hbm>> -> memref<1x80x125xi32, #tpu.memory_space<hbm>>
      %dma_wait3A_51 = tpu.memref_squeeze %dma_wait3A_50 : memref<1x80x125xi32, #tpu.memory_space<hbm>> -> memref<80x125xi32, #tpu.memory_space<hbm>>
      %dma_wait3A_52 = arith.constant 0 : i32
      %dma_wait3A_53 = arith.constant 0 : i32
      %dma_wait3A_54 = tpu.memref_slice %arg2[%add3A, %dma_wait3A_52, %dma_wait3A_53] : memref<32x80x125xi32, #tpu.memory_space<hbm>> -> memref<1x80x125xi32, #tpu.memory_space<hbm>>
      %dma_wait3A_55 = tpu.memref_squeeze %dma_wait3A_54 : memref<1x80x125xi32, #tpu.memory_space<hbm>> -> memref<80x125xi32, #tpu.memory_space<hbm>>
      tpu.wait_dma2 semaphore(%run_scoped3A_41 : memref<!tpu.dma_semaphore, #tpu.memory_space<semaphore_mem>>) src(%dma_wait3A_55 : memref<80x125xi32, #tpu.memory_space<hbm>>) dst(%arg5 : memref<80x125xi32, #tpu.memory_space<vmem>>)
      tpu.yield
    }) : () -> ()
    "tpu.region"() ({
      %run_scoped3A_41 = tpu.sem_alloc : memref<!tpu.dma_semaphore, #tpu.memory_space<semaphore_mem>>
      %dma_start3A = arith.constant 0 : i32
      %dma_start3A_42 = arith.constant 0 : i32
      %dma_start3A_43 = tpu.memref_slice %arg3[%add3A, %dma_start3A, %dma_start3A_42] : memref<32x80x125xi32, #tpu.memory_space<hbm>> -> memref<1x80x125xi32, #tpu.memory_space<hbm>>
      %dma_start3A_44 = tpu.memref_squeeze %dma_start3A_43 : memref<1x80x125xi32, #tpu.memory_space<hbm>> -> memref<80x125xi32, #tpu.memory_space<hbm>>
      %dma_start3A_45 = arith.constant 0 : i32
      %dma_start3A_46 = arith.constant 0 : i32
      %dma_start3A_47 = tpu.memref_slice %arg3[%add3A, %dma_start3A_45, %dma_start3A_46] : memref<32x80x125xi32, #tpu.memory_space<hbm>> -> memref<1x80x125xi32, #tpu.memory_space<hbm>>
      %dma_start3A_48 = tpu.memref_squeeze %dma_start3A_47 : memref<1x80x125xi32, #tpu.memory_space<hbm>> -> memref<80x125xi32, #tpu.memory_space<hbm>>
      tpu.enqueue_dma source(%dma_start3A_48 : memref<80x125xi32, #tpu.memory_space<hbm>>) target(%arg6 : memref<80x125xi32, #tpu.memory_space<vmem>>) target_semaphore(%run_scoped3A_41 : memref<!tpu.dma_semaphore, #tpu.memory_space<semaphore_mem>>)
      %dma_wait3A = arith.constant 0 : i32
      %dma_wait3A_49 = arith.constant 0 : i32
      %dma_wait3A_50 = tpu.memref_slice %arg3[%add3A, %dma_wait3A, %dma_wait3A_49] : memref<32x80x125xi32, #tpu.memory_space<hbm>> -> memref<1x80x125xi32, #tpu.memory_space<hbm>>
      %dma_wait3A_51 = tpu.memref_squeeze %dma_wait3A_50 : memref<1x80x125xi32, #tpu.memory_space<hbm>> -> memref<80x125xi32, #tpu.memory_space<hbm>>
      %dma_wait3A_52 = arith.constant 0 : i32
      %dma_wait3A_53 = arith.constant 0 : i32
      %dma_wait3A_54 = tpu.memref_slice %arg3[%add3A, %dma_wait3A_52, %dma_wait3A_53] : memref<32x80x125xi32, #tpu.memory_space<hbm>> -> memref<1x80x125xi32, #tpu.memory_space<hbm>>
      %dma_wait3A_55 = tpu.memref_squeeze %dma_wait3A_54 : memref<1x80x125xi32, #tpu.memory_space<hbm>> -> memref<80x125xi32, #tpu.memory_space<hbm>>
      tpu.wait_dma2 semaphore(%run_scoped3A_41 : memref<!tpu.dma_semaphore, #tpu.memory_space<semaphore_mem>>) src(%dma_wait3A_55 : memref<80x125xi32, #tpu.memory_space<hbm>>) dst(%arg6 : memref<80x125xi32, #tpu.memory_space<vmem>>)
      tpu.yield
    }) : () -> ()
    %iota3A = tpu.iota {dimensions = array<i32: 0>} : vector<16xi32>
    %eq3A = arith.constant 0 : i32
    %eq3A_1 = vector.broadcast %eq3A : i32 to vector<16xi32>
    %eq3A_2 = arith.cmpi eq, %iota3A, %eq3A_1 : vector<16xi32>
    %jit3A = arith.constant 1.000000e+00 : f32
    %jit3A_3 = arith.constant 0.000000e+00 : f32
    %broadcast_in_dim3A = vector.broadcast %jit3A : f32 to vector<16xf32>
    %broadcast_in_dim3A_4 = vector.broadcast %jit3A_3 : f32 to vector<16xf32>
    %select_n3A = arith.select %eq3A_2, %broadcast_in_dim3A, %broadcast_in_dim3A_4 : vector<16xi1>, vector<16xf32>
    %broadcast_in_dim3A_5 = arith.constant 0.000000e+00 : f32
    %broadcast_in_dim3A_6 = vector.broadcast %broadcast_in_dim3A_5 : f32 to vector<16xf32>
    %scan3A = arith.constant 0 : i32
    %scan3A_7 = arith.constant 0 : i32
    %scan3A_8 = arith.constant 632 : i32
    %scan3A_9 = arith.addi %scan3A_7, %scan3A_8 : i32
    %scan3A_10 = arith.constant 1 : i32
    %scan3A_11 = scf.for %scan3A_41 = %scan3A_7 to %scan3A_9 step %scan3A_10 iter_args(%scan3A_42 = %scan3A) -> (i32)  : i32 {
      %swap3A = arith.index_cast %scan3A_41 : i32 to index
      %swap3A_43 = arith.constant 0 : index
      %swap3A_44 = tpu.vector_load %arg8[%swap3A, %swap3A_43] {strides = array<i32>} : memref<632x16xf32, #tpu.memory_space<vmem>>, vector<1x16xf32>,
      %swap3A_45 = vector.shape_cast %swap3A_44 : vector<1x16xf32> to vector<16xf32>
      %swap3A_46 = vector.shape_cast %broadcast_in_dim3A_6 : vector<16xf32> to vector<1x16xf32>
      tpu.vector_store %arg8[%swap3A, %swap3A_43], %swap3A_46 {strides = array<i32>} : memref<632x16xf32, #tpu.memory_space<vmem>>, vector<1x16xf32>,
      %scan3A_47 = arith.constant 0 : i32
      scf.yield %scan3A_47 : i32
    }
    %scan3A_12 = arith.constant 632 : i32
    %scan3A_13 = arith.constant 0 : i32
    %scan3A_14 = arith.constant 0 : i32
    %scan3A_15 = arith.constant 125 : i32
    %scan3A_16 = arith.addi %scan3A_14, %scan3A_15 : i32
    %scan3A_17 = arith.constant 1 : i32
    %scan3A_18 = scf.for %scan3A_41 = %scan3A_14 to %scan3A_16 step %scan3A_17 iter_args(%scan3A_42 = %scan3A_13) -> (i32)  : i32 {
      %swap3A = arith.index_cast %scan3A_41 : i32 to index
      %swap3A_43 = arith.constant 0 : index
      %swap3A_44 = tpu.vector_load %arg7[%swap3A, %swap3A_43] {strides = array<i32>} : memref<125x16xf32, #tpu.memory_space<vmem>>, vector<1x16xf32>,
      %swap3A_45 = vector.shape_cast %swap3A_44 : vector<1x16xf32> to vector<16xf32>
      %swap3A_46 = vector.shape_cast %select_n3A : vector<16xf32> to vector<1x16xf32>
      tpu.vector_store %arg7[%swap3A, %swap3A_43], %swap3A_46 {strides = array<i32>} : memref<125x16xf32, #tpu.memory_space<vmem>>, vector<1x16xf32>,
      %scan3A_47 = arith.constant 0 : i32
      scf.yield %scan3A_47 : i32
    }
    %scan3A_19 = arith.constant 125 : i32
    %mul3A_20 = arith.constant 632 : i32
    %mul3A_21 = arith.muli %arg1, %mul3A_20 : i32
    "tpu.region"() ({
      %run_scoped3A_41 = tpu.sem_alloc : memref<!tpu.dma_semaphore, #tpu.memory_space<semaphore_mem>>
      %dma_start3A = arith.constant 0 : i32
      %dma_start3A_42 = tpu.memref_slice %arg9[%mul3A_21, %dma_start3A] : memref<10112x16xf32, #tpu.memory_space<vmem_shared>> -> memref<632x16xf32, #tpu.memory_space<vmem_shared>>
      %dma_start3A_43 = arith.constant 0 : i32
      %dma_start3A_44 = tpu.memref_slice %arg9[%mul3A_21, %dma_start3A_43] : memref<10112x16xf32, #tpu.memory_space<vmem_shared>> -> memref<632x16xf32, #tpu.memory_space<vmem_shared>>
      tpu.enqueue_dma source(%arg8 : memref<632x16xf32, #tpu.memory_space<vmem>>) target(%dma_start3A_44 : memref<632x16xf32, #tpu.memory_space<vmem_shared>>) target_semaphore(%run_scoped3A_41 : memref<!tpu.dma_semaphore, #tpu.memory_space<semaphore_mem>>)
      %dma_wait3A = arith.constant 0 : i32
      %dma_wait3A_45 = tpu.memref_slice %arg9[%mul3A_21, %dma_wait3A] : memref<10112x16xf32, #tpu.memory_space<vmem_shared>> -> memref<632x16xf32, #tpu.memory_space<vmem_shared>>
      %dma_wait3A_46 = arith.constant 0 : i32
      %dma_wait3A_47 = tpu.memref_slice %arg9[%mul3A_21, %dma_wait3A_46] : memref<10112x16xf32, #tpu.memory_space<vmem_shared>> -> memref<632x16xf32, #tpu.memory_space<vmem_shared>>
      tpu.wait_dma2 semaphore(%run_scoped3A_41 : memref<!tpu.dma_semaphore, #tpu.memory_space<semaphore_mem>>) src(%arg8 : memref<632x16xf32, #tpu.memory_space<vmem>>) dst(%dma_wait3A_47 : memref<632x16xf32, #tpu.memory_space<vmem_shared>>)
      tpu.yield
    }) : () -> ()
    %mul3A_22 = arith.constant 632 : i32
    %mul3A_23 = arith.muli %arg1, %mul3A_22 : i32
    "tpu.region"() ({
      %run_scoped3A_41 = tpu.sem_alloc : memref<!tpu.dma_semaphore, #tpu.memory_space<semaphore_mem>>
      %dma_start3A = arith.constant 0 : i32
      %dma_start3A_42 = tpu.memref_slice %arg10[%mul3A_23, %dma_start3A] : memref<10112x16xf32, #tpu.memory_space<vmem_shared>> -> memref<632x16xf32, #tpu.memory_space<vmem_shared>>
      %dma_start3A_43 = arith.constant 0 : i32
      %dma_start3A_44 = tpu.memref_slice %arg10[%mul3A_23, %dma_start3A_43] : memref<10112x16xf32, #tpu.memory_space<vmem_shared>> -> memref<632x16xf32, #tpu.memory_space<vmem_shared>>
      tpu.enqueue_dma source(%arg8 : memref<632x16xf32, #tpu.memory_space<vmem>>) target(%dma_start3A_44 : memref<632x16xf32, #tpu.memory_space<vmem_shared>>) target_semaphore(%run_scoped3A_41 : memref<!tpu.dma_semaphore, #tpu.memory_space<semaphore_mem>>)
      %dma_wait3A = arith.constant 0 : i32
      %dma_wait3A_45 = tpu.memref_slice %arg10[%mul3A_23, %dma_wait3A] : memref<10112x16xf32, #tpu.memory_space<vmem_shared>> -> memref<632x16xf32, #tpu.memory_space<vmem_shared>>
      %dma_wait3A_46 = arith.constant 0 : i32
      %dma_wait3A_47 = tpu.memref_slice %arg10[%mul3A_23, %dma_wait3A_46] : memref<10112x16xf32, #tpu.memory_space<vmem_shared>> -> memref<632x16xf32, #tpu.memory_space<vmem_shared>>
      tpu.wait_dma2 semaphore(%run_scoped3A_41 : memref<!tpu.dma_semaphore, #tpu.memory_space<semaphore_mem>>) src(%arg8 : memref<632x16xf32, #tpu.memory_space<vmem>>) dst(%dma_wait3A_47 : memref<632x16xf32, #tpu.memory_space<vmem_shared>>)
      tpu.yield
    }) : () -> ()
    %barrier3A = arith.constant 0 : index
    tpu.barrier barrier_id(%barrier3A)
    %scan3A_24 = arith.constant 0 : i32
    %scan3A_25 = arith.constant 0 : i32
    %scan3A_26 = arith.constant 16 : i32
    %scan3A_27 = arith.addi %scan3A_25, %scan3A_26 : i32
    %scan3A_28 = arith.constant 1 : i32
    %scan3A_29 = scf.for %scan3A_41 = %scan3A_25 to %scan3A_27 step %scan3A_28 iter_args(%scan3A_42 = %scan3A_24) -> (i32)  : i32 {
      %mul3A_43 = arith.constant 5 : i32
      %mul3A_44 = arith.muli %scan3A_41, %mul3A_43 : i32
      %add3A_45 = arith.constant 0 : i32
      %add3A_46 = arith.addi %mul3A_44, %add3A_45 : i32
      %dma_start3A = arith.constant 0 : i32
      %dma_start3A_47 = arith.constant 0 : i32
      %dma_start3A_48 = tpu.memref_slice %arg5[%add3A_46, %dma_start3A_47] : memref<80x125xi32, #tpu.memory_space<vmem>> -> memref<1x125xi32, #tpu.memory_space<vmem>>
      %dma_start3A_49 = tpu.memref_squeeze %dma_start3A_48 : memref<1x125xi32, #tpu.memory_space<vmem>> -> memref<125xi32, #tpu.memory_space<vmem>>
      %dma_start3A_50 = arith.constant 0 : i32
      %dma_start3A_51 = arith.constant 0 : i32
      %dma_start3A_52 = tpu.memref_slice %arg9[%dma_start3A_50, %dma_start3A_51] : memref<10112x16xf32, #tpu.memory_space<vmem_shared>> -> memref<10112x16xf32, #tpu.memory_space<vmem_shared>>
      %dma_start3A_53 = tpu.memref_slice %arg11[%dma_start3A] : memref<5x!tpu.dma_semaphore, #tpu.memory_space<semaphore_mem>> -> memref<1x!tpu.dma_semaphore, #tpu.memory_space<semaphore_mem>>
      %dma_start3A_54 = tpu.memref_squeeze %dma_start3A_53 : memref<1x!tpu.dma_semaphore, #tpu.memory_space<semaphore_mem>> -> memref<!tpu.dma_semaphore, #tpu.memory_space<semaphore_mem>>
      tpu.enqueue_indirect_dma source(%arg7 : memref<125x16xf32, #tpu.memory_space<vmem>>) target(%dma_start3A_52 : memref<10112x16xf32, #tpu.memory_space<vmem_shared>>) offsets(%dma_start3A_49 : memref<125xi32, #tpu.memory_space<vmem>>) semaphore(%dma_start3A_54 : memref<!tpu.dma_semaphore, #tpu.memory_space<semaphore_mem>>) {add = true}
      %add3A_55 = arith.constant 0 : i32
      %add3A_56 = arith.addi %mul3A_44, %add3A_55 : i32
      %dma_start3A_57 = arith.constant 0 : i32
      %dma_start3A_58 = arith.constant 0 : i32
      %dma_start3A_59 = tpu.memref_slice %arg6[%add3A_56, %dma_start3A_58] : memref<80x125xi32, #tpu.memory_space<vmem>> -> memref<1x125xi32, #tpu.memory_space<vmem>>
      %dma_start3A_60 = tpu.memref_squeeze %dma_start3A_59 : memref<1x125xi32, #tpu.memory_space<vmem>> -> memref<125xi32, #tpu.memory_space<vmem>>
      %dma_start3A_61 = arith.constant 0 : i32
      %dma_start3A_62 = arith.constant 0 : i32
      %dma_start3A_63 = tpu.memref_slice %arg10[%dma_start3A_61, %dma_start3A_62] : memref<10112x16xf32, #tpu.memory_space<vmem_shared>> -> memref<10112x16xf32, #tpu.memory_space<vmem_shared>>
      %dma_start3A_64 = tpu.memref_slice %arg12[%dma_start3A_57] : memref<5x!tpu.dma_semaphore, #tpu.memory_space<semaphore_mem>> -> memref<1x!tpu.dma_semaphore, #tpu.memory_space<semaphore_mem>>
      %dma_start3A_65 = tpu.memref_squeeze %dma_start3A_64 : memref<1x!tpu.dma_semaphore, #tpu.memory_space<semaphore_mem>> -> memref<!tpu.dma_semaphore, #tpu.memory_space<semaphore_mem>>
      tpu.enqueue_indirect_dma source(%arg7 : memref<125x16xf32, #tpu.memory_space<vmem>>) target(%dma_start3A_63 : memref<10112x16xf32, #tpu.memory_space<vmem_shared>>) offsets(%dma_start3A_60 : memref<125xi32, #tpu.memory_space<vmem>>) semaphore(%dma_start3A_65 : memref<!tpu.dma_semaphore, #tpu.memory_space<semaphore_mem>>) {add = true}
      %add3A_66 = arith.constant 1 : i32
      %add3A_67 = arith.addi %mul3A_44, %add3A_66 : i32
      %dma_start3A_68 = arith.constant 1 : i32
      %dma_start3A_69 = arith.constant 0 : i32
      %dma_start3A_70 = tpu.memref_slice %arg5[%add3A_67, %dma_start3A_69] : memref<80x125xi32, #tpu.memory_space<vmem>> -> memref<1x125xi32, #tpu.memory_space<vmem>>
      %dma_start3A_71 = tpu.memref_squeeze %dma_start3A_70 : memref<1x125xi32, #tpu.memory_space<vmem>> -> memref<125xi32, #tpu.memory_space<vmem>>
      %dma_start3A_72 = arith.constant 0 : i32
      %dma_start3A_73 = arith.constant 0 : i32
      %dma_start3A_74 = tpu.memref_slice %arg9[%dma_start3A_72, %dma_start3A_73] : memref<10112x16xf32, #tpu.memory_space<vmem_shared>> -> memref<10112x16xf32, #tpu.memory_space<vmem_shared>>
      %dma_start3A_75 = tpu.memref_slice %arg11[%dma_start3A_68] : memref<5x!tpu.dma_semaphore, #tpu.memory_space<semaphore_mem>> -> memref<1x!tpu.dma_semaphore, #tpu.memory_space<semaphore_mem>>
      %dma_start3A_76 = tpu.memref_squeeze %dma_start3A_75 : memref<1x!tpu.dma_semaphore, #tpu.memory_space<semaphore_mem>> -> memref<!tpu.dma_semaphore, #tpu.memory_space<semaphore_mem>>
      tpu.enqueue_indirect_dma source(%arg7 : memref<125x16xf32, #tpu.memory_space<vmem>>) target(%dma_start3A_74 : memref<10112x16xf32, #tpu.memory_space<vmem_shared>>) offsets(%dma_start3A_71 : memref<125xi32, #tpu.memory_space<vmem>>) semaphore(%dma_start3A_76 : memref<!tpu.dma_semaphore, #tpu.memory_space<semaphore_mem>>) {add = true}
      %add3A_77 = arith.constant 1 : i32
      %add3A_78 = arith.addi %mul3A_44, %add3A_77 : i32
      %dma_start3A_79 = arith.constant 1 : i32
      %dma_start3A_80 = arith.constant 0 : i32
      %dma_start3A_81 = tpu.memref_slice %arg6[%add3A_78, %dma_start3A_80] : memref<80x125xi32, #tpu.memory_space<vmem>> -> memref<1x125xi32, #tpu.memory_space<vmem>>
      %dma_start3A_82 = tpu.memref_squeeze %dma_start3A_81 : memref<1x125xi32, #tpu.memory_space<vmem>> -> memref<125xi32, #tpu.memory_space<vmem>>
      %dma_start3A_83 = arith.constant 0 : i32
      %dma_start3A_84 = arith.constant 0 : i32
      %dma_start3A_85 = tpu.memref_slice %arg10[%dma_start3A_83, %dma_start3A_84] : memref<10112x16xf32, #tpu.memory_space<vmem_shared>> -> memref<10112x16xf32, #tpu.memory_space<vmem_shared>>
      %dma_start3A_86 = tpu.memref_slice %arg12[%dma_start3A_79] : memref<5x!tpu.dma_semaphore, #tpu.memory_space<semaphore_mem>> -> memref<1x!tpu.dma_semaphore, #tpu.memory_space<semaphore_mem>>
      %dma_start3A_87 = tpu.memref_squeeze %dma_start3A_86 : memref<1x!tpu.dma_semaphore, #tpu.memory_space<semaphore_mem>> -> memref<!tpu.dma_semaphore, #tpu.memory_space<semaphore_mem>>
      tpu.enqueue_indirect_dma source(%arg7 : memref<125x16xf32, #tpu.memory_space<vmem>>) target(%dma_start3A_85 : memref<10112x16xf32, #tpu.memory_space<vmem_shared>>) offsets(%dma_start3A_82 : memref<125xi32, #tpu.memory_space<vmem>>) semaphore(%dma_start3A_87 : memref<!tpu.dma_semaphore, #tpu.memory_space<semaphore_mem>>) {add = true}
      %add3A_88 = arith.constant 2 : i32
      %add3A_89 = arith.addi %mul3A_44, %add3A_88 : i32
      %dma_start3A_90 = arith.constant 2 : i32
      %dma_start3A_91 = arith.constant 0 : i32
      %dma_start3A_92 = tpu.memref_slice %arg5[%add3A_89, %dma_start3A_91] : memref<80x125xi32, #tpu.memory_space<vmem>> -> memref<1x125xi32, #tpu.memory_space<vmem>>
      %dma_start3A_93 = tpu.memref_squeeze %dma_start3A_92 : memref<1x125xi32, #tpu.memory_space<vmem>> -> memref<125xi32, #tpu.memory_space<vmem>>
      %dma_start3A_94 = arith.constant 0 : i32
      %dma_start3A_95 = arith.constant 0 : i32
      %dma_start3A_96 = tpu.memref_slice %arg9[%dma_start3A_94, %dma_start3A_95] : memref<10112x16xf32, #tpu.memory_space<vmem_shared>> -> memref<10112x16xf32, #tpu.memory_space<vmem_shared>>
      %dma_start3A_97 = tpu.memref_slice %arg11[%dma_start3A_90] : memref<5x!tpu.dma_semaphore, #tpu.memory_space<semaphore_mem>> -> memref<1x!tpu.dma_semaphore, #tpu.memory_space<semaphore_mem>>
      %dma_start3A_98 = tpu.memref_squeeze %dma_start3A_97 : memref<1x!tpu.dma_semaphore, #tpu.memory_space<semaphore_mem>> -> memref<!tpu.dma_semaphore, #tpu.memory_space<semaphore_mem>>
      tpu.enqueue_indirect_dma source(%arg7 : memref<125x16xf32, #tpu.memory_space<vmem>>) target(%dma_start3A_96 : memref<10112x16xf32, #tpu.memory_space<vmem_shared>>) offsets(%dma_start3A_93 : memref<125xi32, #tpu.memory_space<vmem>>) semaphore(%dma_start3A_98 : memref<!tpu.dma_semaphore, #tpu.memory_space<semaphore_mem>>) {add = true}
      %add3A_99 = arith.constant 2 : i32
      %add3A_100 = arith.addi %mul3A_44, %add3A_99 : i32
      %dma_start3A_101 = arith.constant 2 : i32
      %dma_start3A_102 = arith.constant 0 : i32
      %dma_start3A_103 = tpu.memref_slice %arg6[%add3A_100, %dma_start3A_102] : memref<80x125xi32, #tpu.memory_space<vmem>> -> memref<1x125xi32, #tpu.memory_space<vmem>>
      %dma_start3A_104 = tpu.memref_squeeze %dma_start3A_103 : memref<1x125xi32, #tpu.memory_space<vmem>> -> memref<125xi32, #tpu.memory_space<vmem>>
      %dma_start3A_105 = arith.constant 0 : i32
      %dma_start3A_106 = arith.constant 0 : i32
      %dma_start3A_107 = tpu.memref_slice %arg10[%dma_start3A_105, %dma_start3A_106] : memref<10112x16xf32, #tpu.memory_space<vmem_shared>> -> memref<10112x16xf32, #tpu.memory_space<vmem_shared>>
      %dma_start3A_108 = tpu.memref_slice %arg12[%dma_start3A_101] : memref<5x!tpu.dma_semaphore, #tpu.memory_space<semaphore_mem>> -> memref<1x!tpu.dma_semaphore, #tpu.memory_space<semaphore_mem>>
      %dma_start3A_109 = tpu.memref_squeeze %dma_start3A_108 : memref<1x!tpu.dma_semaphore, #tpu.memory_space<semaphore_mem>> -> memref<!tpu.dma_semaphore, #tpu.memory_space<semaphore_mem>>
      tpu.enqueue_indirect_dma source(%arg7 : memref<125x16xf32, #tpu.memory_space<vmem>>) target(%dma_start3A_107 : memref<10112x16xf32, #tpu.memory_space<vmem_shared>>) offsets(%dma_start3A_104 : memref<125xi32, #tpu.memory_space<vmem>>) semaphore(%dma_start3A_109 : memref<!tpu.dma_semaphore, #tpu.memory_space<semaphore_mem>>) {add = true}
      %add3A_110 = arith.constant 3 : i32
      %add3A_111 = arith.addi %mul3A_44, %add3A_110 : i32
      %dma_start3A_112 = arith.constant 3 : i32
      %dma_start3A_113 = arith.constant 0 : i32
      %dma_start3A_114 = tpu.memref_slice %arg5[%add3A_111, %dma_start3A_113] : memref<80x125xi32, #tpu.memory_space<vmem>> -> memref<1x125xi32, #tpu.memory_space<vmem>>
      %dma_start3A_115 = tpu.memref_squeeze %dma_start3A_114 : memref<1x125xi32, #tpu.memory_space<vmem>> -> memref<125xi32, #tpu.memory_space<vmem>>
      %dma_start3A_116 = arith.constant 0 : i32
      %dma_start3A_117 = arith.constant 0 : i32
      %dma_start3A_118 = tpu.memref_slice %arg9[%dma_start3A_116, %dma_start3A_117] : memref<10112x16xf32, #tpu.memory_space<vmem_shared>> -> memref<10112x16xf32, #tpu.memory_space<vmem_shared>>
      %dma_start3A_119 = tpu.memref_slice %arg11[%dma_start3A_112] : memref<5x!tpu.dma_semaphore, #tpu.memory_space<semaphore_mem>> -> memref<1x!tpu.dma_semaphore, #tpu.memory_space<semaphore_mem>>
      %dma_start3A_120 = tpu.memref_squeeze %dma_start3A_119 : memref<1x!tpu.dma_semaphore, #tpu.memory_space<semaphore_mem>> -> memref<!tpu.dma_semaphore, #tpu.memory_space<semaphore_mem>>
      tpu.enqueue_indirect_dma source(%arg7 : memref<125x16xf32, #tpu.memory_space<vmem>>) target(%dma_start3A_118 : memref<10112x16xf32, #tpu.memory_space<vmem_shared>>) offsets(%dma_start3A_115 : memref<125xi32, #tpu.memory_space<vmem>>) semaphore(%dma_start3A_120 : memref<!tpu.dma_semaphore, #tpu.memory_space<semaphore_mem>>) {add = true}
      %add3A_121 = arith.constant 3 : i32
      %add3A_122 = arith.addi %mul3A_44, %add3A_121 : i32
      %dma_start3A_123 = arith.constant 3 : i32
      %dma_start3A_124 = arith.constant 0 : i32
      %dma_start3A_125 = tpu.memref_slice %arg6[%add3A_122, %dma_start3A_124] : memref<80x125xi32, #tpu.memory_space<vmem>> -> memref<1x125xi32, #tpu.memory_space<vmem>>
      %dma_start3A_126 = tpu.memref_squeeze %dma_start3A_125 : memref<1x125xi32, #tpu.memory_space<vmem>> -> memref<125xi32, #tpu.memory_space<vmem>>
      %dma_start3A_127 = arith.constant 0 : i32
      %dma_start3A_128 = arith.constant 0 : i32
      %dma_start3A_129 = tpu.memref_slice %arg10[%dma_start3A_127, %dma_start3A_128] : memref<10112x16xf32, #tpu.memory_space<vmem_shared>> -> memref<10112x16xf32, #tpu.memory_space<vmem_shared>>
      %dma_start3A_130 = tpu.memref_slice %arg12[%dma_start3A_123] : memref<5x!tpu.dma_semaphore, #tpu.memory_space<semaphore_mem>> -> memref<1x!tpu.dma_semaphore, #tpu.memory_space<semaphore_mem>>
      %dma_start3A_131 = tpu.memref_squeeze %dma_start3A_130 : memref<1x!tpu.dma_semaphore, #tpu.memory_space<semaphore_mem>> -> memref<!tpu.dma_semaphore, #tpu.memory_space<semaphore_mem>>
      tpu.enqueue_indirect_dma source(%arg7 : memref<125x16xf32, #tpu.memory_space<vmem>>) target(%dma_start3A_129 : memref<10112x16xf32, #tpu.memory_space<vmem_shared>>) offsets(%dma_start3A_126 : memref<125xi32, #tpu.memory_space<vmem>>) semaphore(%dma_start3A_131 : memref<!tpu.dma_semaphore, #tpu.memory_space<semaphore_mem>>) {add = true}
      %add3A_132 = arith.constant 4 : i32
      %add3A_133 = arith.addi %mul3A_44, %add3A_132 : i32
      %dma_start3A_134 = arith.constant 4 : i32
      %dma_start3A_135 = arith.constant 0 : i32
      %dma_start3A_136 = tpu.memref_slice %arg5[%add3A_133, %dma_start3A_135] : memref<80x125xi32, #tpu.memory_space<vmem>> -> memref<1x125xi32, #tpu.memory_space<vmem>>
      %dma_start3A_137 = tpu.memref_squeeze %dma_start3A_136 : memref<1x125xi32, #tpu.memory_space<vmem>> -> memref<125xi32, #tpu.memory_space<vmem>>
      %dma_start3A_138 = arith.constant 0 : i32
      %dma_start3A_139 = arith.constant 0 : i32
      %dma_start3A_140 = tpu.memref_slice %arg9[%dma_start3A_138, %dma_start3A_139] : memref<10112x16xf32, #tpu.memory_space<vmem_shared>> -> memref<10112x16xf32, #tpu.memory_space<vmem_shared>>
      %dma_start3A_141 = tpu.memref_slice %arg11[%dma_start3A_134] : memref<5x!tpu.dma_semaphore, #tpu.memory_space<semaphore_mem>> -> memref<1x!tpu.dma_semaphore, #tpu.memory_space<semaphore_mem>>
      %dma_start3A_142 = tpu.memref_squeeze %dma_start3A_141 : memref<1x!tpu.dma_semaphore, #tpu.memory_space<semaphore_mem>> -> memref<!tpu.dma_semaphore, #tpu.memory_space<semaphore_mem>>
      tpu.enqueue_indirect_dma source(%arg7 : memref<125x16xf32, #tpu.memory_space<vmem>>) target(%dma_start3A_140 : memref<10112x16xf32, #tpu.memory_space<vmem_shared>>) offsets(%dma_start3A_137 : memref<125xi32, #tpu.memory_space<vmem>>) semaphore(%dma_start3A_142 : memref<!tpu.dma_semaphore, #tpu.memory_space<semaphore_mem>>) {add = true}
      %add3A_143 = arith.constant 4 : i32
      %add3A_144 = arith.addi %mul3A_44, %add3A_143 : i32
      %dma_start3A_145 = arith.constant 4 : i32
      %dma_start3A_146 = arith.constant 0 : i32
      %dma_start3A_147 = tpu.memref_slice %arg6[%add3A_144, %dma_start3A_146] : memref<80x125xi32, #tpu.memory_space<vmem>> -> memref<1x125xi32, #tpu.memory_space<vmem>>
      %dma_start3A_148 = tpu.memref_squeeze %dma_start3A_147 : memref<1x125xi32, #tpu.memory_space<vmem>> -> memref<125xi32, #tpu.memory_space<vmem>>
      %dma_start3A_149 = arith.constant 0 : i32
      %dma_start3A_150 = arith.constant 0 : i32
      %dma_start3A_151 = tpu.memref_slice %arg10[%dma_start3A_149, %dma_start3A_150] : memref<10112x16xf32, #tpu.memory_space<vmem_shared>> -> memref<10112x16xf32, #tpu.memory_space<vmem_shared>>
      %dma_start3A_152 = tpu.memref_slice %arg12[%dma_start3A_145] : memref<5x!tpu.dma_semaphore, #tpu.memory_space<semaphore_mem>> -> memref<1x!tpu.dma_semaphore, #tpu.memory_space<semaphore_mem>>
      %dma_start3A_153 = tpu.memref_squeeze %dma_start3A_152 : memref<1x!tpu.dma_semaphore, #tpu.memory_space<semaphore_mem>> -> memref<!tpu.dma_semaphore, #tpu.memory_space<semaphore_mem>>
      tpu.enqueue_indirect_dma source(%arg7 : memref<125x16xf32, #tpu.memory_space<vmem>>) target(%dma_start3A_151 : memref<10112x16xf32, #tpu.memory_space<vmem_shared>>) offsets(%dma_start3A_148 : memref<125xi32, #tpu.memory_space<vmem>>) semaphore(%dma_start3A_153 : memref<!tpu.dma_semaphore, #tpu.memory_space<semaphore_mem>>) {add = true}
      %dma_wait3A = arith.constant 0 : i32
      %dma_wait3A_154 = arith.constant 0 : i32
      %dma_wait3A_155 = tpu.memref_slice %arg5[%add3A_46, %dma_wait3A_154] : memref<80x125xi32, #tpu.memory_space<vmem>> -> memref<1x125xi32, #tpu.memory_space<vmem>>
      %dma_wait3A_156 = tpu.memref_squeeze %dma_wait3A_155 : memref<1x125xi32, #tpu.memory_space<vmem>> -> memref<125xi32, #tpu.memory_space<vmem>>
      %dma_wait3A_157 = arith.constant 0 : i32
      %dma_wait3A_158 = arith.constant 0 : i32
      %dma_wait3A_159 = tpu.memref_slice %arg9[%dma_wait3A_157, %dma_wait3A_158] : memref<10112x16xf32, #tpu.memory_space<vmem_shared>> -> memref<10112x16xf32, #tpu.memory_space<vmem_shared>>
      %dma_wait3A_160 = tpu.memref_slice %arg11[%dma_wait3A] : memref<5x!tpu.dma_semaphore, #tpu.memory_space<semaphore_mem>> -> memref<1x!tpu.dma_semaphore, #tpu.memory_space<semaphore_mem>>
      %dma_wait3A_161 = tpu.memref_squeeze %dma_wait3A_160 : memref<1x!tpu.dma_semaphore, #tpu.memory_space<semaphore_mem>> -> memref<!tpu.dma_semaphore, #tpu.memory_space<semaphore_mem>>
      tpu.wait_indirect_dma semaphore(%dma_wait3A_161 : memref<!tpu.dma_semaphore, #tpu.memory_space<semaphore_mem>>) src(%arg7 : memref<125x16xf32, #tpu.memory_space<vmem>>) dst(%dma_wait3A_159 : memref<10112x16xf32, #tpu.memory_space<vmem_shared>>)
      %dma_wait3A_162 = arith.constant 0 : i32
      %dma_wait3A_163 = arith.constant 0 : i32
      %dma_wait3A_164 = tpu.memref_slice %arg6[%add3A_56, %dma_wait3A_163] : memref<80x125xi32, #tpu.memory_space<vmem>> -> memref<1x125xi32, #tpu.memory_space<vmem>>
      %dma_wait3A_165 = tpu.memref_squeeze %dma_wait3A_164 : memref<1x125xi32, #tpu.memory_space<vmem>> -> memref<125xi32, #tpu.memory_space<vmem>>
      %dma_wait3A_166 = arith.constant 0 : i32
      %dma_wait3A_167 = arith.constant 0 : i32
      %dma_wait3A_168 = tpu.memref_slice %arg10[%dma_wait3A_166, %dma_wait3A_167] : memref<10112x16xf32, #tpu.memory_space<vmem_shared>> -> memref<10112x16xf32, #tpu.memory_space<vmem_shared>>
      %dma_wait3A_169 = tpu.memref_slice %arg12[%dma_wait3A_162] : memref<5x!tpu.dma_semaphore, #tpu.memory_space<semaphore_mem>> -> memref<1x!tpu.dma_semaphore, #tpu.memory_space<semaphore_mem>>
      %dma_wait3A_170 = tpu.memref_squeeze %dma_wait3A_169 : memref<1x!tpu.dma_semaphore, #tpu.memory_space<semaphore_mem>> -> memref<!tpu.dma_semaphore, #tpu.memory_space<semaphore_mem>>
      tpu.wait_indirect_dma semaphore(%dma_wait3A_170 : memref<!tpu.dma_semaphore, #tpu.memory_space<semaphore_mem>>) src(%arg7 : memref<125x16xf32, #tpu.memory_space<vmem>>) dst(%dma_wait3A_168 : memref<10112x16xf32, #tpu.memory_space<vmem_shared>>)
      %dma_wait3A_171 = arith.constant 1 : i32
      %dma_wait3A_172 = arith.constant 0 : i32
      %dma_wait3A_173 = tpu.memref_slice %arg5[%add3A_67, %dma_wait3A_172] : memref<80x125xi32, #tpu.memory_space<vmem>> -> memref<1x125xi32, #tpu.memory_space<vmem>>
      %dma_wait3A_174 = tpu.memref_squeeze %dma_wait3A_173 : memref<1x125xi32, #tpu.memory_space<vmem>> -> memref<125xi32, #tpu.memory_space<vmem>>
      %dma_wait3A_175 = arith.constant 0 : i32
      %dma_wait3A_176 = arith.constant 0 : i32
      %dma_wait3A_177 = tpu.memref_slice %arg9[%dma_wait3A_175, %dma_wait3A_176] : memref<10112x16xf32, #tpu.memory_space<vmem_shared>> -> memref<10112x16xf32, #tpu.memory_space<vmem_shared>>
      %dma_wait3A_178 = tpu.memref_slice %arg11[%dma_wait3A_171] : memref<5x!tpu.dma_semaphore, #tpu.memory_space<semaphore_mem>> -> memref<1x!tpu.dma_semaphore, #tpu.memory_space<semaphore_mem>>
      %dma_wait3A_179 = tpu.memref_squeeze %dma_wait3A_178 : memref<1x!tpu.dma_semaphore, #tpu.memory_space<semaphore_mem>> -> memref<!tpu.dma_semaphore, #tpu.memory_space<semaphore_mem>>
      tpu.wait_indirect_dma semaphore(%dma_wait3A_179 : memref<!tpu.dma_semaphore, #tpu.memory_space<semaphore_mem>>) src(%arg7 : memref<125x16xf32, #tpu.memory_space<vmem>>) dst(%dma_wait3A_177 : memref<10112x16xf32, #tpu.memory_space<vmem_shared>>)
      %dma_wait3A_180 = arith.constant 1 : i32
      %dma_wait3A_181 = arith.constant 0 : i32
      %dma_wait3A_182 = tpu.memref_slice %arg6[%add3A_78, %dma_wait3A_181] : memref<80x125xi32, #tpu.memory_space<vmem>> -> memref<1x125xi32, #tpu.memory_space<vmem>>
      %dma_wait3A_183 = tpu.memref_squeeze %dma_wait3A_182 : memref<1x125xi32, #tpu.memory_space<vmem>> -> memref<125xi32, #tpu.memory_space<vmem>>
      %dma_wait3A_184 = arith.constant 0 : i32
      %dma_wait3A_185 = arith.constant 0 : i32
      %dma_wait3A_186 = tpu.memref_slice %arg10[%dma_wait3A_184, %dma_wait3A_185] : memref<10112x16xf32, #tpu.memory_space<vmem_shared>> -> memref<10112x16xf32, #tpu.memory_space<vmem_shared>>
      %dma_wait3A_187 = tpu.memref_slice %arg12[%dma_wait3A_180] : memref<5x!tpu.dma_semaphore, #tpu.memory_space<semaphore_mem>> -> memref<1x!tpu.dma_semaphore, #tpu.memory_space<semaphore_mem>>
      %dma_wait3A_188 = tpu.memref_squeeze %dma_wait3A_187 : memref<1x!tpu.dma_semaphore, #tpu.memory_space<semaphore_mem>> -> memref<!tpu.dma_semaphore, #tpu.memory_space<semaphore_mem>>
      tpu.wait_indirect_dma semaphore(%dma_wait3A_188 : memref<!tpu.dma_semaphore, #tpu.memory_space<semaphore_mem>>) src(%arg7 : memref<125x16xf32, #tpu.memory_space<vmem>>) dst(%dma_wait3A_186 : memref<10112x16xf32, #tpu.memory_space<vmem_shared>>)
      %dma_wait3A_189 = arith.constant 2 : i32
      %dma_wait3A_190 = arith.constant 0 : i32
      %dma_wait3A_191 = tpu.memref_slice %arg5[%add3A_89, %dma_wait3A_190] : memref<80x125xi32, #tpu.memory_space<vmem>> -> memref<1x125xi32, #tpu.memory_space<vmem>>
      %dma_wait3A_192 = tpu.memref_squeeze %dma_wait3A_191 : memref<1x125xi32, #tpu.memory_space<vmem>> -> memref<125xi32, #tpu.memory_space<vmem>>
      %dma_wait3A_193 = arith.constant 0 : i32
      %dma_wait3A_194 = arith.constant 0 : i32
      %dma_wait3A_195 = tpu.memref_slice %arg9[%dma_wait3A_193, %dma_wait3A_194] : memref<10112x16xf32, #tpu.memory_space<vmem_shared>> -> memref<10112x16xf32, #tpu.memory_space<vmem_shared>>
      %dma_wait3A_196 = tpu.memref_slice %arg11[%dma_wait3A_189] : memref<5x!tpu.dma_semaphore, #tpu.memory_space<semaphore_mem>> -> memref<1x!tpu.dma_semaphore, #tpu.memory_space<semaphore_mem>>
      %dma_wait3A_197 = tpu.memref_squeeze %dma_wait3A_196 : memref<1x!tpu.dma_semaphore, #tpu.memory_space<semaphore_mem>> -> memref<!tpu.dma_semaphore, #tpu.memory_space<semaphore_mem>>
      tpu.wait_indirect_dma semaphore(%dma_wait3A_197 : memref<!tpu.dma_semaphore, #tpu.memory_space<semaphore_mem>>) src(%arg7 : memref<125x16xf32, #tpu.memory_space<vmem>>) dst(%dma_wait3A_195 : memref<10112x16xf32, #tpu.memory_space<vmem_shared>>)
      %dma_wait3A_198 = arith.constant 2 : i32
      %dma_wait3A_199 = arith.constant 0 : i32
      %dma_wait3A_200 = tpu.memref_slice %arg6[%add3A_100, %dma_wait3A_199] : memref<80x125xi32, #tpu.memory_space<vmem>> -> memref<1x125xi32, #tpu.memory_space<vmem>>
      %dma_wait3A_201 = tpu.memref_squeeze %dma_wait3A_200 : memref<1x125xi32, #tpu.memory_space<vmem>> -> memref<125xi32, #tpu.memory_space<vmem>>
      %dma_wait3A_202 = arith.constant 0 : i32
      %dma_wait3A_203 = arith.constant 0 : i32
      %dma_wait3A_204 = tpu.memref_slice %arg10[%dma_wait3A_202, %dma_wait3A_203] : memref<10112x16xf32, #tpu.memory_space<vmem_shared>> -> memref<10112x16xf32, #tpu.memory_space<vmem_shared>>
      %dma_wait3A_205 = tpu.memref_slice %arg12[%dma_wait3A_198] : memref<5x!tpu.dma_semaphore, #tpu.memory_space<semaphore_mem>> -> memref<1x!tpu.dma_semaphore, #tpu.memory_space<semaphore_mem>>
      %dma_wait3A_206 = tpu.memref_squeeze %dma_wait3A_205 : memref<1x!tpu.dma_semaphore, #tpu.memory_space<semaphore_mem>> -> memref<!tpu.dma_semaphore, #tpu.memory_space<semaphore_mem>>
      tpu.wait_indirect_dma semaphore(%dma_wait3A_206 : memref<!tpu.dma_semaphore, #tpu.memory_space<semaphore_mem>>) src(%arg7 : memref<125x16xf32, #tpu.memory_space<vmem>>) dst(%dma_wait3A_204 : memref<10112x16xf32, #tpu.memory_space<vmem_shared>>)
      %dma_wait3A_207 = arith.constant 3 : i32
      %dma_wait3A_208 = arith.constant 0 : i32
      %dma_wait3A_209 = tpu.memref_slice %arg5[%add3A_111, %dma_wait3A_208] : memref<80x125xi32, #tpu.memory_space<vmem>> -> memref<1x125xi32, #tpu.memory_space<vmem>>
      %dma_wait3A_210 = tpu.memref_squeeze %dma_wait3A_209 : memref<1x125xi32, #tpu.memory_space<vmem>> -> memref<125xi32, #tpu.memory_space<vmem>>
      %dma_wait3A_211 = arith.constant 0 : i32
      %dma_wait3A_212 = arith.constant 0 : i32
      %dma_wait3A_213 = tpu.memref_slice %arg9[%dma_wait3A_211, %dma_wait3A_212] : memref<10112x16xf32, #tpu.memory_space<vmem_shared>> -> memref<10112x16xf32, #tpu.memory_space<vmem_shared>>
      %dma_wait3A_214 = tpu.memref_slice %arg11[%dma_wait3A_207] : memref<5x!tpu.dma_semaphore, #tpu.memory_space<semaphore_mem>> -> memref<1x!tpu.dma_semaphore, #tpu.memory_space<semaphore_mem>>
      %dma_wait3A_215 = tpu.memref_squeeze %dma_wait3A_214 : memref<1x!tpu.dma_semaphore, #tpu.memory_space<semaphore_mem>> -> memref<!tpu.dma_semaphore, #tpu.memory_space<semaphore_mem>>
      tpu.wait_indirect_dma semaphore(%dma_wait3A_215 : memref<!tpu.dma_semaphore, #tpu.memory_space<semaphore_mem>>) src(%arg7 : memref<125x16xf32, #tpu.memory_space<vmem>>) dst(%dma_wait3A_213 : memref<10112x16xf32, #tpu.memory_space<vmem_shared>>)
      %dma_wait3A_216 = arith.constant 3 : i32
      %dma_wait3A_217 = arith.constant 0 : i32
      %dma_wait3A_218 = tpu.memref_slice %arg6[%add3A_122, %dma_wait3A_217] : memref<80x125xi32, #tpu.memory_space<vmem>> -> memref<1x125xi32, #tpu.memory_space<vmem>>
      %dma_wait3A_219 = tpu.memref_squeeze %dma_wait3A_218 : memref<1x125xi32, #tpu.memory_space<vmem>> -> memref<125xi32, #tpu.memory_space<vmem>>
      %dma_wait3A_220 = arith.constant 0 : i32
      %dma_wait3A_221 = arith.constant 0 : i32
      %dma_wait3A_222 = tpu.memref_slice %arg10[%dma_wait3A_220, %dma_wait3A_221] : memref<10112x16xf32, #tpu.memory_space<vmem_shared>> -> memref<10112x16xf32, #tpu.memory_space<vmem_shared>>
      %dma_wait3A_223 = tpu.memref_slice %arg12[%dma_wait3A_216] : memref<5x!tpu.dma_semaphore, #tpu.memory_space<semaphore_mem>> -> memref<1x!tpu.dma_semaphore, #tpu.memory_space<semaphore_mem>>
      %dma_wait3A_224 = tpu.memref_squeeze %dma_wait3A_223 : memref<1x!tpu.dma_semaphore, #tpu.memory_space<semaphore_mem>> -> memref<!tpu.dma_semaphore, #tpu.memory_space<semaphore_mem>>
      tpu.wait_indirect_dma semaphore(%dma_wait3A_224 : memref<!tpu.dma_semaphore, #tpu.memory_space<semaphore_mem>>) src(%arg7 : memref<125x16xf32, #tpu.memory_space<vmem>>) dst(%dma_wait3A_222 : memref<10112x16xf32, #tpu.memory_space<vmem_shared>>)
      %dma_wait3A_225 = arith.constant 4 : i32
      %dma_wait3A_226 = arith.constant 0 : i32
      %dma_wait3A_227 = tpu.memref_slice %arg5[%add3A_133, %dma_wait3A_226] : memref<80x125xi32, #tpu.memory_space<vmem>> -> memref<1x125xi32, #tpu.memory_space<vmem>>
      %dma_wait3A_228 = tpu.memref_squeeze %dma_wait3A_227 : memref<1x125xi32, #tpu.memory_space<vmem>> -> memref<125xi32, #tpu.memory_space<vmem>>
      %dma_wait3A_229 = arith.constant 0 : i32
      %dma_wait3A_230 = arith.constant 0 : i32
      %dma_wait3A_231 = tpu.memref_slice %arg9[%dma_wait3A_229, %dma_wait3A_230] : memref<10112x16xf32, #tpu.memory_space<vmem_shared>> -> memref<10112x16xf32, #tpu.memory_space<vmem_shared>>
      %dma_wait3A_232 = tpu.memref_slice %arg11[%dma_wait3A_225] : memref<5x!tpu.dma_semaphore, #tpu.memory_space<semaphore_mem>> -> memref<1x!tpu.dma_semaphore, #tpu.memory_space<semaphore_mem>>
      %dma_wait3A_233 = tpu.memref_squeeze %dma_wait3A_232 : memref<1x!tpu.dma_semaphore, #tpu.memory_space<semaphore_mem>> -> memref<!tpu.dma_semaphore, #tpu.memory_space<semaphore_mem>>
      tpu.wait_indirect_dma semaphore(%dma_wait3A_233 : memref<!tpu.dma_semaphore, #tpu.memory_space<semaphore_mem>>) src(%arg7 : memref<125x16xf32, #tpu.memory_space<vmem>>) dst(%dma_wait3A_231 : memref<10112x16xf32, #tpu.memory_space<vmem_shared>>)
      %dma_wait3A_234 = arith.constant 4 : i32
      %dma_wait3A_235 = arith.constant 0 : i32
      %dma_wait3A_236 = tpu.memref_slice %arg6[%add3A_144, %dma_wait3A_235] : memref<80x125xi32, #tpu.memory_space<vmem>> -> memref<1x125xi32, #tpu.memory_space<vmem>>
      %dma_wait3A_237 = tpu.memref_squeeze %dma_wait3A_236 : memref<1x125xi32, #tpu.memory_space<vmem>> -> memref<125xi32, #tpu.memory_space<vmem>>
      %dma_wait3A_238 = arith.constant 0 : i32
      %dma_wait3A_239 = arith.constant 0 : i32
      %dma_wait3A_240 = tpu.memref_slice %arg10[%dma_wait3A_238, %dma_wait3A_239] : memref<10112x16xf32, #tpu.memory_space<vmem_shared>> -> memref<10112x16xf32, #tpu.memory_space<vmem_shared>>
      %dma_wait3A_241 = tpu.memref_slice %arg12[%dma_wait3A_234] : memref<5x!tpu.dma_semaphore, #tpu.memory_space<semaphore_mem>> -> memref<1x!tpu.dma_semaphore, #tpu.memory_space<semaphore_mem>>
      %dma_wait3A_242 = tpu.memref_squeeze %dma_wait3A_241 : memref<1x!tpu.dma_semaphore, #tpu.memory_space<semaphore_mem>> -> memref<!tpu.dma_semaphore, #tpu.memory_space<semaphore_mem>>
      tpu.wait_indirect_dma semaphore(%dma_wait3A_242 : memref<!tpu.dma_semaphore, #tpu.memory_space<semaphore_mem>>) src(%arg7 : memref<125x16xf32, #tpu.memory_space<vmem>>) dst(%dma_wait3A_240 : memref<10112x16xf32, #tpu.memory_space<vmem_shared>>)
      %scan3A_243 = arith.constant 0 : i32
      scf.yield %scan3A_243 : i32
    }
    %scan3A_30 = arith.constant 16 : i32
    %barrier3A_31 = arith.constant 0 : index
    tpu.barrier barrier_id(%barrier3A_31)
    %mul3A_32 = arith.constant 632 : i32
    %mul3A_33 = arith.muli %arg1, %mul3A_32 : i32
    %mul3A_34 = arith.constant 632 : i32
    %mul3A_35 = arith.muli %arg1, %mul3A_34 : i32
    %run_scoped3A = arith.constant 0 : i32
    "tpu.region"() ({
      %run_scoped3A_41 = tpu.sem_alloc : memref<!tpu.dma_semaphore, #tpu.memory_space<semaphore_mem>>
      %dma_start3A = arith.constant 0 : i32
      %dma_start3A_42 = tpu.memref_slice %arg4[%arg0, %run_scoped3A, %mul3A_35, %dma_start3A] : memref<2x2x10112x16xf32, #tpu.memory_space<hbm>> -> memref<1x1x632x16xf32, #tpu.memory_space<hbm>>
      %dma_start3A_43 = tpu.memref_squeeze %dma_start3A_42 : memref<1x1x632x16xf32, #tpu.memory_space<hbm>> -> memref<632x16xf32, #tpu.memory_space<hbm>>
      %dma_start3A_44 = arith.constant 0 : i32
      %dma_start3A_45 = tpu.memref_slice %arg9[%mul3A_33, %dma_start3A_44] : memref<10112x16xf32, #tpu.memory_space<vmem_shared>> -> memref<632x16xf32, #tpu.memory_space<vmem_shared>>
      tpu.enqueue_dma source(%dma_start3A_45 : memref<632x16xf32, #tpu.memory_space<vmem_shared>>) target(%dma_start3A_43 : memref<632x16xf32, #tpu.memory_space<hbm>>) target_semaphore(%run_scoped3A_41 : memref<!tpu.dma_semaphore, #tpu.memory_space<semaphore_mem>>)
      %dma_wait3A = arith.constant 0 : i32
      %dma_wait3A_46 = tpu.memref_slice %arg4[%arg0, %run_scoped3A, %mul3A_35, %dma_wait3A] : memref<2x2x10112x16xf32, #tpu.memory_space<hbm>> -> memref<1x1x632x16xf32, #tpu.memory_space<hbm>>
      %dma_wait3A_47 = tpu.memref_squeeze %dma_wait3A_46 : memref<1x1x632x16xf32, #tpu.memory_space<hbm>> -> memref<632x16xf32, #tpu.memory_space<hbm>>
      %dma_wait3A_48 = arith.constant 0 : i32
      %dma_wait3A_49 = tpu.memref_slice %arg9[%mul3A_33, %dma_wait3A_48] : memref<10112x16xf32, #tpu.memory_space<vmem_shared>> -> memref<632x16xf32, #tpu.memory_space<vmem_shared>>
      tpu.wait_dma2 semaphore(%run_scoped3A_41 : memref<!tpu.dma_semaphore, #tpu.memory_space<semaphore_mem>>) src(%dma_wait3A_49 : memref<632x16xf32, #tpu.memory_space<vmem_shared>>) dst(%dma_wait3A_47 : memref<632x16xf32, #tpu.memory_space<hbm>>)
      tpu.yield
    }) : () -> ()
    %mul3A_36 = arith.constant 632 : i32
    %mul3A_37 = arith.muli %arg1, %mul3A_36 : i32
    %mul3A_38 = arith.constant 632 : i32
    %mul3A_39 = arith.muli %arg1, %mul3A_38 : i32
    %run_scoped3A_40 = arith.constant 1 : i32
    "tpu.region"() ({
      %run_scoped3A_41 = tpu.sem_alloc : memref<!tpu.dma_semaphore, #tpu.memory_space<semaphore_mem>>
      %dma_start3A = arith.constant 0 : i32
      %dma_start3A_42 = tpu.memref_slice %arg4[%arg0, %run_scoped3A_40, %mul3A_39, %dma_start3A] : memref<2x2x10112x16xf32, #tpu.memory_space<hbm>> -> memref<1x1x632x16xf32, #tpu.memory_space<hbm>>
      %dma_start3A_43 = tpu.memref_squeeze %dma_start3A_42 : memref<1x1x632x16xf32, #tpu.memory_space<hbm>> -> memref<632x16xf32, #tpu.memory_space<hbm>>
      %dma_start3A_44 = arith.constant 0 : i32
      %dma_start3A_45 = tpu.memref_slice %arg10[%mul3A_37, %dma_start3A_44] : memref<10112x16xf32, #tpu.memory_space<vmem_shared>> -> memref<632x16xf32, #tpu.memory_space<vmem_shared>>
      tpu.enqueue_dma source(%dma_start3A_45 : memref<632x16xf32, #tpu.memory_space<vmem_shared>>) target(%dma_start3A_43 : memref<632x16xf32, #tpu.memory_space<hbm>>) target_semaphore(%run_scoped3A_41 : memref<!tpu.dma_semaphore, #tpu.memory_space<semaphore_mem>>)
      %dma_wait3A = arith.constant 0 : i32
      %dma_wait3A_46 = tpu.memref_slice %arg4[%arg0, %run_scoped3A_40, %mul3A_39, %dma_wait3A] : memref<2x2x10112x16xf32, #tpu.memory_space<hbm>> -> memref<1x1x632x16xf32, #tpu.memory_space<hbm>>
      %dma_wait3A_47 = tpu.memref_squeeze %dma_wait3A_46 : memref<1x1x632x16xf32, #tpu.memory_space<hbm>> -> memref<632x16xf32, #tpu.memory_space<hbm>>
      %dma_wait3A_48 = arith.constant 0 : i32
      %dma_wait3A_49 = tpu.memref_slice %arg10[%mul3A_37, %dma_wait3A_48] : memref<10112x16xf32, #tpu.memory_space<vmem_shared>> -> memref<632x16xf32, #tpu.memory_space<vmem_shared>>
      tpu.wait_dma2 semaphore(%run_scoped3A_41 : memref<!tpu.dma_semaphore, #tpu.memory_space<semaphore_mem>>) src(%dma_wait3A_49 : memref<632x16xf32, #tpu.memory_space<vmem_shared>>) dst(%dma_wait3A_47 : memref<632x16xf32, #tpu.memory_space<hbm>>)
      tpu.yield
    }) : () -> ()
    return
  }
}

#map = affine_map<(d0, d1) -> (0, 0, 0)>
module attributes {stable_mosaic.version = 14 : i64} {
  func.func @_agg_body(%arg0: i32, %arg1: i32, %arg2: memref<2x10000x64xf32, #tpu.memory_space<hbm>>, %arg3: memref<16x160x125xi32, #tpu.memory_space<hbm>>, %arg4: memref<16x160x125xi32, #tpu.memory_space<hbm>>, %arg5: memref<2x10112x64xf32, #tpu.memory_space<hbm>>, %arg6: memref<160x125xi32, #tpu.memory_space<vmem>>, %arg7: memref<160x125xi32, #tpu.memory_space<vmem>>, %arg8: memref<5x125x64xf32, #tpu.memory_space<vmem>>, %arg9: memref<10112x64xf32, #tpu.memory_space<vmem_shared>>, %arg10: memref<5x!tpu.dma_semaphore, #tpu.memory_space<semaphore_mem>>, %arg11: memref<5x!tpu.dma_semaphore, #tpu.memory_space<semaphore_mem>>) attributes {dimension_semantics = [#tpu.dimension_semantics<core_parallel>, #tpu.dimension_semantics<subcore_parallel>], iteration_bounds = array<i64: 2, 16>, scalar_prefetch = 0 : i64, scratch_operands = 6 : i64, tpu.core_type = #tpu.core_type<sc_vector_subcore>, window_params = [{transform_indices = #map}, {transform_indices = #map}, {transform_indices = #map}, {transform_indices = #map}]} {
    "tpu.region"() ({
      %run_scoped3A_140 = tpu.sem_alloc : memref<!tpu.dma_semaphore, #tpu.memory_space<semaphore_mem>>
      %dma_start3A_141 = arith.constant 0 : i32
      %dma_start3A_142 = arith.constant 0 : i32
      %dma_start3A_143 = tpu.memref_slice %arg3[%arg1, %dma_start3A_141, %dma_start3A_142] : memref<16x160x125xi32, #tpu.memory_space<hbm>> -> memref<1x160x125xi32, #tpu.memory_space<hbm>>
      %dma_start3A_144 = tpu.memref_squeeze %dma_start3A_143 : memref<1x160x125xi32, #tpu.memory_space<hbm>> -> memref<160x125xi32, #tpu.memory_space<hbm>>
      %dma_start3A_145 = arith.constant 0 : i32
      %dma_start3A_146 = arith.constant 0 : i32
      %dma_start3A_147 = tpu.memref_slice %arg3[%arg1, %dma_start3A_145, %dma_start3A_146] : memref<16x160x125xi32, #tpu.memory_space<hbm>> -> memref<1x160x125xi32, #tpu.memory_space<hbm>>
      %dma_start3A_148 = tpu.memref_squeeze %dma_start3A_147 : memref<1x160x125xi32, #tpu.memory_space<hbm>> -> memref<160x125xi32, #tpu.memory_space<hbm>>
      tpu.enqueue_dma source(%dma_start3A_148 : memref<160x125xi32, #tpu.memory_space<hbm>>) target(%arg6 : memref<160x125xi32, #tpu.memory_space<vmem>>) target_semaphore(%run_scoped3A_140 : memref<!tpu.dma_semaphore, #tpu.memory_space<semaphore_mem>>)
      %dma_wait3A = arith.constant 0 : i32
      %dma_wait3A_149 = arith.constant 0 : i32
      %dma_wait3A_150 = tpu.memref_slice %arg3[%arg1, %dma_wait3A, %dma_wait3A_149] : memref<16x160x125xi32, #tpu.memory_space<hbm>> -> memref<1x160x125xi32, #tpu.memory_space<hbm>>
      %dma_wait3A_151 = tpu.memref_squeeze %dma_wait3A_150 : memref<1x160x125xi32, #tpu.memory_space<hbm>> -> memref<160x125xi32, #tpu.memory_space<hbm>>
      %dma_wait3A_152 = arith.constant 0 : i32
      %dma_wait3A_153 = arith.constant 0 : i32
      %dma_wait3A_154 = tpu.memref_slice %arg3[%arg1, %dma_wait3A_152, %dma_wait3A_153] : memref<16x160x125xi32, #tpu.memory_space<hbm>> -> memref<1x160x125xi32, #tpu.memory_space<hbm>>
      %dma_wait3A_155 = tpu.memref_squeeze %dma_wait3A_154 : memref<1x160x125xi32, #tpu.memory_space<hbm>> -> memref<160x125xi32, #tpu.memory_space<hbm>>
      tpu.wait_dma2 semaphore(%run_scoped3A_140 : memref<!tpu.dma_semaphore, #tpu.memory_space<semaphore_mem>>) src(%dma_wait3A_155 : memref<160x125xi32, #tpu.memory_space<hbm>>) dst(%arg6 : memref<160x125xi32, #tpu.memory_space<vmem>>)
      tpu.yield
    }) : () -> ()
    "tpu.region"() ({
      %run_scoped3A_140 = tpu.sem_alloc : memref<!tpu.dma_semaphore, #tpu.memory_space<semaphore_mem>>
      %dma_start3A_141 = arith.constant 0 : i32
      %dma_start3A_142 = arith.constant 0 : i32
      %dma_start3A_143 = tpu.memref_slice %arg4[%arg1, %dma_start3A_141, %dma_start3A_142] : memref<16x160x125xi32, #tpu.memory_space<hbm>> -> memref<1x160x125xi32, #tpu.memory_space<hbm>>
      %dma_start3A_144 = tpu.memref_squeeze %dma_start3A_143 : memref<1x160x125xi32, #tpu.memory_space<hbm>> -> memref<160x125xi32, #tpu.memory_space<hbm>>
      %dma_start3A_145 = arith.constant 0 : i32
      %dma_start3A_146 = arith.constant 0 : i32
      %dma_start3A_147 = tpu.memref_slice %arg4[%arg1, %dma_start3A_145, %dma_start3A_146] : memref<16x160x125xi32, #tpu.memory_space<hbm>> -> memref<1x160x125xi32, #tpu.memory_space<hbm>>
      %dma_start3A_148 = tpu.memref_squeeze %dma_start3A_147 : memref<1x160x125xi32, #tpu.memory_space<hbm>> -> memref<160x125xi32, #tpu.memory_space<hbm>>
      tpu.enqueue_dma source(%dma_start3A_148 : memref<160x125xi32, #tpu.memory_space<hbm>>) target(%arg7 : memref<160x125xi32, #tpu.memory_space<vmem>>) target_semaphore(%run_scoped3A_140 : memref<!tpu.dma_semaphore, #tpu.memory_space<semaphore_mem>>)
      %dma_wait3A = arith.constant 0 : i32
      %dma_wait3A_149 = arith.constant 0 : i32
      %dma_wait3A_150 = tpu.memref_slice %arg4[%arg1, %dma_wait3A, %dma_wait3A_149] : memref<16x160x125xi32, #tpu.memory_space<hbm>> -> memref<1x160x125xi32, #tpu.memory_space<hbm>>
      %dma_wait3A_151 = tpu.memref_squeeze %dma_wait3A_150 : memref<1x160x125xi32, #tpu.memory_space<hbm>> -> memref<160x125xi32, #tpu.memory_space<hbm>>
      %dma_wait3A_152 = arith.constant 0 : i32
      %dma_wait3A_153 = arith.constant 0 : i32
      %dma_wait3A_154 = tpu.memref_slice %arg4[%arg1, %dma_wait3A_152, %dma_wait3A_153] : memref<16x160x125xi32, #tpu.memory_space<hbm>> -> memref<1x160x125xi32, #tpu.memory_space<hbm>>
      %dma_wait3A_155 = tpu.memref_squeeze %dma_wait3A_154 : memref<1x160x125xi32, #tpu.memory_space<hbm>> -> memref<160x125xi32, #tpu.memory_space<hbm>>
      tpu.wait_dma2 semaphore(%run_scoped3A_140 : memref<!tpu.dma_semaphore, #tpu.memory_space<semaphore_mem>>) src(%dma_wait3A_155 : memref<160x125xi32, #tpu.memory_space<hbm>>) dst(%arg7 : memref<160x125xi32, #tpu.memory_space<vmem>>)
      tpu.yield
    }) : () -> ()
    %broadcast_in_dim3A = arith.constant 0.000000e+00 : f32
    %broadcast_in_dim3A_0 = vector.broadcast %broadcast_in_dim3A : f32 to vector<16xf32>
    %scan3A = arith.constant 0 : i32
    %scan3A_1 = arith.constant 0 : i32
    %scan3A_2 = arith.constant 125 : i32
    %scan3A_3 = arith.addi %scan3A_1, %scan3A_2 : i32
    %scan3A_4 = arith.constant 1 : i32
    %scan3A_5 = scf.for %scan3A_140 = %scan3A_1 to %scan3A_3 step %scan3A_4 iter_args(%scan3A_141 = %scan3A) -> (i32)  : i32 {
      %swap3A = arith.constant 0 : i32
      %swap3A_142 = arith.index_cast %swap3A : i32 to index
      %swap3A_143 = arith.index_cast %scan3A_140 : i32 to index
      %swap3A_144 = arith.constant 0 : index
      %swap3A_145 = tpu.vector_load %arg8[%swap3A_142, %swap3A_143, %swap3A_144] {strides = array<i32>} : memref<5x125x64xf32, #tpu.memory_space<vmem>>, vector<1x1x16xf32>,
      %swap3A_146 = vector.shape_cast %swap3A_145 : vector<1x1x16xf32> to vector<16xf32>
      %swap3A_147 = vector.shape_cast %broadcast_in_dim3A_0 : vector<16xf32> to vector<1x1x16xf32>
      tpu.vector_store %arg8[%swap3A_142, %swap3A_143, %swap3A_144], %swap3A_147 {strides = array<i32>} : memref<5x125x64xf32, #tpu.memory_space<vmem>>, vector<1x1x16xf32>,
      %swap3A_148 = arith.constant 0 : i32
      %swap3A_149 = arith.index_cast %swap3A_148 : i32 to index
      %swap3A_150 = arith.index_cast %scan3A_140 : i32 to index
      %swap3A_151 = arith.constant 16 : index
      %swap3A_152 = tpu.vector_load %arg8[%swap3A_149, %swap3A_150, %swap3A_151] {strides = array<i32>} : memref<5x125x64xf32, #tpu.memory_space<vmem>>, vector<1x1x16xf32>,
      %swap3A_153 = vector.shape_cast %swap3A_152 : vector<1x1x16xf32> to vector<16xf32>
      %swap3A_154 = vector.shape_cast %broadcast_in_dim3A_0 : vector<16xf32> to vector<1x1x16xf32>
      tpu.vector_store %arg8[%swap3A_149, %swap3A_150, %swap3A_151], %swap3A_154 {strides = array<i32>} : memref<5x125x64xf32, #tpu.memory_space<vmem>>, vector<1x1x16xf32>,
      %swap3A_155 = arith.constant 0 : i32
      %swap3A_156 = arith.index_cast %swap3A_155 : i32 to index
      %swap3A_157 = arith.index_cast %scan3A_140 : i32 to index
      %swap3A_158 = arith.constant 32 : index
      %swap3A_159 = tpu.vector_load %arg8[%swap3A_156, %swap3A_157, %swap3A_158] {strides = array<i32>} : memref<5x125x64xf32, #tpu.memory_space<vmem>>, vector<1x1x16xf32>,
      %swap3A_160 = vector.shape_cast %swap3A_159 : vector<1x1x16xf32> to vector<16xf32>
      %swap3A_161 = vector.shape_cast %broadcast_in_dim3A_0 : vector<16xf32> to vector<1x1x16xf32>
      tpu.vector_store %arg8[%swap3A_156, %swap3A_157, %swap3A_158], %swap3A_161 {strides = array<i32>} : memref<5x125x64xf32, #tpu.memory_space<vmem>>, vector<1x1x16xf32>,
      %swap3A_162 = arith.constant 0 : i32
      %swap3A_163 = arith.index_cast %swap3A_162 : i32 to index
      %swap3A_164 = arith.index_cast %scan3A_140 : i32 to index
      %swap3A_165 = arith.constant 48 : index
      %swap3A_166 = tpu.vector_load %arg8[%swap3A_163, %swap3A_164, %swap3A_165] {strides = array<i32>} : memref<5x125x64xf32, #tpu.memory_space<vmem>>, vector<1x1x16xf32>,
      %swap3A_167 = vector.shape_cast %swap3A_166 : vector<1x1x16xf32> to vector<16xf32>
      %swap3A_168 = vector.shape_cast %broadcast_in_dim3A_0 : vector<16xf32> to vector<1x1x16xf32>
      tpu.vector_store %arg8[%swap3A_163, %swap3A_164, %swap3A_165], %swap3A_168 {strides = array<i32>} : memref<5x125x64xf32, #tpu.memory_space<vmem>>, vector<1x1x16xf32>,
      %scan3A_169 = arith.constant 0 : i32
      scf.yield %scan3A_169 : i32
    }
    %scan3A_6 = arith.constant 125 : i32
    %mul3A = arith.constant 632 : i32
    %mul3A_7 = arith.muli %arg1, %mul3A : i32
    %add3A = arith.constant 0 : i32
    %add3A_8 = arith.addi %mul3A_7, %add3A : i32
    %run_scoped3A = arith.constant 0 : i32
    "tpu.region"() ({
      %run_scoped3A_140 = tpu.sem_alloc : memref<!tpu.dma_semaphore, #tpu.memory_space<semaphore_mem>>
      %dma_start3A_141 = arith.constant 0 : i32
      %dma_start3A_142 = arith.constant 0 : i32
      %dma_start3A_143 = tpu.memref_slice %arg8[%run_scoped3A, %dma_start3A_141, %dma_start3A_142] : memref<5x125x64xf32, #tpu.memory_space<vmem>> -> memref<1x125x64xf32, #tpu.memory_space<vmem>>
      %dma_start3A_144 = tpu.memref_squeeze %dma_start3A_143 : memref<1x125x64xf32, #tpu.memory_space<vmem>> -> memref<125x64xf32, #tpu.memory_space<vmem>>
      %dma_start3A_145 = arith.constant 0 : i32
      %dma_start3A_146 = tpu.memref_slice %arg9[%add3A_8, %dma_start3A_145] : memref<10112x64xf32, #tpu.memory_space<vmem_shared>> -> memref<125x64xf32, #tpu.memory_space<vmem_shared>>
      %dma_start3A_147 = arith.constant 0 : i32
      %dma_start3A_148 = tpu.memref_slice %arg9[%add3A_8, %dma_start3A_147] : memref<10112x64xf32, #tpu.memory_space<vmem_shared>> -> memref<125x64xf32, #tpu.memory_space<vmem_shared>>
      %dma_start3A_149 = arith.constant 0 : i32
      %dma_start3A_150 = arith.constant 0 : i32
      %dma_start3A_151 = tpu.memref_slice %arg8[%run_scoped3A, %dma_start3A_149, %dma_start3A_150] : memref<5x125x64xf32, #tpu.memory_space<vmem>> -> memref<1x125x64xf32, #tpu.memory_space<vmem>>
      %dma_start3A_152 = tpu.memref_squeeze %dma_start3A_151 : memref<1x125x64xf32, #tpu.memory_space<vmem>> -> memref<125x64xf32, #tpu.memory_space<vmem>>
      tpu.enqueue_dma source(%dma_start3A_152 : memref<125x64xf32, #tpu.memory_space<vmem>>) target(%dma_start3A_148 : memref<125x64xf32, #tpu.memory_space<vmem_shared>>) target_semaphore(%run_scoped3A_140 : memref<!tpu.dma_semaphore, #tpu.memory_space<semaphore_mem>>)
      %dma_wait3A = arith.constant 0 : i32
      %dma_wait3A_153 = arith.constant 0 : i32
      %dma_wait3A_154 = tpu.memref_slice %arg8[%run_scoped3A, %dma_wait3A, %dma_wait3A_153] : memref<5x125x64xf32, #tpu.memory_space<vmem>> -> memref<1x125x64xf32, #tpu.memory_space<vmem>>
      %dma_wait3A_155 = tpu.memref_squeeze %dma_wait3A_154 : memref<1x125x64xf32, #tpu.memory_space<vmem>> -> memref<125x64xf32, #tpu.memory_space<vmem>>
      %dma_wait3A_156 = arith.constant 0 : i32
      %dma_wait3A_157 = tpu.memref_slice %arg9[%add3A_8, %dma_wait3A_156] : memref<10112x64xf32, #tpu.memory_space<vmem_shared>> -> memref<125x64xf32, #tpu.memory_space<vmem_shared>>
      %dma_wait3A_158 = arith.constant 0 : i32
      %dma_wait3A_159 = tpu.memref_slice %arg9[%add3A_8, %dma_wait3A_158] : memref<10112x64xf32, #tpu.memory_space<vmem_shared>> -> memref<125x64xf32, #tpu.memory_space<vmem_shared>>
      %dma_wait3A_160 = arith.constant 0 : i32
      %dma_wait3A_161 = arith.constant 0 : i32
      %dma_wait3A_162 = tpu.memref_slice %arg8[%run_scoped3A, %dma_wait3A_160, %dma_wait3A_161] : memref<5x125x64xf32, #tpu.memory_space<vmem>> -> memref<1x125x64xf32, #tpu.memory_space<vmem>>
      %dma_wait3A_163 = tpu.memref_squeeze %dma_wait3A_162 : memref<1x125x64xf32, #tpu.memory_space<vmem>> -> memref<125x64xf32, #tpu.memory_space<vmem>>
      tpu.wait_dma2 semaphore(%run_scoped3A_140 : memref<!tpu.dma_semaphore, #tpu.memory_space<semaphore_mem>>) src(%dma_wait3A_163 : memref<125x64xf32, #tpu.memory_space<vmem>>) dst(%dma_wait3A_159 : memref<125x64xf32, #tpu.memory_space<vmem_shared>>)
      tpu.yield
    }) : () -> ()
    %mul3A_9 = arith.constant 632 : i32
    %mul3A_10 = arith.muli %arg1, %mul3A_9 : i32
    %add3A_11 = arith.constant 125 : i32
    %add3A_12 = arith.addi %mul3A_10, %add3A_11 : i32
    %run_scoped3A_13 = arith.constant 0 : i32
    "tpu.region"() ({
      %run_scoped3A_140 = tpu.sem_alloc : memref<!tpu.dma_semaphore, #tpu.memory_space<semaphore_mem>>
      %dma_start3A_141 = arith.constant 0 : i32
      %dma_start3A_142 = arith.constant 0 : i32
      %dma_start3A_143 = tpu.memref_slice %arg8[%run_scoped3A_13, %dma_start3A_141, %dma_start3A_142] : memref<5x125x64xf32, #tpu.memory_space<vmem>> -> memref<1x125x64xf32, #tpu.memory_space<vmem>>
      %dma_start3A_144 = tpu.memref_squeeze %dma_start3A_143 : memref<1x125x64xf32, #tpu.memory_space<vmem>> -> memref<125x64xf32, #tpu.memory_space<vmem>>
      %dma_start3A_145 = arith.constant 0 : i32
      %dma_start3A_146 = tpu.memref_slice %arg9[%add3A_12, %dma_start3A_145] : memref<10112x64xf32, #tpu.memory_space<vmem_shared>> -> memref<125x64xf32, #tpu.memory_space<vmem_shared>>
      %dma_start3A_147 = arith.constant 0 : i32
      %dma_start3A_148 = tpu.memref_slice %arg9[%add3A_12, %dma_start3A_147] : memref<10112x64xf32, #tpu.memory_space<vmem_shared>> -> memref<125x64xf32, #tpu.memory_space<vmem_shared>>
      %dma_start3A_149 = arith.constant 0 : i32
      %dma_start3A_150 = arith.constant 0 : i32
      %dma_start3A_151 = tpu.memref_slice %arg8[%run_scoped3A_13, %dma_start3A_149, %dma_start3A_150] : memref<5x125x64xf32, #tpu.memory_space<vmem>> -> memref<1x125x64xf32, #tpu.memory_space<vmem>>
      %dma_start3A_152 = tpu.memref_squeeze %dma_start3A_151 : memref<1x125x64xf32, #tpu.memory_space<vmem>> -> memref<125x64xf32, #tpu.memory_space<vmem>>
      tpu.enqueue_dma source(%dma_start3A_152 : memref<125x64xf32, #tpu.memory_space<vmem>>) target(%dma_start3A_148 : memref<125x64xf32, #tpu.memory_space<vmem_shared>>) target_semaphore(%run_scoped3A_140 : memref<!tpu.dma_semaphore, #tpu.memory_space<semaphore_mem>>)
      %dma_wait3A = arith.constant 0 : i32
      %dma_wait3A_153 = arith.constant 0 : i32
      %dma_wait3A_154 = tpu.memref_slice %arg8[%run_scoped3A_13, %dma_wait3A, %dma_wait3A_153] : memref<5x125x64xf32, #tpu.memory_space<vmem>> -> memref<1x125x64xf32, #tpu.memory_space<vmem>>
      %dma_wait3A_155 = tpu.memref_squeeze %dma_wait3A_154 : memref<1x125x64xf32, #tpu.memory_space<vmem>> -> memref<125x64xf32, #tpu.memory_space<vmem>>
      %dma_wait3A_156 = arith.constant 0 : i32
      %dma_wait3A_157 = tpu.memref_slice %arg9[%add3A_12, %dma_wait3A_156] : memref<10112x64xf32, #tpu.memory_space<vmem_shared>> -> memref<125x64xf32, #tpu.memory_space<vmem_shared>>
      %dma_wait3A_158 = arith.constant 0 : i32
      %dma_wait3A_159 = tpu.memref_slice %arg9[%add3A_12, %dma_wait3A_158] : memref<10112x64xf32, #tpu.memory_space<vmem_shared>> -> memref<125x64xf32, #tpu.memory_space<vmem_shared>>
      %dma_wait3A_160 = arith.constant 0 : i32
      %dma_wait3A_161 = arith.constant 0 : i32
      %dma_wait3A_162 = tpu.memref_slice %arg8[%run_scoped3A_13, %dma_wait3A_160, %dma_wait3A_161] : memref<5x125x64xf32, #tpu.memory_space<vmem>> -> memref<1x125x64xf32, #tpu.memory_space<vmem>>
      %dma_wait3A_163 = tpu.memref_squeeze %dma_wait3A_162 : memref<1x125x64xf32, #tpu.memory_space<vmem>> -> memref<125x64xf32, #tpu.memory_space<vmem>>
      tpu.wait_dma2 semaphore(%run_scoped3A_140 : memref<!tpu.dma_semaphore, #tpu.memory_space<semaphore_mem>>) src(%dma_wait3A_163 : memref<125x64xf32, #tpu.memory_space<vmem>>) dst(%dma_wait3A_159 : memref<125x64xf32, #tpu.memory_space<vmem_shared>>)
      tpu.yield
    }) : () -> ()
    %mul3A_14 = arith.constant 632 : i32
    %mul3A_15 = arith.muli %arg1, %mul3A_14 : i32
    %add3A_16 = arith.constant 250 : i32
    %add3A_17 = arith.addi %mul3A_15, %add3A_16 : i32
    %run_scoped3A_18 = arith.constant 0 : i32
    "tpu.region"() ({
      %run_scoped3A_140 = tpu.sem_alloc : memref<!tpu.dma_semaphore, #tpu.memory_space<semaphore_mem>>
      %dma_start3A_141 = arith.constant 0 : i32
      %dma_start3A_142 = arith.constant 0 : i32
      %dma_start3A_143 = tpu.memref_slice %arg8[%run_scoped3A_18, %dma_start3A_141, %dma_start3A_142] : memref<5x125x64xf32, #tpu.memory_space<vmem>> -> memref<1x125x64xf32, #tpu.memory_space<vmem>>
      %dma_start3A_144 = tpu.memref_squeeze %dma_start3A_143 : memref<1x125x64xf32, #tpu.memory_space<vmem>> -> memref<125x64xf32, #tpu.memory_space<vmem>>
      %dma_start3A_145 = arith.constant 0 : i32
      %dma_start3A_146 = tpu.memref_slice %arg9[%add3A_17, %dma_start3A_145] : memref<10112x64xf32, #tpu.memory_space<vmem_shared>> -> memref<125x64xf32, #tpu.memory_space<vmem_shared>>
      %dma_start3A_147 = arith.constant 0 : i32
      %dma_start3A_148 = tpu.memref_slice %arg9[%add3A_17, %dma_start3A_147] : memref<10112x64xf32, #tpu.memory_space<vmem_shared>> -> memref<125x64xf32, #tpu.memory_space<vmem_shared>>
      %dma_start3A_149 = arith.constant 0 : i32
      %dma_start3A_150 = arith.constant 0 : i32
      %dma_start3A_151 = tpu.memref_slice %arg8[%run_scoped3A_18, %dma_start3A_149, %dma_start3A_150] : memref<5x125x64xf32, #tpu.memory_space<vmem>> -> memref<1x125x64xf32, #tpu.memory_space<vmem>>
      %dma_start3A_152 = tpu.memref_squeeze %dma_start3A_151 : memref<1x125x64xf32, #tpu.memory_space<vmem>> -> memref<125x64xf32, #tpu.memory_space<vmem>>
      tpu.enqueue_dma source(%dma_start3A_152 : memref<125x64xf32, #tpu.memory_space<vmem>>) target(%dma_start3A_148 : memref<125x64xf32, #tpu.memory_space<vmem_shared>>) target_semaphore(%run_scoped3A_140 : memref<!tpu.dma_semaphore, #tpu.memory_space<semaphore_mem>>)
      %dma_wait3A = arith.constant 0 : i32
      %dma_wait3A_153 = arith.constant 0 : i32
      %dma_wait3A_154 = tpu.memref_slice %arg8[%run_scoped3A_18, %dma_wait3A, %dma_wait3A_153] : memref<5x125x64xf32, #tpu.memory_space<vmem>> -> memref<1x125x64xf32, #tpu.memory_space<vmem>>
      %dma_wait3A_155 = tpu.memref_squeeze %dma_wait3A_154 : memref<1x125x64xf32, #tpu.memory_space<vmem>> -> memref<125x64xf32, #tpu.memory_space<vmem>>
      %dma_wait3A_156 = arith.constant 0 : i32
      %dma_wait3A_157 = tpu.memref_slice %arg9[%add3A_17, %dma_wait3A_156] : memref<10112x64xf32, #tpu.memory_space<vmem_shared>> -> memref<125x64xf32, #tpu.memory_space<vmem_shared>>
      %dma_wait3A_158 = arith.constant 0 : i32
      %dma_wait3A_159 = tpu.memref_slice %arg9[%add3A_17, %dma_wait3A_158] : memref<10112x64xf32, #tpu.memory_space<vmem_shared>> -> memref<125x64xf32, #tpu.memory_space<vmem_shared>>
      %dma_wait3A_160 = arith.constant 0 : i32
      %dma_wait3A_161 = arith.constant 0 : i32
      %dma_wait3A_162 = tpu.memref_slice %arg8[%run_scoped3A_18, %dma_wait3A_160, %dma_wait3A_161] : memref<5x125x64xf32, #tpu.memory_space<vmem>> -> memref<1x125x64xf32, #tpu.memory_space<vmem>>
      %dma_wait3A_163 = tpu.memref_squeeze %dma_wait3A_162 : memref<1x125x64xf32, #tpu.memory_space<vmem>> -> memref<125x64xf32, #tpu.memory_space<vmem>>
      tpu.wait_dma2 semaphore(%run_scoped3A_140 : memref<!tpu.dma_semaphore, #tpu.memory_space<semaphore_mem>>) src(%dma_wait3A_163 : memref<125x64xf32, #tpu.memory_space<vmem>>) dst(%dma_wait3A_159 : memref<125x64xf32, #tpu.memory_space<vmem_shared>>)
      tpu.yield
    }) : () -> ()
    %mul3A_19 = arith.constant 632 : i32
    %mul3A_20 = arith.muli %arg1, %mul3A_19 : i32
    %add3A_21 = arith.constant 375 : i32
    %add3A_22 = arith.addi %mul3A_20, %add3A_21 : i32
    %run_scoped3A_23 = arith.constant 0 : i32
    "tpu.region"() ({
      %run_scoped3A_140 = tpu.sem_alloc : memref<!tpu.dma_semaphore, #tpu.memory_space<semaphore_mem>>
      %dma_start3A_141 = arith.constant 0 : i32
      %dma_start3A_142 = arith.constant 0 : i32
      %dma_start3A_143 = tpu.memref_slice %arg8[%run_scoped3A_23, %dma_start3A_141, %dma_start3A_142] : memref<5x125x64xf32, #tpu.memory_space<vmem>> -> memref<1x125x64xf32, #tpu.memory_space<vmem>>
      %dma_start3A_144 = tpu.memref_squeeze %dma_start3A_143 : memref<1x125x64xf32, #tpu.memory_space<vmem>> -> memref<125x64xf32, #tpu.memory_space<vmem>>
      %dma_start3A_145 = arith.constant 0 : i32
      %dma_start3A_146 = tpu.memref_slice %arg9[%add3A_22, %dma_start3A_145] : memref<10112x64xf32, #tpu.memory_space<vmem_shared>> -> memref<125x64xf32, #tpu.memory_space<vmem_shared>>
      %dma_start3A_147 = arith.constant 0 : i32
      %dma_start3A_148 = tpu.memref_slice %arg9[%add3A_22, %dma_start3A_147] : memref<10112x64xf32, #tpu.memory_space<vmem_shared>> -> memref<125x64xf32, #tpu.memory_space<vmem_shared>>
      %dma_start3A_149 = arith.constant 0 : i32
      %dma_start3A_150 = arith.constant 0 : i32
      %dma_start3A_151 = tpu.memref_slice %arg8[%run_scoped3A_23, %dma_start3A_149, %dma_start3A_150] : memref<5x125x64xf32, #tpu.memory_space<vmem>> -> memref<1x125x64xf32, #tpu.memory_space<vmem>>
      %dma_start3A_152 = tpu.memref_squeeze %dma_start3A_151 : memref<1x125x64xf32, #tpu.memory_space<vmem>> -> memref<125x64xf32, #tpu.memory_space<vmem>>
      tpu.enqueue_dma source(%dma_start3A_152 : memref<125x64xf32, #tpu.memory_space<vmem>>) target(%dma_start3A_148 : memref<125x64xf32, #tpu.memory_space<vmem_shared>>) target_semaphore(%run_scoped3A_140 : memref<!tpu.dma_semaphore, #tpu.memory_space<semaphore_mem>>)
      %dma_wait3A = arith.constant 0 : i32
      %dma_wait3A_153 = arith.constant 0 : i32
      %dma_wait3A_154 = tpu.memref_slice %arg8[%run_scoped3A_23, %dma_wait3A, %dma_wait3A_153] : memref<5x125x64xf32, #tpu.memory_space<vmem>> -> memref<1x125x64xf32, #tpu.memory_space<vmem>>
      %dma_wait3A_155 = tpu.memref_squeeze %dma_wait3A_154 : memref<1x125x64xf32, #tpu.memory_space<vmem>> -> memref<125x64xf32, #tpu.memory_space<vmem>>
      %dma_wait3A_156 = arith.constant 0 : i32
      %dma_wait3A_157 = tpu.memref_slice %arg9[%add3A_22, %dma_wait3A_156] : memref<10112x64xf32, #tpu.memory_space<vmem_shared>> -> memref<125x64xf32, #tpu.memory_space<vmem_shared>>
      %dma_wait3A_158 = arith.constant 0 : i32
      %dma_wait3A_159 = tpu.memref_slice %arg9[%add3A_22, %dma_wait3A_158] : memref<10112x64xf32, #tpu.memory_space<vmem_shared>> -> memref<125x64xf32, #tpu.memory_space<vmem_shared>>
      %dma_wait3A_160 = arith.constant 0 : i32
      %dma_wait3A_161 = arith.constant 0 : i32
      %dma_wait3A_162 = tpu.memref_slice %arg8[%run_scoped3A_23, %dma_wait3A_160, %dma_wait3A_161] : memref<5x125x64xf32, #tpu.memory_space<vmem>> -> memref<1x125x64xf32, #tpu.memory_space<vmem>>
      %dma_wait3A_163 = tpu.memref_squeeze %dma_wait3A_162 : memref<1x125x64xf32, #tpu.memory_space<vmem>> -> memref<125x64xf32, #tpu.memory_space<vmem>>
      tpu.wait_dma2 semaphore(%run_scoped3A_140 : memref<!tpu.dma_semaphore, #tpu.memory_space<semaphore_mem>>) src(%dma_wait3A_163 : memref<125x64xf32, #tpu.memory_space<vmem>>) dst(%dma_wait3A_159 : memref<125x64xf32, #tpu.memory_space<vmem_shared>>)
      tpu.yield
    }) : () -> ()
    %mul3A_24 = arith.constant 632 : i32
    %mul3A_25 = arith.muli %arg1, %mul3A_24 : i32
    %add3A_26 = arith.constant 500 : i32
    %add3A_27 = arith.addi %mul3A_25, %add3A_26 : i32
    %run_scoped3A_28 = arith.constant 0 : i32
    "tpu.region"() ({
      %run_scoped3A_140 = tpu.sem_alloc : memref<!tpu.dma_semaphore, #tpu.memory_space<semaphore_mem>>
      %dma_start3A_141 = arith.constant 0 : i32
      %dma_start3A_142 = arith.constant 0 : i32
      %dma_start3A_143 = tpu.memref_slice %arg8[%run_scoped3A_28, %dma_start3A_141, %dma_start3A_142] : memref<5x125x64xf32, #tpu.memory_space<vmem>> -> memref<1x125x64xf32, #tpu.memory_space<vmem>>
      %dma_start3A_144 = tpu.memref_squeeze %dma_start3A_143 : memref<1x125x64xf32, #tpu.memory_space<vmem>> -> memref<125x64xf32, #tpu.memory_space<vmem>>
      %dma_start3A_145 = arith.constant 0 : i32
      %dma_start3A_146 = tpu.memref_slice %arg9[%add3A_27, %dma_start3A_145] : memref<10112x64xf32, #tpu.memory_space<vmem_shared>> -> memref<125x64xf32, #tpu.memory_space<vmem_shared>>
      %dma_start3A_147 = arith.constant 0 : i32
      %dma_start3A_148 = tpu.memref_slice %arg9[%add3A_27, %dma_start3A_147] : memref<10112x64xf32, #tpu.memory_space<vmem_shared>> -> memref<125x64xf32, #tpu.memory_space<vmem_shared>>
      %dma_start3A_149 = arith.constant 0 : i32
      %dma_start3A_150 = arith.constant 0 : i32
      %dma_start3A_151 = tpu.memref_slice %arg8[%run_scoped3A_28, %dma_start3A_149, %dma_start3A_150] : memref<5x125x64xf32, #tpu.memory_space<vmem>> -> memref<1x125x64xf32, #tpu.memory_space<vmem>>
      %dma_start3A_152 = tpu.memref_squeeze %dma_start3A_151 : memref<1x125x64xf32, #tpu.memory_space<vmem>> -> memref<125x64xf32, #tpu.memory_space<vmem>>
      tpu.enqueue_dma source(%dma_start3A_152 : memref<125x64xf32, #tpu.memory_space<vmem>>) target(%dma_start3A_148 : memref<125x64xf32, #tpu.memory_space<vmem_shared>>) target_semaphore(%run_scoped3A_140 : memref<!tpu.dma_semaphore, #tpu.memory_space<semaphore_mem>>)
      %dma_wait3A = arith.constant 0 : i32
      %dma_wait3A_153 = arith.constant 0 : i32
      %dma_wait3A_154 = tpu.memref_slice %arg8[%run_scoped3A_28, %dma_wait3A, %dma_wait3A_153] : memref<5x125x64xf32, #tpu.memory_space<vmem>> -> memref<1x125x64xf32, #tpu.memory_space<vmem>>
      %dma_wait3A_155 = tpu.memref_squeeze %dma_wait3A_154 : memref<1x125x64xf32, #tpu.memory_space<vmem>> -> memref<125x64xf32, #tpu.memory_space<vmem>>
      %dma_wait3A_156 = arith.constant 0 : i32
      %dma_wait3A_157 = tpu.memref_slice %arg9[%add3A_27, %dma_wait3A_156] : memref<10112x64xf32, #tpu.memory_space<vmem_shared>> -> memref<125x64xf32, #tpu.memory_space<vmem_shared>>
      %dma_wait3A_158 = arith.constant 0 : i32
      %dma_wait3A_159 = tpu.memref_slice %arg9[%add3A_27, %dma_wait3A_158] : memref<10112x64xf32, #tpu.memory_space<vmem_shared>> -> memref<125x64xf32, #tpu.memory_space<vmem_shared>>
      %dma_wait3A_160 = arith.constant 0 : i32
      %dma_wait3A_161 = arith.constant 0 : i32
      %dma_wait3A_162 = tpu.memref_slice %arg8[%run_scoped3A_28, %dma_wait3A_160, %dma_wait3A_161] : memref<5x125x64xf32, #tpu.memory_space<vmem>> -> memref<1x125x64xf32, #tpu.memory_space<vmem>>
      %dma_wait3A_163 = tpu.memref_squeeze %dma_wait3A_162 : memref<1x125x64xf32, #tpu.memory_space<vmem>> -> memref<125x64xf32, #tpu.memory_space<vmem>>
      tpu.wait_dma2 semaphore(%run_scoped3A_140 : memref<!tpu.dma_semaphore, #tpu.memory_space<semaphore_mem>>) src(%dma_wait3A_163 : memref<125x64xf32, #tpu.memory_space<vmem>>) dst(%dma_wait3A_159 : memref<125x64xf32, #tpu.memory_space<vmem_shared>>)
      tpu.yield
    }) : () -> ()
    %mul3A_29 = arith.constant 632 : i32
    %mul3A_30 = arith.muli %arg1, %mul3A_29 : i32
    %add3A_31 = arith.constant 625 : i32
    %add3A_32 = arith.addi %mul3A_30, %add3A_31 : i32
    %run_scoped3A_33 = arith.constant 0 : i32
    "tpu.region"() ({
      %run_scoped3A_140 = tpu.sem_alloc : memref<!tpu.dma_semaphore, #tpu.memory_space<semaphore_mem>>
      %dma_start3A_141 = arith.constant 0 : i32
      %dma_start3A_142 = arith.constant 0 : i32
      %dma_start3A_143 = tpu.memref_slice %arg8[%run_scoped3A_33, %dma_start3A_141, %dma_start3A_142] : memref<5x125x64xf32, #tpu.memory_space<vmem>> -> memref<1x125x64xf32, #tpu.memory_space<vmem>>
      %dma_start3A_144 = tpu.memref_squeeze %dma_start3A_143 : memref<1x125x64xf32, #tpu.memory_space<vmem>> -> memref<125x64xf32, #tpu.memory_space<vmem>>
      %dma_start3A_145 = arith.constant 0 : i32
      %dma_start3A_146 = arith.constant 0 : i32
      %dma_start3A_147 = tpu.memref_slice %dma_start3A_144[%dma_start3A_145, %dma_start3A_146] : memref<125x64xf32, #tpu.memory_space<vmem>> -> memref<7x64xf32, #tpu.memory_space<vmem>>
      %dma_start3A_148 = arith.constant 0 : i32
      %dma_start3A_149 = tpu.memref_slice %arg9[%add3A_32, %dma_start3A_148] : memref<10112x64xf32, #tpu.memory_space<vmem_shared>> -> memref<7x64xf32, #tpu.memory_space<vmem_shared>>
      %dma_start3A_150 = arith.constant 0 : i32
      %dma_start3A_151 = tpu.memref_slice %arg9[%add3A_32, %dma_start3A_150] : memref<10112x64xf32, #tpu.memory_space<vmem_shared>> -> memref<7x64xf32, #tpu.memory_space<vmem_shared>>
      %dma_start3A_152 = arith.constant 0 : i32
      %dma_start3A_153 = arith.constant 0 : i32
      %dma_start3A_154 = tpu.memref_slice %arg8[%run_scoped3A_33, %dma_start3A_152, %dma_start3A_153] : memref<5x125x64xf32, #tpu.memory_space<vmem>> -> memref<1x125x64xf32, #tpu.memory_space<vmem>>
      %dma_start3A_155 = tpu.memref_squeeze %dma_start3A_154 : memref<1x125x64xf32, #tpu.memory_space<vmem>> -> memref<125x64xf32, #tpu.memory_space<vmem>>
      %dma_start3A_156 = arith.constant 0 : i32
      %dma_start3A_157 = arith.constant 0 : i32
      %dma_start3A_158 = tpu.memref_slice %dma_start3A_155[%dma_start3A_156, %dma_start3A_157] : memref<125x64xf32, #tpu.memory_space<vmem>> -> memref<7x64xf32, #tpu.memory_space<vmem>>
      tpu.enqueue_dma source(%dma_start3A_158 : memref<7x64xf32, #tpu.memory_space<vmem>>) target(%dma_start3A_151 : memref<7x64xf32, #tpu.memory_space<vmem_shared>>) target_semaphore(%run_scoped3A_140 : memref<!tpu.dma_semaphore, #tpu.memory_space<semaphore_mem>>)
      %dma_wait3A = arith.constant 0 : i32
      %dma_wait3A_159 = arith.constant 0 : i32
      %dma_wait3A_160 = tpu.memref_slice %arg8[%run_scoped3A_33, %dma_wait3A, %dma_wait3A_159] : memref<5x125x64xf32, #tpu.memory_space<vmem>> -> memref<1x125x64xf32, #tpu.memory_space<vmem>>
      %dma_wait3A_161 = tpu.memref_squeeze %dma_wait3A_160 : memref<1x125x64xf32, #tpu.memory_space<vmem>> -> memref<125x64xf32, #tpu.memory_space<vmem>>
      %dma_wait3A_162 = arith.constant 0 : i32
      %dma_wait3A_163 = arith.constant 0 : i32
      %dma_wait3A_164 = tpu.memref_slice %dma_wait3A_161[%dma_wait3A_162, %dma_wait3A_163] : memref<125x64xf32, #tpu.memory_space<vmem>> -> memref<7x64xf32, #tpu.memory_space<vmem>>
      %dma_wait3A_165 = arith.constant 0 : i32
      %dma_wait3A_166 = tpu.memref_slice %arg9[%add3A_32, %dma_wait3A_165] : memref<10112x64xf32, #tpu.memory_space<vmem_shared>> -> memref<7x64xf32, #tpu.memory_space<vmem_shared>>
      %dma_wait3A_167 = arith.constant 0 : i32
      %dma_wait3A_168 = tpu.memref_slice %arg9[%add3A_32, %dma_wait3A_167] : memref<10112x64xf32, #tpu.memory_space<vmem_shared>> -> memref<7x64xf32, #tpu.memory_space<vmem_shared>>
      %dma_wait3A_169 = arith.constant 0 : i32
      %dma_wait3A_170 = arith.constant 0 : i32
      %dma_wait3A_171 = tpu.memref_slice %arg8[%run_scoped3A_33, %dma_wait3A_169, %dma_wait3A_170] : memref<5x125x64xf32, #tpu.memory_space<vmem>> -> memref<1x125x64xf32, #tpu.memory_space<vmem>>
      %dma_wait3A_172 = tpu.memref_squeeze %dma_wait3A_171 : memref<1x125x64xf32, #tpu.memory_space<vmem>> -> memref<125x64xf32, #tpu.memory_space<vmem>>
      %dma_wait3A_173 = arith.constant 0 : i32
      %dma_wait3A_174 = arith.constant 0 : i32
      %dma_wait3A_175 = tpu.memref_slice %dma_wait3A_172[%dma_wait3A_173, %dma_wait3A_174] : memref<125x64xf32, #tpu.memory_space<vmem>> -> memref<7x64xf32, #tpu.memory_space<vmem>>
      tpu.wait_dma2 semaphore(%run_scoped3A_140 : memref<!tpu.dma_semaphore, #tpu.memory_space<semaphore_mem>>) src(%dma_wait3A_175 : memref<7x64xf32, #tpu.memory_space<vmem>>) dst(%dma_wait3A_168 : memref<7x64xf32, #tpu.memory_space<vmem_shared>>)
      tpu.yield
    }) : () -> ()
    %barrier3A = arith.constant 0 : index
    tpu.barrier barrier_id(%barrier3A)
    %dma_start3A = arith.constant 0 : i32
    %dma_start3A_34 = arith.constant 0 : i32
    %dma_start3A_35 = arith.constant 0 : i32
    %dma_start3A_36 = arith.constant 0 : i32
    %dma_start3A_37 = arith.constant 0 : i32
    %dma_start3A_38 = tpu.memref_slice %arg8[%dma_start3A_34, %dma_start3A_36, %dma_start3A_37] : memref<5x125x64xf32, #tpu.memory_space<vmem>> -> memref<1x125x64xf32, #tpu.memory_space<vmem>>
    %dma_start3A_39 = tpu.memref_squeeze %dma_start3A_38 : memref<1x125x64xf32, #tpu.memory_space<vmem>> -> memref<125x64xf32, #tpu.memory_space<vmem>>
    %dma_start3A_40 = arith.constant 0 : i32
    %dma_start3A_41 = tpu.memref_slice %arg6[%dma_start3A, %dma_start3A_40] : memref<160x125xi32, #tpu.memory_space<vmem>> -> memref<1x125xi32, #tpu.memory_space<vmem>>
    %dma_start3A_42 = tpu.memref_squeeze %dma_start3A_41 : memref<1x125xi32, #tpu.memory_space<vmem>> -> memref<125xi32, #tpu.memory_space<vmem>>
    %dma_start3A_43 = arith.constant 0 : i32
    %dma_start3A_44 = arith.constant 0 : i32
    %dma_start3A_45 = tpu.memref_slice %arg2[%arg0, %dma_start3A_43, %dma_start3A_44] : memref<2x10000x64xf32, #tpu.memory_space<hbm>> -> memref<1x10000x64xf32, #tpu.memory_space<hbm>>
    %dma_start3A_46 = tpu.memref_squeeze %dma_start3A_45 : memref<1x10000x64xf32, #tpu.memory_space<hbm>> -> memref<10000x64xf32, #tpu.memory_space<hbm>>
    %dma_start3A_47 = arith.constant 0 : i32
    %dma_start3A_48 = arith.constant 0 : i32
    %dma_start3A_49 = tpu.memref_slice %dma_start3A_46[%dma_start3A_47, %dma_start3A_48] : memref<10000x64xf32, #tpu.memory_space<hbm>> -> memref<10000x64xf32, #tpu.memory_space<hbm>>
    %dma_start3A_50 = tpu.memref_slice %arg10[%dma_start3A_35] : memref<5x!tpu.dma_semaphore, #tpu.memory_space<semaphore_mem>> -> memref<1x!tpu.dma_semaphore, #tpu.memory_space<semaphore_mem>>
    %dma_start3A_51 = tpu.memref_squeeze %dma_start3A_50 : memref<1x!tpu.dma_semaphore, #tpu.memory_space<semaphore_mem>> -> memref<!tpu.dma_semaphore, #tpu.memory_space<semaphore_mem>>
    tpu.enqueue_indirect_dma source(%dma_start3A_49 : memref<10000x64xf32, #tpu.memory_space<hbm>>) target(%dma_start3A_39 : memref<125x64xf32, #tpu.memory_space<vmem>>) offsets(%dma_start3A_42 : memref<125xi32, #tpu.memory_space<vmem>>) semaphore(%dma_start3A_51 : memref<!tpu.dma_semaphore, #tpu.memory_space<semaphore_mem>>)
    %dma_start3A_52 = arith.constant 1 : i32
    %dma_start3A_53 = arith.constant 1 : i32
    %dma_start3A_54 = arith.constant 1 : i32
    %dma_start3A_55 = arith.constant 0 : i32
    %dma_start3A_56 = arith.constant 0 : i32
    %dma_start3A_57 = tpu.memref_slice %arg8[%dma_start3A_53, %dma_start3A_55, %dma_start3A_56] : memref<5x125x64xf32, #tpu.memory_space<vmem>> -> memref<1x125x64xf32, #tpu.memory_space<vmem>>
    %dma_start3A_58 = tpu.memref_squeeze %dma_start3A_57 : memref<1x125x64xf32, #tpu.memory_space<vmem>> -> memref<125x64xf32, #tpu.memory_space<vmem>>
    %dma_start3A_59 = arith.constant 0 : i32
    %dma_start3A_60 = tpu.memref_slice %arg6[%dma_start3A_52, %dma_start3A_59] : memref<160x125xi32, #tpu.memory_space<vmem>> -> memref<1x125xi32, #tpu.memory_space<vmem>>
    %dma_start3A_61 = tpu.memref_squeeze %dma_start3A_60 : memref<1x125xi32, #tpu.memory_space<vmem>> -> memref<125xi32, #tpu.memory_space<vmem>>
    %dma_start3A_62 = arith.constant 0 : i32
    %dma_start3A_63 = arith.constant 0 : i32
    %dma_start3A_64 = tpu.memref_slice %arg2[%arg0, %dma_start3A_62, %dma_start3A_63] : memref<2x10000x64xf32, #tpu.memory_space<hbm>> -> memref<1x10000x64xf32, #tpu.memory_space<hbm>>
    %dma_start3A_65 = tpu.memref_squeeze %dma_start3A_64 : memref<1x10000x64xf32, #tpu.memory_space<hbm>> -> memref<10000x64xf32, #tpu.memory_space<hbm>>
    %dma_start3A_66 = arith.constant 0 : i32
    %dma_start3A_67 = arith.constant 0 : i32
    %dma_start3A_68 = tpu.memref_slice %dma_start3A_65[%dma_start3A_66, %dma_start3A_67] : memref<10000x64xf32, #tpu.memory_space<hbm>> -> memref<10000x64xf32, #tpu.memory_space<hbm>>
    %dma_start3A_69 = tpu.memref_slice %arg10[%dma_start3A_54] : memref<5x!tpu.dma_semaphore, #tpu.memory_space<semaphore_mem>> -> memref<1x!tpu.dma_semaphore, #tpu.memory_space<semaphore_mem>>
    %dma_start3A_70 = tpu.memref_squeeze %dma_start3A_69 : memref<1x!tpu.dma_semaphore, #tpu.memory_space<semaphore_mem>> -> memref<!tpu.dma_semaphore, #tpu.memory_space<semaphore_mem>>
    tpu.enqueue_indirect_dma source(%dma_start3A_68 : memref<10000x64xf32, #tpu.memory_space<hbm>>) target(%dma_start3A_58 : memref<125x64xf32, #tpu.memory_space<vmem>>) offsets(%dma_start3A_61 : memref<125xi32, #tpu.memory_space<vmem>>) semaphore(%dma_start3A_70 : memref<!tpu.dma_semaphore, #tpu.memory_space<semaphore_mem>>)
    %dma_start3A_71 = arith.constant 2 : i32
    %dma_start3A_72 = arith.constant 2 : i32
    %dma_start3A_73 = arith.constant 2 : i32
    %dma_start3A_74 = arith.constant 0 : i32
    %dma_start3A_75 = arith.constant 0 : i32
    %dma_start3A_76 = tpu.memref_slice %arg8[%dma_start3A_72, %dma_start3A_74, %dma_start3A_75] : memref<5x125x64xf32, #tpu.memory_space<vmem>> -> memref<1x125x64xf32, #tpu.memory_space<vmem>>
    %dma_start3A_77 = tpu.memref_squeeze %dma_start3A_76 : memref<1x125x64xf32, #tpu.memory_space<vmem>> -> memref<125x64xf32, #tpu.memory_space<vmem>>
    %dma_start3A_78 = arith.constant 0 : i32
    %dma_start3A_79 = tpu.memref_slice %arg6[%dma_start3A_71, %dma_start3A_78] : memref<160x125xi32, #tpu.memory_space<vmem>> -> memref<1x125xi32, #tpu.memory_space<vmem>>
    %dma_start3A_80 = tpu.memref_squeeze %dma_start3A_79 : memref<1x125xi32, #tpu.memory_space<vmem>> -> memref<125xi32, #tpu.memory_space<vmem>>
    %dma_start3A_81 = arith.constant 0 : i32
    %dma_start3A_82 = arith.constant 0 : i32
    %dma_start3A_83 = tpu.memref_slice %arg2[%arg0, %dma_start3A_81, %dma_start3A_82] : memref<2x10000x64xf32, #tpu.memory_space<hbm>> -> memref<1x10000x64xf32, #tpu.memory_space<hbm>>
    %dma_start3A_84 = tpu.memref_squeeze %dma_start3A_83 : memref<1x10000x64xf32, #tpu.memory_space<hbm>> -> memref<10000x64xf32, #tpu.memory_space<hbm>>
    %dma_start3A_85 = arith.constant 0 : i32
    %dma_start3A_86 = arith.constant 0 : i32
    %dma_start3A_87 = tpu.memref_slice %dma_start3A_84[%dma_start3A_85, %dma_start3A_86] : memref<10000x64xf32, #tpu.memory_space<hbm>> -> memref<10000x64xf32, #tpu.memory_space<hbm>>
    %dma_start3A_88 = tpu.memref_slice %arg10[%dma_start3A_73] : memref<5x!tpu.dma_semaphore, #tpu.memory_space<semaphore_mem>> -> memref<1x!tpu.dma_semaphore, #tpu.memory_space<semaphore_mem>>
    %dma_start3A_89 = tpu.memref_squeeze %dma_start3A_88 : memref<1x!tpu.dma_semaphore, #tpu.memory_space<semaphore_mem>> -> memref<!tpu.dma_semaphore, #tpu.memory_space<semaphore_mem>>
    tpu.enqueue_indirect_dma source(%dma_start3A_87 : memref<10000x64xf32, #tpu.memory_space<hbm>>) target(%dma_start3A_77 : memref<125x64xf32, #tpu.memory_space<vmem>>) offsets(%dma_start3A_80 : memref<125xi32, #tpu.memory_space<vmem>>) semaphore(%dma_start3A_89 : memref<!tpu.dma_semaphore, #tpu.memory_space<semaphore_mem>>)
    %dma_start3A_90 = arith.constant 3 : i32
    %dma_start3A_91 = arith.constant 3 : i32
    %dma_start3A_92 = arith.constant 3 : i32
    %dma_start3A_93 = arith.constant 0 : i32
    %dma_start3A_94 = arith.constant 0 : i32
    %dma_start3A_95 = tpu.memref_slice %arg8[%dma_start3A_91, %dma_start3A_93, %dma_start3A_94] : memref<5x125x64xf32, #tpu.memory_space<vmem>> -> memref<1x125x64xf32, #tpu.memory_space<vmem>>
    %dma_start3A_96 = tpu.memref_squeeze %dma_start3A_95 : memref<1x125x64xf32, #tpu.memory_space<vmem>> -> memref<125x64xf32, #tpu.memory_space<vmem>>
    %dma_start3A_97 = arith.constant 0 : i32
    %dma_start3A_98 = tpu.memref_slice %arg6[%dma_start3A_90, %dma_start3A_97] : memref<160x125xi32, #tpu.memory_space<vmem>> -> memref<1x125xi32, #tpu.memory_space<vmem>>
    %dma_start3A_99 = tpu.memref_squeeze %dma_start3A_98 : memref<1x125xi32, #tpu.memory_space<vmem>> -> memref<125xi32, #tpu.memory_space<vmem>>
    %dma_start3A_100 = arith.constant 0 : i32
    %dma_start3A_101 = arith.constant 0 : i32
    %dma_start3A_102 = tpu.memref_slice %arg2[%arg0, %dma_start3A_100, %dma_start3A_101] : memref<2x10000x64xf32, #tpu.memory_space<hbm>> -> memref<1x10000x64xf32, #tpu.memory_space<hbm>>
    %dma_start3A_103 = tpu.memref_squeeze %dma_start3A_102 : memref<1x10000x64xf32, #tpu.memory_space<hbm>> -> memref<10000x64xf32, #tpu.memory_space<hbm>>
    %dma_start3A_104 = arith.constant 0 : i32
    %dma_start3A_105 = arith.constant 0 : i32
    %dma_start3A_106 = tpu.memref_slice %dma_start3A_103[%dma_start3A_104, %dma_start3A_105] : memref<10000x64xf32, #tpu.memory_space<hbm>> -> memref<10000x64xf32, #tpu.memory_space<hbm>>
    %dma_start3A_107 = tpu.memref_slice %arg10[%dma_start3A_92] : memref<5x!tpu.dma_semaphore, #tpu.memory_space<semaphore_mem>> -> memref<1x!tpu.dma_semaphore, #tpu.memory_space<semaphore_mem>>
    %dma_start3A_108 = tpu.memref_squeeze %dma_start3A_107 : memref<1x!tpu.dma_semaphore, #tpu.memory_space<semaphore_mem>> -> memref<!tpu.dma_semaphore, #tpu.memory_space<semaphore_mem>>
    tpu.enqueue_indirect_dma source(%dma_start3A_106 : memref<10000x64xf32, #tpu.memory_space<hbm>>) target(%dma_start3A_96 : memref<125x64xf32, #tpu.memory_space<vmem>>) offsets(%dma_start3A_99 : memref<125xi32, #tpu.memory_space<vmem>>) semaphore(%dma_start3A_108 : memref<!tpu.dma_semaphore, #tpu.memory_space<semaphore_mem>>)
    %dma_start3A_109 = arith.constant 4 : i32
    %dma_start3A_110 = arith.constant 4 : i32
    %dma_start3A_111 = arith.constant 4 : i32
    %dma_start3A_112 = arith.constant 0 : i32
    %dma_start3A_113 = arith.constant 0 : i32
    %dma_start3A_114 = tpu.memref_slice %arg8[%dma_start3A_110, %dma_start3A_112, %dma_start3A_113] : memref<5x125x64xf32, #tpu.memory_space<vmem>> -> memref<1x125x64xf32, #tpu.memory_space<vmem>>
    %dma_start3A_115 = tpu.memref_squeeze %dma_start3A_114 : memref<1x125x64xf32, #tpu.memory_space<vmem>> -> memref<125x64xf32, #tpu.memory_space<vmem>>
    %dma_start3A_116 = arith.constant 0 : i32
    %dma_start3A_117 = tpu.memref_slice %arg6[%dma_start3A_109, %dma_start3A_116] : memref<160x125xi32, #tpu.memory_space<vmem>> -> memref<1x125xi32, #tpu.memory_space<vmem>>
    %dma_start3A_118 = tpu.memref_squeeze %dma_start3A_117 : memref<1x125xi32, #tpu.memory_space<vmem>> -> memref<125xi32, #tpu.memory_space<vmem>>
    %dma_start3A_119 = arith.constant 0 : i32
    %dma_start3A_120 = arith.constant 0 : i32
    %dma_start3A_121 = tpu.memref_slice %arg2[%arg0, %dma_start3A_119, %dma_start3A_120] : memref<2x10000x64xf32, #tpu.memory_space<hbm>> -> memref<1x10000x64xf32, #tpu.memory_space<hbm>>
    %dma_start3A_122 = tpu.memref_squeeze %dma_start3A_121 : memref<1x10000x64xf32, #tpu.memory_space<hbm>> -> memref<10000x64xf32, #tpu.memory_space<hbm>>
    %dma_start3A_123 = arith.constant 0 : i32
    %dma_start3A_124 = arith.constant 0 : i32
    %dma_start3A_125 = tpu.memref_slice %dma_start3A_122[%dma_start3A_123, %dma_start3A_124] : memref<10000x64xf32, #tpu.memory_space<hbm>> -> memref<10000x64xf32, #tpu.memory_space<hbm>>
    %dma_start3A_126 = tpu.memref_slice %arg10[%dma_start3A_111] : memref<5x!tpu.dma_semaphore, #tpu.memory_space<semaphore_mem>> -> memref<1x!tpu.dma_semaphore, #tpu.memory_space<semaphore_mem>>
    %dma_start3A_127 = tpu.memref_squeeze %dma_start3A_126 : memref<1x!tpu.dma_semaphore, #tpu.memory_space<semaphore_mem>> -> memref<!tpu.dma_semaphore, #tpu.memory_space<semaphore_mem>>
    tpu.enqueue_indirect_dma source(%dma_start3A_125 : memref<10000x64xf32, #tpu.memory_space<hbm>>) target(%dma_start3A_115 : memref<125x64xf32, #tpu.memory_space<vmem>>) offsets(%dma_start3A_118 : memref<125xi32, #tpu.memory_space<vmem>>) semaphore(%dma_start3A_127 : memref<!tpu.dma_semaphore, #tpu.memory_space<semaphore_mem>>)
    %scan3A_128 = arith.constant 0 : i32
    %scan3A_129 = arith.constant 0 : i32
    %scan3A_130 = arith.constant 32 : i32
    %scan3A_131 = arith.addi %scan3A_129, %scan3A_130 : i32
    %scan3A_132 = arith.constant 1 : i32
    %scan3A_133 = scf.for %scan3A_140 = %scan3A_129 to %scan3A_131 step %scan3A_132 iter_args(%scan3A_141 = %scan3A_128) -> (i32)  : i32 {
      %mul3A_142 = arith.constant 5 : i32
      %mul3A_143 = arith.muli %scan3A_140, %mul3A_142 : i32
      %add3A_144 = arith.constant 0 : i32
      %add3A_145 = arith.addi %mul3A_143, %add3A_144 : i32
      %dma_wait3A = arith.constant 0 : i32
      %dma_wait3A_146 = arith.constant 0 : i32
      %dma_wait3A_147 = arith.constant 0 : i32
      %dma_wait3A_148 = arith.constant 0 : i32
      %dma_wait3A_149 = tpu.memref_slice %arg8[%dma_wait3A, %dma_wait3A_147, %dma_wait3A_148] : memref<5x125x64xf32, #tpu.memory_space<vmem>> -> memref<1x125x64xf32, #tpu.memory_space<vmem>>
      %dma_wait3A_150 = tpu.memref_squeeze %dma_wait3A_149 : memref<1x125x64xf32, #tpu.memory_space<vmem>> -> memref<125x64xf32, #tpu.memory_space<vmem>>
      %dma_wait3A_151 = arith.constant 0 : i32
      %dma_wait3A_152 = tpu.memref_slice %arg6[%add3A_145, %dma_wait3A_151] : memref<160x125xi32, #tpu.memory_space<vmem>> -> memref<1x125xi32, #tpu.memory_space<vmem>>
      %dma_wait3A_153 = tpu.memref_squeeze %dma_wait3A_152 : memref<1x125xi32, #tpu.memory_space<vmem>> -> memref<125xi32, #tpu.memory_space<vmem>>
      %dma_wait3A_154 = arith.constant 0 : i32
      %dma_wait3A_155 = arith.constant 0 : i32
      %dma_wait3A_156 = tpu.memref_slice %arg2[%arg0, %dma_wait3A_154, %dma_wait3A_155] : memref<2x10000x64xf32, #tpu.memory_space<hbm>> -> memref<1x10000x64xf32, #tpu.memory_space<hbm>>
      %dma_wait3A_157 = tpu.memref_squeeze %dma_wait3A_156 : memref<1x10000x64xf32, #tpu.memory_space<hbm>> -> memref<10000x64xf32, #tpu.memory_space<hbm>>
      %dma_wait3A_158 = arith.constant 0 : i32
      %dma_wait3A_159 = arith.constant 0 : i32
      %dma_wait3A_160 = tpu.memref_slice %dma_wait3A_157[%dma_wait3A_158, %dma_wait3A_159] : memref<10000x64xf32, #tpu.memory_space<hbm>> -> memref<10000x64xf32, #tpu.memory_space<hbm>>
      %dma_wait3A_161 = tpu.memref_slice %arg10[%dma_wait3A_146] : memref<5x!tpu.dma_semaphore, #tpu.memory_space<semaphore_mem>> -> memref<1x!tpu.dma_semaphore, #tpu.memory_space<semaphore_mem>>
      %dma_wait3A_162 = tpu.memref_squeeze %dma_wait3A_161 : memref<1x!tpu.dma_semaphore, #tpu.memory_space<semaphore_mem>> -> memref<!tpu.dma_semaphore, #tpu.memory_space<semaphore_mem>>
      tpu.wait_indirect_dma semaphore(%dma_wait3A_162 : memref<!tpu.dma_semaphore, #tpu.memory_space<semaphore_mem>>) src(%dma_wait3A_160 : memref<10000x64xf32, #tpu.memory_space<hbm>>) dst(%dma_wait3A_150 : memref<125x64xf32, #tpu.memory_space<vmem>>)
      %add3A_163 = arith.constant 1 : i32
      %add3A_164 = arith.addi %mul3A_143, %add3A_163 : i32
      %dma_wait3A_165 = arith.constant 1 : i32
      %dma_wait3A_166 = arith.constant 1 : i32
      %dma_wait3A_167 = arith.constant 0 : i32
      %dma_wait3A_168 = arith.constant 0 : i32
      %dma_wait3A_169 = tpu.memref_slice %arg8[%dma_wait3A_165, %dma_wait3A_167, %dma_wait3A_168] : memref<5x125x64xf32, #tpu.memory_space<vmem>> -> memref<1x125x64xf32, #tpu.memory_space<vmem>>
      %dma_wait3A_170 = tpu.memref_squeeze %dma_wait3A_169 : memref<1x125x64xf32, #tpu.memory_space<vmem>> -> memref<125x64xf32, #tpu.memory_space<vmem>>
      %dma_wait3A_171 = arith.constant 0 : i32
      %dma_wait3A_172 = tpu.memref_slice %arg6[%add3A_164, %dma_wait3A_171] : memref<160x125xi32, #tpu.memory_space<vmem>> -> memref<1x125xi32, #tpu.memory_space<vmem>>
      %dma_wait3A_173 = tpu.memref_squeeze %dma_wait3A_172 : memref<1x125xi32, #tpu.memory_space<vmem>> -> memref<125xi32, #tpu.memory_space<vmem>>
      %dma_wait3A_174 = arith.constant 0 : i32
      %dma_wait3A_175 = arith.constant 0 : i32
      %dma_wait3A_176 = tpu.memref_slice %arg2[%arg0, %dma_wait3A_174, %dma_wait3A_175] : memref<2x10000x64xf32, #tpu.memory_space<hbm>> -> memref<1x10000x64xf32, #tpu.memory_space<hbm>>
      %dma_wait3A_177 = tpu.memref_squeeze %dma_wait3A_176 : memref<1x10000x64xf32, #tpu.memory_space<hbm>> -> memref<10000x64xf32, #tpu.memory_space<hbm>>
      %dma_wait3A_178 = arith.constant 0 : i32
      %dma_wait3A_179 = arith.constant 0 : i32
      %dma_wait3A_180 = tpu.memref_slice %dma_wait3A_177[%dma_wait3A_178, %dma_wait3A_179] : memref<10000x64xf32, #tpu.memory_space<hbm>> -> memref<10000x64xf32, #tpu.memory_space<hbm>>
      %dma_wait3A_181 = tpu.memref_slice %arg10[%dma_wait3A_166] : memref<5x!tpu.dma_semaphore, #tpu.memory_space<semaphore_mem>> -> memref<1x!tpu.dma_semaphore, #tpu.memory_space<semaphore_mem>>
      %dma_wait3A_182 = tpu.memref_squeeze %dma_wait3A_181 : memref<1x!tpu.dma_semaphore, #tpu.memory_space<semaphore_mem>> -> memref<!tpu.dma_semaphore, #tpu.memory_space<semaphore_mem>>
      tpu.wait_indirect_dma semaphore(%dma_wait3A_182 : memref<!tpu.dma_semaphore, #tpu.memory_space<semaphore_mem>>) src(%dma_wait3A_180 : memref<10000x64xf32, #tpu.memory_space<hbm>>) dst(%dma_wait3A_170 : memref<125x64xf32, #tpu.memory_space<vmem>>)
      %add3A_183 = arith.constant 2 : i32
      %add3A_184 = arith.addi %mul3A_143, %add3A_183 : i32
      %dma_wait3A_185 = arith.constant 2 : i32
      %dma_wait3A_186 = arith.constant 2 : i32
      %dma_wait3A_187 = arith.constant 0 : i32
      %dma_wait3A_188 = arith.constant 0 : i32
      %dma_wait3A_189 = tpu.memref_slice %arg8[%dma_wait3A_185, %dma_wait3A_187, %dma_wait3A_188] : memref<5x125x64xf32, #tpu.memory_space<vmem>> -> memref<1x125x64xf32, #tpu.memory_space<vmem>>
      %dma_wait3A_190 = tpu.memref_squeeze %dma_wait3A_189 : memref<1x125x64xf32, #tpu.memory_space<vmem>> -> memref<125x64xf32, #tpu.memory_space<vmem>>
      %dma_wait3A_191 = arith.constant 0 : i32
      %dma_wait3A_192 = tpu.memref_slice %arg6[%add3A_184, %dma_wait3A_191] : memref<160x125xi32, #tpu.memory_space<vmem>> -> memref<1x125xi32, #tpu.memory_space<vmem>>
      %dma_wait3A_193 = tpu.memref_squeeze %dma_wait3A_192 : memref<1x125xi32, #tpu.memory_space<vmem>> -> memref<125xi32, #tpu.memory_space<vmem>>
      %dma_wait3A_194 = arith.constant 0 : i32
      %dma_wait3A_195 = arith.constant 0 : i32
      %dma_wait3A_196 = tpu.memref_slice %arg2[%arg0, %dma_wait3A_194, %dma_wait3A_195] : memref<2x10000x64xf32, #tpu.memory_space<hbm>> -> memref<1x10000x64xf32, #tpu.memory_space<hbm>>
      %dma_wait3A_197 = tpu.memref_squeeze %dma_wait3A_196 : memref<1x10000x64xf32, #tpu.memory_space<hbm>> -> memref<10000x64xf32, #tpu.memory_space<hbm>>
      %dma_wait3A_198 = arith.constant 0 : i32
      %dma_wait3A_199 = arith.constant 0 : i32
      %dma_wait3A_200 = tpu.memref_slice %dma_wait3A_197[%dma_wait3A_198, %dma_wait3A_199] : memref<10000x64xf32, #tpu.memory_space<hbm>> -> memref<10000x64xf32, #tpu.memory_space<hbm>>
      %dma_wait3A_201 = tpu.memref_slice %arg10[%dma_wait3A_186] : memref<5x!tpu.dma_semaphore, #tpu.memory_space<semaphore_mem>> -> memref<1x!tpu.dma_semaphore, #tpu.memory_space<semaphore_mem>>
      %dma_wait3A_202 = tpu.memref_squeeze %dma_wait3A_201 : memref<1x!tpu.dma_semaphore, #tpu.memory_space<semaphore_mem>> -> memref<!tpu.dma_semaphore, #tpu.memory_space<semaphore_mem>>
      tpu.wait_indirect_dma semaphore(%dma_wait3A_202 : memref<!tpu.dma_semaphore, #tpu.memory_space<semaphore_mem>>) src(%dma_wait3A_200 : memref<10000x64xf32, #tpu.memory_space<hbm>>) dst(%dma_wait3A_190 : memref<125x64xf32, #tpu.memory_space<vmem>>)
      %add3A_203 = arith.constant 3 : i32
      %add3A_204 = arith.addi %mul3A_143, %add3A_203 : i32
      %dma_wait3A_205 = arith.constant 3 : i32
      %dma_wait3A_206 = arith.constant 3 : i32
      %dma_wait3A_207 = arith.constant 0 : i32
      %dma_wait3A_208 = arith.constant 0 : i32
      %dma_wait3A_209 = tpu.memref_slice %arg8[%dma_wait3A_205, %dma_wait3A_207, %dma_wait3A_208] : memref<5x125x64xf32, #tpu.memory_space<vmem>> -> memref<1x125x64xf32, #tpu.memory_space<vmem>>
      %dma_wait3A_210 = tpu.memref_squeeze %dma_wait3A_209 : memref<1x125x64xf32, #tpu.memory_space<vmem>> -> memref<125x64xf32, #tpu.memory_space<vmem>>
      %dma_wait3A_211 = arith.constant 0 : i32
      %dma_wait3A_212 = tpu.memref_slice %arg6[%add3A_204, %dma_wait3A_211] : memref<160x125xi32, #tpu.memory_space<vmem>> -> memref<1x125xi32, #tpu.memory_space<vmem>>
      %dma_wait3A_213 = tpu.memref_squeeze %dma_wait3A_212 : memref<1x125xi32, #tpu.memory_space<vmem>> -> memref<125xi32, #tpu.memory_space<vmem>>
      %dma_wait3A_214 = arith.constant 0 : i32
      %dma_wait3A_215 = arith.constant 0 : i32
      %dma_wait3A_216 = tpu.memref_slice %arg2[%arg0, %dma_wait3A_214, %dma_wait3A_215] : memref<2x10000x64xf32, #tpu.memory_space<hbm>> -> memref<1x10000x64xf32, #tpu.memory_space<hbm>>
      %dma_wait3A_217 = tpu.memref_squeeze %dma_wait3A_216 : memref<1x10000x64xf32, #tpu.memory_space<hbm>> -> memref<10000x64xf32, #tpu.memory_space<hbm>>
      %dma_wait3A_218 = arith.constant 0 : i32
      %dma_wait3A_219 = arith.constant 0 : i32
      %dma_wait3A_220 = tpu.memref_slice %dma_wait3A_217[%dma_wait3A_218, %dma_wait3A_219] : memref<10000x64xf32, #tpu.memory_space<hbm>> -> memref<10000x64xf32, #tpu.memory_space<hbm>>
      %dma_wait3A_221 = tpu.memref_slice %arg10[%dma_wait3A_206] : memref<5x!tpu.dma_semaphore, #tpu.memory_space<semaphore_mem>> -> memref<1x!tpu.dma_semaphore, #tpu.memory_space<semaphore_mem>>
      %dma_wait3A_222 = tpu.memref_squeeze %dma_wait3A_221 : memref<1x!tpu.dma_semaphore, #tpu.memory_space<semaphore_mem>> -> memref<!tpu.dma_semaphore, #tpu.memory_space<semaphore_mem>>
      tpu.wait_indirect_dma semaphore(%dma_wait3A_222 : memref<!tpu.dma_semaphore, #tpu.memory_space<semaphore_mem>>) src(%dma_wait3A_220 : memref<10000x64xf32, #tpu.memory_space<hbm>>) dst(%dma_wait3A_210 : memref<125x64xf32, #tpu.memory_space<vmem>>)
      %add3A_223 = arith.constant 4 : i32
      %add3A_224 = arith.addi %mul3A_143, %add3A_223 : i32
      %dma_wait3A_225 = arith.constant 4 : i32
      %dma_wait3A_226 = arith.constant 4 : i32
      %dma_wait3A_227 = arith.constant 0 : i32
      %dma_wait3A_228 = arith.constant 0 : i32
      %dma_wait3A_229 = tpu.memref_slice %arg8[%dma_wait3A_225, %dma_wait3A_227, %dma_wait3A_228] : memref<5x125x64xf32, #tpu.memory_space<vmem>> -> memref<1x125x64xf32, #tpu.memory_space<vmem>>
      %dma_wait3A_230 = tpu.memref_squeeze %dma_wait3A_229 : memref<1x125x64xf32, #tpu.memory_space<vmem>> -> memref<125x64xf32, #tpu.memory_space<vmem>>
      %dma_wait3A_231 = arith.constant 0 : i32
      %dma_wait3A_232 = tpu.memref_slice %arg6[%add3A_224, %dma_wait3A_231] : memref<160x125xi32, #tpu.memory_space<vmem>> -> memref<1x125xi32, #tpu.memory_space<vmem>>
      %dma_wait3A_233 = tpu.memref_squeeze %dma_wait3A_232 : memref<1x125xi32, #tpu.memory_space<vmem>> -> memref<125xi32, #tpu.memory_space<vmem>>
      %dma_wait3A_234 = arith.constant 0 : i32
      %dma_wait3A_235 = arith.constant 0 : i32
      %dma_wait3A_236 = tpu.memref_slice %arg2[%arg0, %dma_wait3A_234, %dma_wait3A_235] : memref<2x10000x64xf32, #tpu.memory_space<hbm>> -> memref<1x10000x64xf32, #tpu.memory_space<hbm>>
      %dma_wait3A_237 = tpu.memref_squeeze %dma_wait3A_236 : memref<1x10000x64xf32, #tpu.memory_space<hbm>> -> memref<10000x64xf32, #tpu.memory_space<hbm>>
      %dma_wait3A_238 = arith.constant 0 : i32
      %dma_wait3A_239 = arith.constant 0 : i32
      %dma_wait3A_240 = tpu.memref_slice %dma_wait3A_237[%dma_wait3A_238, %dma_wait3A_239] : memref<10000x64xf32, #tpu.memory_space<hbm>> -> memref<10000x64xf32, #tpu.memory_space<hbm>>
      %dma_wait3A_241 = tpu.memref_slice %arg10[%dma_wait3A_226] : memref<5x!tpu.dma_semaphore, #tpu.memory_space<semaphore_mem>> -> memref<1x!tpu.dma_semaphore, #tpu.memory_space<semaphore_mem>>
      %dma_wait3A_242 = tpu.memref_squeeze %dma_wait3A_241 : memref<1x!tpu.dma_semaphore, #tpu.memory_space<semaphore_mem>> -> memref<!tpu.dma_semaphore, #tpu.memory_space<semaphore_mem>>
      tpu.wait_indirect_dma semaphore(%dma_wait3A_242 : memref<!tpu.dma_semaphore, #tpu.memory_space<semaphore_mem>>) src(%dma_wait3A_240 : memref<10000x64xf32, #tpu.memory_space<hbm>>) dst(%dma_wait3A_230 : memref<125x64xf32, #tpu.memory_space<vmem>>)
      %add3A_243 = arith.constant 0 : i32
      %add3A_244 = arith.addi %mul3A_143, %add3A_243 : i32
      %dma_start3A_245 = arith.constant 0 : i32
      %dma_start3A_246 = arith.constant 0 : i32
      %dma_start3A_247 = arith.constant 0 : i32
      %dma_start3A_248 = arith.constant 0 : i32
      %dma_start3A_249 = tpu.memref_slice %arg8[%dma_start3A_245, %dma_start3A_247, %dma_start3A_248] : memref<5x125x64xf32, #tpu.memory_space<vmem>> -> memref<1x125x64xf32, #tpu.memory_space<vmem>>
      %dma_start3A_250 = tpu.memref_squeeze %dma_start3A_249 : memref<1x125x64xf32, #tpu.memory_space<vmem>> -> memref<125x64xf32, #tpu.memory_space<vmem>>
      %dma_start3A_251 = arith.constant 0 : i32
      %dma_start3A_252 = tpu.memref_slice %arg7[%add3A_244, %dma_start3A_251] : memref<160x125xi32, #tpu.memory_space<vmem>> -> memref<1x125xi32, #tpu.memory_space<vmem>>
      %dma_start3A_253 = tpu.memref_squeeze %dma_start3A_252 : memref<1x125xi32, #tpu.memory_space<vmem>> -> memref<125xi32, #tpu.memory_space<vmem>>
      %dma_start3A_254 = arith.constant 0 : i32
      %dma_start3A_255 = arith.constant 0 : i32
      %dma_start3A_256 = tpu.memref_slice %arg9[%dma_start3A_254, %dma_start3A_255] : memref<10112x64xf32, #tpu.memory_space<vmem_shared>> -> memref<10112x64xf32, #tpu.memory_space<vmem_shared>>
      %dma_start3A_257 = tpu.memref_slice %arg11[%dma_start3A_246] : memref<5x!tpu.dma_semaphore, #tpu.memory_space<semaphore_mem>> -> memref<1x!tpu.dma_semaphore, #tpu.memory_space<semaphore_mem>>
      %dma_start3A_258 = tpu.memref_squeeze %dma_start3A_257 : memref<1x!tpu.dma_semaphore, #tpu.memory_space<semaphore_mem>> -> memref<!tpu.dma_semaphore, #tpu.memory_space<semaphore_mem>>
      tpu.enqueue_indirect_dma source(%dma_start3A_250 : memref<125x64xf32, #tpu.memory_space<vmem>>) target(%dma_start3A_256 : memref<10112x64xf32, #tpu.memory_space<vmem_shared>>) offsets(%dma_start3A_253 : memref<125xi32, #tpu.memory_space<vmem>>) semaphore(%dma_start3A_258 : memref<!tpu.dma_semaphore, #tpu.memory_space<semaphore_mem>>) {add = true}
      %add3A_259 = arith.constant 1 : i32
      %add3A_260 = arith.addi %mul3A_143, %add3A_259 : i32
      %dma_start3A_261 = arith.constant 1 : i32
      %dma_start3A_262 = arith.constant 1 : i32
      %dma_start3A_263 = arith.constant 0 : i32
      %dma_start3A_264 = arith.constant 0 : i32
      %dma_start3A_265 = tpu.memref_slice %arg8[%dma_start3A_261, %dma_start3A_263, %dma_start3A_264] : memref<5x125x64xf32, #tpu.memory_space<vmem>> -> memref<1x125x64xf32, #tpu.memory_space<vmem>>
      %dma_start3A_266 = tpu.memref_squeeze %dma_start3A_265 : memref<1x125x64xf32, #tpu.memory_space<vmem>> -> memref<125x64xf32, #tpu.memory_space<vmem>>
      %dma_start3A_267 = arith.constant 0 : i32
      %dma_start3A_268 = tpu.memref_slice %arg7[%add3A_260, %dma_start3A_267] : memref<160x125xi32, #tpu.memory_space<vmem>> -> memref<1x125xi32, #tpu.memory_space<vmem>>
      %dma_start3A_269 = tpu.memref_squeeze %dma_start3A_268 : memref<1x125xi32, #tpu.memory_space<vmem>> -> memref<125xi32, #tpu.memory_space<vmem>>
      %dma_start3A_270 = arith.constant 0 : i32
      %dma_start3A_271 = arith.constant 0 : i32
      %dma_start3A_272 = tpu.memref_slice %arg9[%dma_start3A_270, %dma_start3A_271] : memref<10112x64xf32, #tpu.memory_space<vmem_shared>> -> memref<10112x64xf32, #tpu.memory_space<vmem_shared>>
      %dma_start3A_273 = tpu.memref_slice %arg11[%dma_start3A_262] : memref<5x!tpu.dma_semaphore, #tpu.memory_space<semaphore_mem>> -> memref<1x!tpu.dma_semaphore, #tpu.memory_space<semaphore_mem>>
      %dma_start3A_274 = tpu.memref_squeeze %dma_start3A_273 : memref<1x!tpu.dma_semaphore, #tpu.memory_space<semaphore_mem>> -> memref<!tpu.dma_semaphore, #tpu.memory_space<semaphore_mem>>
      tpu.enqueue_indirect_dma source(%dma_start3A_266 : memref<125x64xf32, #tpu.memory_space<vmem>>) target(%dma_start3A_272 : memref<10112x64xf32, #tpu.memory_space<vmem_shared>>) offsets(%dma_start3A_269 : memref<125xi32, #tpu.memory_space<vmem>>) semaphore(%dma_start3A_274 : memref<!tpu.dma_semaphore, #tpu.memory_space<semaphore_mem>>) {add = true}
      %add3A_275 = arith.constant 2 : i32
      %add3A_276 = arith.addi %mul3A_143, %add3A_275 : i32
      %dma_start3A_277 = arith.constant 2 : i32
      %dma_start3A_278 = arith.constant 2 : i32
      %dma_start3A_279 = arith.constant 0 : i32
      %dma_start3A_280 = arith.constant 0 : i32
      %dma_start3A_281 = tpu.memref_slice %arg8[%dma_start3A_277, %dma_start3A_279, %dma_start3A_280] : memref<5x125x64xf32, #tpu.memory_space<vmem>> -> memref<1x125x64xf32, #tpu.memory_space<vmem>>
      %dma_start3A_282 = tpu.memref_squeeze %dma_start3A_281 : memref<1x125x64xf32, #tpu.memory_space<vmem>> -> memref<125x64xf32, #tpu.memory_space<vmem>>
      %dma_start3A_283 = arith.constant 0 : i32
      %dma_start3A_284 = tpu.memref_slice %arg7[%add3A_276, %dma_start3A_283] : memref<160x125xi32, #tpu.memory_space<vmem>> -> memref<1x125xi32, #tpu.memory_space<vmem>>
      %dma_start3A_285 = tpu.memref_squeeze %dma_start3A_284 : memref<1x125xi32, #tpu.memory_space<vmem>> -> memref<125xi32, #tpu.memory_space<vmem>>
      %dma_start3A_286 = arith.constant 0 : i32
      %dma_start3A_287 = arith.constant 0 : i32
      %dma_start3A_288 = tpu.memref_slice %arg9[%dma_start3A_286, %dma_start3A_287] : memref<10112x64xf32, #tpu.memory_space<vmem_shared>> -> memref<10112x64xf32, #tpu.memory_space<vmem_shared>>
      %dma_start3A_289 = tpu.memref_slice %arg11[%dma_start3A_278] : memref<5x!tpu.dma_semaphore, #tpu.memory_space<semaphore_mem>> -> memref<1x!tpu.dma_semaphore, #tpu.memory_space<semaphore_mem>>
      %dma_start3A_290 = tpu.memref_squeeze %dma_start3A_289 : memref<1x!tpu.dma_semaphore, #tpu.memory_space<semaphore_mem>> -> memref<!tpu.dma_semaphore, #tpu.memory_space<semaphore_mem>>
      tpu.enqueue_indirect_dma source(%dma_start3A_282 : memref<125x64xf32, #tpu.memory_space<vmem>>) target(%dma_start3A_288 : memref<10112x64xf32, #tpu.memory_space<vmem_shared>>) offsets(%dma_start3A_285 : memref<125xi32, #tpu.memory_space<vmem>>) semaphore(%dma_start3A_290 : memref<!tpu.dma_semaphore, #tpu.memory_space<semaphore_mem>>) {add = true}
      %add3A_291 = arith.constant 3 : i32
      %add3A_292 = arith.addi %mul3A_143, %add3A_291 : i32
      %dma_start3A_293 = arith.constant 3 : i32
      %dma_start3A_294 = arith.constant 3 : i32
      %dma_start3A_295 = arith.constant 0 : i32
      %dma_start3A_296 = arith.constant 0 : i32
      %dma_start3A_297 = tpu.memref_slice %arg8[%dma_start3A_293, %dma_start3A_295, %dma_start3A_296] : memref<5x125x64xf32, #tpu.memory_space<vmem>> -> memref<1x125x64xf32, #tpu.memory_space<vmem>>
      %dma_start3A_298 = tpu.memref_squeeze %dma_start3A_297 : memref<1x125x64xf32, #tpu.memory_space<vmem>> -> memref<125x64xf32, #tpu.memory_space<vmem>>
      %dma_start3A_299 = arith.constant 0 : i32
      %dma_start3A_300 = tpu.memref_slice %arg7[%add3A_292, %dma_start3A_299] : memref<160x125xi32, #tpu.memory_space<vmem>> -> memref<1x125xi32, #tpu.memory_space<vmem>>
      %dma_start3A_301 = tpu.memref_squeeze %dma_start3A_300 : memref<1x125xi32, #tpu.memory_space<vmem>> -> memref<125xi32, #tpu.memory_space<vmem>>
      %dma_start3A_302 = arith.constant 0 : i32
      %dma_start3A_303 = arith.constant 0 : i32
      %dma_start3A_304 = tpu.memref_slice %arg9[%dma_start3A_302, %dma_start3A_303] : memref<10112x64xf32, #tpu.memory_space<vmem_shared>> -> memref<10112x64xf32, #tpu.memory_space<vmem_shared>>
      %dma_start3A_305 = tpu.memref_slice %arg11[%dma_start3A_294] : memref<5x!tpu.dma_semaphore, #tpu.memory_space<semaphore_mem>> -> memref<1x!tpu.dma_semaphore, #tpu.memory_space<semaphore_mem>>
      %dma_start3A_306 = tpu.memref_squeeze %dma_start3A_305 : memref<1x!tpu.dma_semaphore, #tpu.memory_space<semaphore_mem>> -> memref<!tpu.dma_semaphore, #tpu.memory_space<semaphore_mem>>
      tpu.enqueue_indirect_dma source(%dma_start3A_298 : memref<125x64xf32, #tpu.memory_space<vmem>>) target(%dma_start3A_304 : memref<10112x64xf32, #tpu.memory_space<vmem_shared>>) offsets(%dma_start3A_301 : memref<125xi32, #tpu.memory_space<vmem>>) semaphore(%dma_start3A_306 : memref<!tpu.dma_semaphore, #tpu.memory_space<semaphore_mem>>) {add = true}
      %add3A_307 = arith.constant 4 : i32
      %add3A_308 = arith.addi %mul3A_143, %add3A_307 : i32
      %dma_start3A_309 = arith.constant 4 : i32
      %dma_start3A_310 = arith.constant 4 : i32
      %dma_start3A_311 = arith.constant 0 : i32
      %dma_start3A_312 = arith.constant 0 : i32
      %dma_start3A_313 = tpu.memref_slice %arg8[%dma_start3A_309, %dma_start3A_311, %dma_start3A_312] : memref<5x125x64xf32, #tpu.memory_space<vmem>> -> memref<1x125x64xf32, #tpu.memory_space<vmem>>
      %dma_start3A_314 = tpu.memref_squeeze %dma_start3A_313 : memref<1x125x64xf32, #tpu.memory_space<vmem>> -> memref<125x64xf32, #tpu.memory_space<vmem>>
      %dma_start3A_315 = arith.constant 0 : i32
      %dma_start3A_316 = tpu.memref_slice %arg7[%add3A_308, %dma_start3A_315] : memref<160x125xi32, #tpu.memory_space<vmem>> -> memref<1x125xi32, #tpu.memory_space<vmem>>
      %dma_start3A_317 = tpu.memref_squeeze %dma_start3A_316 : memref<1x125xi32, #tpu.memory_space<vmem>> -> memref<125xi32, #tpu.memory_space<vmem>>
      %dma_start3A_318 = arith.constant 0 : i32
      %dma_start3A_319 = arith.constant 0 : i32
      %dma_start3A_320 = tpu.memref_slice %arg9[%dma_start3A_318, %dma_start3A_319] : memref<10112x64xf32, #tpu.memory_space<vmem_shared>> -> memref<10112x64xf32, #tpu.memory_space<vmem_shared>>
      %dma_start3A_321 = tpu.memref_slice %arg11[%dma_start3A_310] : memref<5x!tpu.dma_semaphore, #tpu.memory_space<semaphore_mem>> -> memref<1x!tpu.dma_semaphore, #tpu.memory_space<semaphore_mem>>
      %dma_start3A_322 = tpu.memref_squeeze %dma_start3A_321 : memref<1x!tpu.dma_semaphore, #tpu.memory_space<semaphore_mem>> -> memref<!tpu.dma_semaphore, #tpu.memory_space<semaphore_mem>>
      tpu.enqueue_indirect_dma source(%dma_start3A_314 : memref<125x64xf32, #tpu.memory_space<vmem>>) target(%dma_start3A_320 : memref<10112x64xf32, #tpu.memory_space<vmem_shared>>) offsets(%dma_start3A_317 : memref<125xi32, #tpu.memory_space<vmem>>) semaphore(%dma_start3A_322 : memref<!tpu.dma_semaphore, #tpu.memory_space<semaphore_mem>>) {add = true}
      %dma_wait3A_323 = arith.constant 0 : i32
      %dma_wait3A_324 = arith.constant 0 : i32
      %dma_wait3A_325 = arith.constant 0 : i32
      %dma_wait3A_326 = arith.constant 0 : i32
      %dma_wait3A_327 = tpu.memref_slice %arg8[%dma_wait3A_323, %dma_wait3A_325, %dma_wait3A_326] : memref<5x125x64xf32, #tpu.memory_space<vmem>> -> memref<1x125x64xf32, #tpu.memory_space<vmem>>
      %dma_wait3A_328 = tpu.memref_squeeze %dma_wait3A_327 : memref<1x125x64xf32, #tpu.memory_space<vmem>> -> memref<125x64xf32, #tpu.memory_space<vmem>>
      %dma_wait3A_329 = arith.constant 0 : i32
      %dma_wait3A_330 = tpu.memref_slice %arg7[%add3A_244, %dma_wait3A_329] : memref<160x125xi32, #tpu.memory_space<vmem>> -> memref<1x125xi32, #tpu.memory_space<vmem>>
      %dma_wait3A_331 = tpu.memref_squeeze %dma_wait3A_330 : memref<1x125xi32, #tpu.memory_space<vmem>> -> memref<125xi32, #tpu.memory_space<vmem>>
      %dma_wait3A_332 = arith.constant 0 : i32
      %dma_wait3A_333 = arith.constant 0 : i32
      %dma_wait3A_334 = tpu.memref_slice %arg9[%dma_wait3A_332, %dma_wait3A_333] : memref<10112x64xf32, #tpu.memory_space<vmem_shared>> -> memref<10112x64xf32, #tpu.memory_space<vmem_shared>>
      %dma_wait3A_335 = tpu.memref_slice %arg11[%dma_wait3A_324] : memref<5x!tpu.dma_semaphore, #tpu.memory_space<semaphore_mem>> -> memref<1x!tpu.dma_semaphore, #tpu.memory_space<semaphore_mem>>
      %dma_wait3A_336 = tpu.memref_squeeze %dma_wait3A_335 : memref<1x!tpu.dma_semaphore, #tpu.memory_space<semaphore_mem>> -> memref<!tpu.dma_semaphore, #tpu.memory_space<semaphore_mem>>
      tpu.wait_indirect_dma semaphore(%dma_wait3A_336 : memref<!tpu.dma_semaphore, #tpu.memory_space<semaphore_mem>>) src(%dma_wait3A_328 : memref<125x64xf32, #tpu.memory_space<vmem>>) dst(%dma_wait3A_334 : memref<10112x64xf32, #tpu.memory_space<vmem_shared>>)
      %add3A_337 = arith.constant 5 : i32
      %add3A_338 = arith.addi %mul3A_143, %add3A_337 : i32
      %lt3A = arith.constant 160 : i32
      %lt3A_339 = arith.cmpi slt, %add3A_338, %lt3A : i32
      %convert_element_type3A = arith.extui %lt3A_339 : i1 to i32
      %cond3A = arith.constant 0 : i32
      %cond3A_340 = arith.cmpi ne, %convert_element_type3A, %cond3A : i32
      scf.if %cond3A_340 {
        %add3A_426 = arith.constant 0 : i32
        %add3A_427 = arith.addi %mul3A_143, %add3A_426 : i32
        %add3A_428 = arith.constant 5 : i32
        %add3A_429 = arith.addi %add3A_427, %add3A_428 : i32
        %dma_start3A_430 = arith.constant 0 : i32
        %dma_start3A_431 = arith.constant 0 : i32
        %dma_start3A_432 = arith.constant 0 : i32
        %dma_start3A_433 = arith.constant 0 : i32
        %dma_start3A_434 = tpu.memref_slice %arg8[%dma_start3A_430, %dma_start3A_432, %dma_start3A_433] : memref<5x125x64xf32, #tpu.memory_space<vmem>> -> memref<1x125x64xf32, #tpu.memory_space<vmem>>
        %dma_start3A_435 = tpu.memref_squeeze %dma_start3A_434 : memref<1x125x64xf32, #tpu.memory_space<vmem>> -> memref<125x64xf32, #tpu.memory_space<vmem>>
        %dma_start3A_436 = arith.constant 0 : i32
        %dma_start3A_437 = tpu.memref_slice %arg6[%add3A_429, %dma_start3A_436] : memref<160x125xi32, #tpu.memory_space<vmem>> -> memref<1x125xi32, #tpu.memory_space<vmem>>
        %dma_start3A_438 = tpu.memref_squeeze %dma_start3A_437 : memref<1x125xi32, #tpu.memory_space<vmem>> -> memref<125xi32, #tpu.memory_space<vmem>>
        %dma_start3A_439 = arith.constant 0 : i32
        %dma_start3A_440 = arith.constant 0 : i32
        %dma_start3A_441 = tpu.memref_slice %arg2[%arg0, %dma_start3A_439, %dma_start3A_440] : memref<2x10000x64xf32, #tpu.memory_space<hbm>> -> memref<1x10000x64xf32, #tpu.memory_space<hbm>>
        %dma_start3A_442 = tpu.memref_squeeze %dma_start3A_441 : memref<1x10000x64xf32, #tpu.memory_space<hbm>> -> memref<10000x64xf32, #tpu.memory_space<hbm>>
        %dma_start3A_443 = arith.constant 0 : i32
        %dma_start3A_444 = arith.constant 0 : i32
        %dma_start3A_445 = tpu.memref_slice %dma_start3A_442[%dma_start3A_443, %dma_start3A_444] : memref<10000x64xf32, #tpu.memory_space<hbm>> -> memref<10000x64xf32, #tpu.memory_space<hbm>>
        %dma_start3A_446 = tpu.memref_slice %arg10[%dma_start3A_431] : memref<5x!tpu.dma_semaphore, #tpu.memory_space<semaphore_mem>> -> memref<1x!tpu.dma_semaphore, #tpu.memory_space<semaphore_mem>>
        %dma_start3A_447 = tpu.memref_squeeze %dma_start3A_446 : memref<1x!tpu.dma_semaphore, #tpu.memory_space<semaphore_mem>> -> memref<!tpu.dma_semaphore, #tpu.memory_space<semaphore_mem>>
        tpu.enqueue_indirect_dma source(%dma_start3A_445 : memref<10000x64xf32, #tpu.memory_space<hbm>>) target(%dma_start3A_435 : memref<125x64xf32, #tpu.memory_space<vmem>>) offsets(%dma_start3A_438 : memref<125xi32, #tpu.memory_space<vmem>>) semaphore(%dma_start3A_447 : memref<!tpu.dma_semaphore, #tpu.memory_space<semaphore_mem>>)
      } else {
      }
      %dma_wait3A_341 = arith.constant 1 : i32
      %dma_wait3A_342 = arith.constant 1 : i32
      %dma_wait3A_343 = arith.constant 0 : i32
      %dma_wait3A_344 = arith.constant 0 : i32
      %dma_wait3A_345 = tpu.memref_slice %arg8[%dma_wait3A_341, %dma_wait3A_343, %dma_wait3A_344] : memref<5x125x64xf32, #tpu.memory_space<vmem>> -> memref<1x125x64xf32, #tpu.memory_space<vmem>>
      %dma_wait3A_346 = tpu.memref_squeeze %dma_wait3A_345 : memref<1x125x64xf32, #tpu.memory_space<vmem>> -> memref<125x64xf32, #tpu.memory_space<vmem>>
      %dma_wait3A_347 = arith.constant 0 : i32
      %dma_wait3A_348 = tpu.memref_slice %arg7[%add3A_260, %dma_wait3A_347] : memref<160x125xi32, #tpu.memory_space<vmem>> -> memref<1x125xi32, #tpu.memory_space<vmem>>
      %dma_wait3A_349 = tpu.memref_squeeze %dma_wait3A_348 : memref<1x125xi32, #tpu.memory_space<vmem>> -> memref<125xi32, #tpu.memory_space<vmem>>
      %dma_wait3A_350 = arith.constant 0 : i32
      %dma_wait3A_351 = arith.constant 0 : i32
      %dma_wait3A_352 = tpu.memref_slice %arg9[%dma_wait3A_350, %dma_wait3A_351] : memref<10112x64xf32, #tpu.memory_space<vmem_shared>> -> memref<10112x64xf32, #tpu.memory_space<vmem_shared>>
      %dma_wait3A_353 = tpu.memref_slice %arg11[%dma_wait3A_342] : memref<5x!tpu.dma_semaphore, #tpu.memory_space<semaphore_mem>> -> memref<1x!tpu.dma_semaphore, #tpu.memory_space<semaphore_mem>>
      %dma_wait3A_354 = tpu.memref_squeeze %dma_wait3A_353 : memref<1x!tpu.dma_semaphore, #tpu.memory_space<semaphore_mem>> -> memref<!tpu.dma_semaphore, #tpu.memory_space<semaphore_mem>>
      tpu.wait_indirect_dma semaphore(%dma_wait3A_354 : memref<!tpu.dma_semaphore, #tpu.memory_space<semaphore_mem>>) src(%dma_wait3A_346 : memref<125x64xf32, #tpu.memory_space<vmem>>) dst(%dma_wait3A_352 : memref<10112x64xf32, #tpu.memory_space<vmem_shared>>)
      %add3A_355 = arith.constant 5 : i32
      %add3A_356 = arith.addi %mul3A_143, %add3A_355 : i32
      %lt3A_357 = arith.constant 160 : i32
      %lt3A_358 = arith.cmpi slt, %add3A_356, %lt3A_357 : i32
      %convert_element_type3A_359 = arith.extui %lt3A_358 : i1 to i32
      %cond3A_360 = arith.constant 0 : i32
      %cond3A_361 = arith.cmpi ne, %convert_element_type3A_359, %cond3A_360 : i32
      scf.if %cond3A_361 {
        %add3A_426 = arith.constant 1 : i32
        %add3A_427 = arith.addi %mul3A_143, %add3A_426 : i32
        %add3A_428 = arith.constant 5 : i32
        %add3A_429 = arith.addi %add3A_427, %add3A_428 : i32
        %dma_start3A_430 = arith.constant 1 : i32
        %dma_start3A_431 = arith.constant 1 : i32
        %dma_start3A_432 = arith.constant 0 : i32
        %dma_start3A_433 = arith.constant 0 : i32
        %dma_start3A_434 = tpu.memref_slice %arg8[%dma_start3A_430, %dma_start3A_432, %dma_start3A_433] : memref<5x125x64xf32, #tpu.memory_space<vmem>> -> memref<1x125x64xf32, #tpu.memory_space<vmem>>
        %dma_start3A_435 = tpu.memref_squeeze %dma_start3A_434 : memref<1x125x64xf32, #tpu.memory_space<vmem>> -> memref<125x64xf32, #tpu.memory_space<vmem>>
        %dma_start3A_436 = arith.constant 0 : i32
        %dma_start3A_437 = tpu.memref_slice %arg6[%add3A_429, %dma_start3A_436] : memref<160x125xi32, #tpu.memory_space<vmem>> -> memref<1x125xi32, #tpu.memory_space<vmem>>
        %dma_start3A_438 = tpu.memref_squeeze %dma_start3A_437 : memref<1x125xi32, #tpu.memory_space<vmem>> -> memref<125xi32, #tpu.memory_space<vmem>>
        %dma_start3A_439 = arith.constant 0 : i32
        %dma_start3A_440 = arith.constant 0 : i32
        %dma_start3A_441 = tpu.memref_slice %arg2[%arg0, %dma_start3A_439, %dma_start3A_440] : memref<2x10000x64xf32, #tpu.memory_space<hbm>> -> memref<1x10000x64xf32, #tpu.memory_space<hbm>>
        %dma_start3A_442 = tpu.memref_squeeze %dma_start3A_441 : memref<1x10000x64xf32, #tpu.memory_space<hbm>> -> memref<10000x64xf32, #tpu.memory_space<hbm>>
        %dma_start3A_443 = arith.constant 0 : i32
        %dma_start3A_444 = arith.constant 0 : i32
        %dma_start3A_445 = tpu.memref_slice %dma_start3A_442[%dma_start3A_443, %dma_start3A_444] : memref<10000x64xf32, #tpu.memory_space<hbm>> -> memref<10000x64xf32, #tpu.memory_space<hbm>>
        %dma_start3A_446 = tpu.memref_slice %arg10[%dma_start3A_431] : memref<5x!tpu.dma_semaphore, #tpu.memory_space<semaphore_mem>> -> memref<1x!tpu.dma_semaphore, #tpu.memory_space<semaphore_mem>>
        %dma_start3A_447 = tpu.memref_squeeze %dma_start3A_446 : memref<1x!tpu.dma_semaphore, #tpu.memory_space<semaphore_mem>> -> memref<!tpu.dma_semaphore, #tpu.memory_space<semaphore_mem>>
        tpu.enqueue_indirect_dma source(%dma_start3A_445 : memref<10000x64xf32, #tpu.memory_space<hbm>>) target(%dma_start3A_435 : memref<125x64xf32, #tpu.memory_space<vmem>>) offsets(%dma_start3A_438 : memref<125xi32, #tpu.memory_space<vmem>>) semaphore(%dma_start3A_447 : memref<!tpu.dma_semaphore, #tpu.memory_space<semaphore_mem>>)
      } else {
      }
      %dma_wait3A_362 = arith.constant 2 : i32
      %dma_wait3A_363 = arith.constant 2 : i32
      %dma_wait3A_364 = arith.constant 0 : i32
      %dma_wait3A_365 = arith.constant 0 : i32
      %dma_wait3A_366 = tpu.memref_slice %arg8[%dma_wait3A_362, %dma_wait3A_364, %dma_wait3A_365] : memref<5x125x64xf32, #tpu.memory_space<vmem>> -> memref<1x125x64xf32, #tpu.memory_space<vmem>>
      %dma_wait3A_367 = tpu.memref_squeeze %dma_wait3A_366 : memref<1x125x64xf32, #tpu.memory_space<vmem>> -> memref<125x64xf32, #tpu.memory_space<vmem>>
      %dma_wait3A_368 = arith.constant 0 : i32
      %dma_wait3A_369 = tpu.memref_slice %arg7[%add3A_276, %dma_wait3A_368] : memref<160x125xi32, #tpu.memory_space<vmem>> -> memref<1x125xi32, #tpu.memory_space<vmem>>
      %dma_wait3A_370 = tpu.memref_squeeze %dma_wait3A_369 : memref<1x125xi32, #tpu.memory_space<vmem>> -> memref<125xi32, #tpu.memory_space<vmem>>
      %dma_wait3A_371 = arith.constant 0 : i32
      %dma_wait3A_372 = arith.constant 0 : i32
      %dma_wait3A_373 = tpu.memref_slice %arg9[%dma_wait3A_371, %dma_wait3A_372] : memref<10112x64xf32, #tpu.memory_space<vmem_shared>> -> memref<10112x64xf32, #tpu.memory_space<vmem_shared>>
      %dma_wait3A_374 = tpu.memref_slice %arg11[%dma_wait3A_363] : memref<5x!tpu.dma_semaphore, #tpu.memory_space<semaphore_mem>> -> memref<1x!tpu.dma_semaphore, #tpu.memory_space<semaphore_mem>>
      %dma_wait3A_375 = tpu.memref_squeeze %dma_wait3A_374 : memref<1x!tpu.dma_semaphore, #tpu.memory_space<semaphore_mem>> -> memref<!tpu.dma_semaphore, #tpu.memory_space<semaphore_mem>>
      tpu.wait_indirect_dma semaphore(%dma_wait3A_375 : memref<!tpu.dma_semaphore, #tpu.memory_space<semaphore_mem>>) src(%dma_wait3A_367 : memref<125x64xf32, #tpu.memory_space<vmem>>) dst(%dma_wait3A_373 : memref<10112x64xf32, #tpu.memory_space<vmem_shared>>)
      %add3A_376 = arith.constant 5 : i32
      %add3A_377 = arith.addi %mul3A_143, %add3A_376 : i32
      %lt3A_378 = arith.constant 160 : i32
      %lt3A_379 = arith.cmpi slt, %add3A_377, %lt3A_378 : i32
      %convert_element_type3A_380 = arith.extui %lt3A_379 : i1 to i32
      %cond3A_381 = arith.constant 0 : i32
      %cond3A_382 = arith.cmpi ne, %convert_element_type3A_380, %cond3A_381 : i32
      scf.if %cond3A_382 {
        %add3A_426 = arith.constant 2 : i32
        %add3A_427 = arith.addi %mul3A_143, %add3A_426 : i32
        %add3A_428 = arith.constant 5 : i32
        %add3A_429 = arith.addi %add3A_427, %add3A_428 : i32
        %dma_start3A_430 = arith.constant 2 : i32
        %dma_start3A_431 = arith.constant 2 : i32
        %dma_start3A_432 = arith.constant 0 : i32
        %dma_start3A_433 = arith.constant 0 : i32
        %dma_start3A_434 = tpu.memref_slice %arg8[%dma_start3A_430, %dma_start3A_432, %dma_start3A_433] : memref<5x125x64xf32, #tpu.memory_space<vmem>> -> memref<1x125x64xf32, #tpu.memory_space<vmem>>
        %dma_start3A_435 = tpu.memref_squeeze %dma_start3A_434 : memref<1x125x64xf32, #tpu.memory_space<vmem>> -> memref<125x64xf32, #tpu.memory_space<vmem>>
        %dma_start3A_436 = arith.constant 0 : i32
        %dma_start3A_437 = tpu.memref_slice %arg6[%add3A_429, %dma_start3A_436] : memref<160x125xi32, #tpu.memory_space<vmem>> -> memref<1x125xi32, #tpu.memory_space<vmem>>
        %dma_start3A_438 = tpu.memref_squeeze %dma_start3A_437 : memref<1x125xi32, #tpu.memory_space<vmem>> -> memref<125xi32, #tpu.memory_space<vmem>>
        %dma_start3A_439 = arith.constant 0 : i32
        %dma_start3A_440 = arith.constant 0 : i32
        %dma_start3A_441 = tpu.memref_slice %arg2[%arg0, %dma_start3A_439, %dma_start3A_440] : memref<2x10000x64xf32, #tpu.memory_space<hbm>> -> memref<1x10000x64xf32, #tpu.memory_space<hbm>>
        %dma_start3A_442 = tpu.memref_squeeze %dma_start3A_441 : memref<1x10000x64xf32, #tpu.memory_space<hbm>> -> memref<10000x64xf32, #tpu.memory_space<hbm>>
        %dma_start3A_443 = arith.constant 0 : i32
        %dma_start3A_444 = arith.constant 0 : i32
        %dma_start3A_445 = tpu.memref_slice %dma_start3A_442[%dma_start3A_443, %dma_start3A_444] : memref<10000x64xf32, #tpu.memory_space<hbm>> -> memref<10000x64xf32, #tpu.memory_space<hbm>>
        %dma_start3A_446 = tpu.memref_slice %arg10[%dma_start3A_431] : memref<5x!tpu.dma_semaphore, #tpu.memory_space<semaphore_mem>> -> memref<1x!tpu.dma_semaphore, #tpu.memory_space<semaphore_mem>>
        %dma_start3A_447 = tpu.memref_squeeze %dma_start3A_446 : memref<1x!tpu.dma_semaphore, #tpu.memory_space<semaphore_mem>> -> memref<!tpu.dma_semaphore, #tpu.memory_space<semaphore_mem>>
        tpu.enqueue_indirect_dma source(%dma_start3A_445 : memref<10000x64xf32, #tpu.memory_space<hbm>>) target(%dma_start3A_435 : memref<125x64xf32, #tpu.memory_space<vmem>>) offsets(%dma_start3A_438 : memref<125xi32, #tpu.memory_space<vmem>>) semaphore(%dma_start3A_447 : memref<!tpu.dma_semaphore, #tpu.memory_space<semaphore_mem>>)
      } else {
      }
      %dma_wait3A_383 = arith.constant 3 : i32
      %dma_wait3A_384 = arith.constant 3 : i32
      %dma_wait3A_385 = arith.constant 0 : i32
      %dma_wait3A_386 = arith.constant 0 : i32
      %dma_wait3A_387 = tpu.memref_slice %arg8[%dma_wait3A_383, %dma_wait3A_385, %dma_wait3A_386] : memref<5x125x64xf32, #tpu.memory_space<vmem>> -> memref<1x125x64xf32, #tpu.memory_space<vmem>>
      %dma_wait3A_388 = tpu.memref_squeeze %dma_wait3A_387 : memref<1x125x64xf32, #tpu.memory_space<vmem>> -> memref<125x64xf32, #tpu.memory_space<vmem>>
      %dma_wait3A_389 = arith.constant 0 : i32
      %dma_wait3A_390 = tpu.memref_slice %arg7[%add3A_292, %dma_wait3A_389] : memref<160x125xi32, #tpu.memory_space<vmem>> -> memref<1x125xi32, #tpu.memory_space<vmem>>
      %dma_wait3A_391 = tpu.memref_squeeze %dma_wait3A_390 : memref<1x125xi32, #tpu.memory_space<vmem>> -> memref<125xi32, #tpu.memory_space<vmem>>
      %dma_wait3A_392 = arith.constant 0 : i32
      %dma_wait3A_393 = arith.constant 0 : i32
      %dma_wait3A_394 = tpu.memref_slice %arg9[%dma_wait3A_392, %dma_wait3A_393] : memref<10112x64xf32, #tpu.memory_space<vmem_shared>> -> memref<10112x64xf32, #tpu.memory_space<vmem_shared>>
      %dma_wait3A_395 = tpu.memref_slice %arg11[%dma_wait3A_384] : memref<5x!tpu.dma_semaphore, #tpu.memory_space<semaphore_mem>> -> memref<1x!tpu.dma_semaphore, #tpu.memory_space<semaphore_mem>>
      %dma_wait3A_396 = tpu.memref_squeeze %dma_wait3A_395 : memref<1x!tpu.dma_semaphore, #tpu.memory_space<semaphore_mem>> -> memref<!tpu.dma_semaphore, #tpu.memory_space<semaphore_mem>>
      tpu.wait_indirect_dma semaphore(%dma_wait3A_396 : memref<!tpu.dma_semaphore, #tpu.memory_space<semaphore_mem>>) src(%dma_wait3A_388 : memref<125x64xf32, #tpu.memory_space<vmem>>) dst(%dma_wait3A_394 : memref<10112x64xf32, #tpu.memory_space<vmem_shared>>)
      %add3A_397 = arith.constant 5 : i32
      %add3A_398 = arith.addi %mul3A_143, %add3A_397 : i32
      %lt3A_399 = arith.constant 160 : i32
      %lt3A_400 = arith.cmpi slt, %add3A_398, %lt3A_399 : i32
      %convert_element_type3A_401 = arith.extui %lt3A_400 : i1 to i32
      %cond3A_402 = arith.constant 0 : i32
      %cond3A_403 = arith.cmpi ne, %convert_element_type3A_401, %cond3A_402 : i32
      scf.if %cond3A_403 {
        %add3A_426 = arith.constant 3 : i32
        %add3A_427 = arith.addi %mul3A_143, %add3A_426 : i32
        %add3A_428 = arith.constant 5 : i32
        %add3A_429 = arith.addi %add3A_427, %add3A_428 : i32
        %dma_start3A_430 = arith.constant 3 : i32
        %dma_start3A_431 = arith.constant 3 : i32
        %dma_start3A_432 = arith.constant 0 : i32
        %dma_start3A_433 = arith.constant 0 : i32
        %dma_start3A_434 = tpu.memref_slice %arg8[%dma_start3A_430, %dma_start3A_432, %dma_start3A_433] : memref<5x125x64xf32, #tpu.memory_space<vmem>> -> memref<1x125x64xf32, #tpu.memory_space<vmem>>
        %dma_start3A_435 = tpu.memref_squeeze %dma_start3A_434 : memref<1x125x64xf32, #tpu.memory_space<vmem>> -> memref<125x64xf32, #tpu.memory_space<vmem>>
        %dma_start3A_436 = arith.constant 0 : i32
        %dma_start3A_437 = tpu.memref_slice %arg6[%add3A_429, %dma_start3A_436] : memref<160x125xi32, #tpu.memory_space<vmem>> -> memref<1x125xi32, #tpu.memory_space<vmem>>
        %dma_start3A_438 = tpu.memref_squeeze %dma_start3A_437 : memref<1x125xi32, #tpu.memory_space<vmem>> -> memref<125xi32, #tpu.memory_space<vmem>>
        %dma_start3A_439 = arith.constant 0 : i32
        %dma_start3A_440 = arith.constant 0 : i32
        %dma_start3A_441 = tpu.memref_slice %arg2[%arg0, %dma_start3A_439, %dma_start3A_440] : memref<2x10000x64xf32, #tpu.memory_space<hbm>> -> memref<1x10000x64xf32, #tpu.memory_space<hbm>>
        %dma_start3A_442 = tpu.memref_squeeze %dma_start3A_441 : memref<1x10000x64xf32, #tpu.memory_space<hbm>> -> memref<10000x64xf32, #tpu.memory_space<hbm>>
        %dma_start3A_443 = arith.constant 0 : i32
        %dma_start3A_444 = arith.constant 0 : i32
        %dma_start3A_445 = tpu.memref_slice %dma_start3A_442[%dma_start3A_443, %dma_start3A_444] : memref<10000x64xf32, #tpu.memory_space<hbm>> -> memref<10000x64xf32, #tpu.memory_space<hbm>>
        %dma_start3A_446 = tpu.memref_slice %arg10[%dma_start3A_431] : memref<5x!tpu.dma_semaphore, #tpu.memory_space<semaphore_mem>> -> memref<1x!tpu.dma_semaphore, #tpu.memory_space<semaphore_mem>>
        %dma_start3A_447 = tpu.memref_squeeze %dma_start3A_446 : memref<1x!tpu.dma_semaphore, #tpu.memory_space<semaphore_mem>> -> memref<!tpu.dma_semaphore, #tpu.memory_space<semaphore_mem>>
        tpu.enqueue_indirect_dma source(%dma_start3A_445 : memref<10000x64xf32, #tpu.memory_space<hbm>>) target(%dma_start3A_435 : memref<125x64xf32, #tpu.memory_space<vmem>>) offsets(%dma_start3A_438 : memref<125xi32, #tpu.memory_space<vmem>>) semaphore(%dma_start3A_447 : memref<!tpu.dma_semaphore, #tpu.memory_space<semaphore_mem>>)
      } else {
      }
      %dma_wait3A_404 = arith.constant 4 : i32
      %dma_wait3A_405 = arith.constant 4 : i32
      %dma_wait3A_406 = arith.constant 0 : i32
      %dma_wait3A_407 = arith.constant 0 : i32
      %dma_wait3A_408 = tpu.memref_slice %arg8[%dma_wait3A_404, %dma_wait3A_406, %dma_wait3A_407] : memref<5x125x64xf32, #tpu.memory_space<vmem>> -> memref<1x125x64xf32, #tpu.memory_space<vmem>>
      %dma_wait3A_409 = tpu.memref_squeeze %dma_wait3A_408 : memref<1x125x64xf32, #tpu.memory_space<vmem>> -> memref<125x64xf32, #tpu.memory_space<vmem>>
      %dma_wait3A_410 = arith.constant 0 : i32
      %dma_wait3A_411 = tpu.memref_slice %arg7[%add3A_308, %dma_wait3A_410] : memref<160x125xi32, #tpu.memory_space<vmem>> -> memref<1x125xi32, #tpu.memory_space<vmem>>
      %dma_wait3A_412 = tpu.memref_squeeze %dma_wait3A_411 : memref<1x125xi32, #tpu.memory_space<vmem>> -> memref<125xi32, #tpu.memory_space<vmem>>
      %dma_wait3A_413 = arith.constant 0 : i32
      %dma_wait3A_414 = arith.constant 0 : i32
      %dma_wait3A_415 = tpu.memref_slice %arg9[%dma_wait3A_413, %dma_wait3A_414] : memref<10112x64xf32, #tpu.memory_space<vmem_shared>> -> memref<10112x64xf32, #tpu.memory_space<vmem_shared>>
      %dma_wait3A_416 = tpu.memref_slice %arg11[%dma_wait3A_405] : memref<5x!tpu.dma_semaphore, #tpu.memory_space<semaphore_mem>> -> memref<1x!tpu.dma_semaphore, #tpu.memory_space<semaphore_mem>>
      %dma_wait3A_417 = tpu.memref_squeeze %dma_wait3A_416 : memref<1x!tpu.dma_semaphore, #tpu.memory_space<semaphore_mem>> -> memref<!tpu.dma_semaphore, #tpu.memory_space<semaphore_mem>>
      tpu.wait_indirect_dma semaphore(%dma_wait3A_417 : memref<!tpu.dma_semaphore, #tpu.memory_space<semaphore_mem>>) src(%dma_wait3A_409 : memref<125x64xf32, #tpu.memory_space<vmem>>) dst(%dma_wait3A_415 : memref<10112x64xf32, #tpu.memory_space<vmem_shared>>)
      %add3A_418 = arith.constant 5 : i32
      %add3A_419 = arith.addi %mul3A_143, %add3A_418 : i32
      %lt3A_420 = arith.constant 160 : i32
      %lt3A_421 = arith.cmpi slt, %add3A_419, %lt3A_420 : i32
      %convert_element_type3A_422 = arith.extui %lt3A_421 : i1 to i32
      %cond3A_423 = arith.constant 0 : i32
      %cond3A_424 = arith.cmpi ne, %convert_element_type3A_422, %cond3A_423 : i32
      scf.if %cond3A_424 {
        %add3A_426 = arith.constant 4 : i32
        %add3A_427 = arith.addi %mul3A_143, %add3A_426 : i32
        %add3A_428 = arith.constant 5 : i32
        %add3A_429 = arith.addi %add3A_427, %add3A_428 : i32
        %dma_start3A_430 = arith.constant 4 : i32
        %dma_start3A_431 = arith.constant 4 : i32
        %dma_start3A_432 = arith.constant 0 : i32
        %dma_start3A_433 = arith.constant 0 : i32
        %dma_start3A_434 = tpu.memref_slice %arg8[%dma_start3A_430, %dma_start3A_432, %dma_start3A_433] : memref<5x125x64xf32, #tpu.memory_space<vmem>> -> memref<1x125x64xf32, #tpu.memory_space<vmem>>
        %dma_start3A_435 = tpu.memref_squeeze %dma_start3A_434 : memref<1x125x64xf32, #tpu.memory_space<vmem>> -> memref<125x64xf32, #tpu.memory_space<vmem>>
        %dma_start3A_436 = arith.constant 0 : i32
        %dma_start3A_437 = tpu.memref_slice %arg6[%add3A_429, %dma_start3A_436] : memref<160x125xi32, #tpu.memory_space<vmem>> -> memref<1x125xi32, #tpu.memory_space<vmem>>
        %dma_start3A_438 = tpu.memref_squeeze %dma_start3A_437 : memref<1x125xi32, #tpu.memory_space<vmem>> -> memref<125xi32, #tpu.memory_space<vmem>>
        %dma_start3A_439 = arith.constant 0 : i32
        %dma_start3A_440 = arith.constant 0 : i32
        %dma_start3A_441 = tpu.memref_slice %arg2[%arg0, %dma_start3A_439, %dma_start3A_440] : memref<2x10000x64xf32, #tpu.memory_space<hbm>> -> memref<1x10000x64xf32, #tpu.memory_space<hbm>>
        %dma_start3A_442 = tpu.memref_squeeze %dma_start3A_441 : memref<1x10000x64xf32, #tpu.memory_space<hbm>> -> memref<10000x64xf32, #tpu.memory_space<hbm>>
        %dma_start3A_443 = arith.constant 0 : i32
        %dma_start3A_444 = arith.constant 0 : i32
        %dma_start3A_445 = tpu.memref_slice %dma_start3A_442[%dma_start3A_443, %dma_start3A_444] : memref<10000x64xf32, #tpu.memory_space<hbm>> -> memref<10000x64xf32, #tpu.memory_space<hbm>>
        %dma_start3A_446 = tpu.memref_slice %arg10[%dma_start3A_431] : memref<5x!tpu.dma_semaphore, #tpu.memory_space<semaphore_mem>> -> memref<1x!tpu.dma_semaphore, #tpu.memory_space<semaphore_mem>>
        %dma_start3A_447 = tpu.memref_squeeze %dma_start3A_446 : memref<1x!tpu.dma_semaphore, #tpu.memory_space<semaphore_mem>> -> memref<!tpu.dma_semaphore, #tpu.memory_space<semaphore_mem>>
        tpu.enqueue_indirect_dma source(%dma_start3A_445 : memref<10000x64xf32, #tpu.memory_space<hbm>>) target(%dma_start3A_435 : memref<125x64xf32, #tpu.memory_space<vmem>>) offsets(%dma_start3A_438 : memref<125xi32, #tpu.memory_space<vmem>>) semaphore(%dma_start3A_447 : memref<!tpu.dma_semaphore, #tpu.memory_space<semaphore_mem>>)
      } else {
      }
      %scan3A_425 = arith.constant 0 : i32
      scf.yield %scan3A_425 : i32
    }
    %scan3A_134 = arith.constant 32 : i32
    %barrier3A_135 = arith.constant 0 : index
    tpu.barrier barrier_id(%barrier3A_135)
    %mul3A_136 = arith.constant 632 : i32
    %mul3A_137 = arith.muli %arg1, %mul3A_136 : i32
    %mul3A_138 = arith.constant 632 : i32
    %mul3A_139 = arith.muli %arg1, %mul3A_138 : i32
    "tpu.region"() ({
      %run_scoped3A_140 = tpu.sem_alloc : memref<!tpu.dma_semaphore, #tpu.memory_space<semaphore_mem>>
      %dma_start3A_141 = arith.constant 0 : i32
      %dma_start3A_142 = tpu.memref_slice %arg5[%arg0, %mul3A_139, %dma_start3A_141] : memref<2x10112x64xf32, #tpu.memory_space<hbm>> -> memref<1x632x64xf32, #tpu.memory_space<hbm>>
      %dma_start3A_143 = tpu.memref_squeeze %dma_start3A_142 : memref<1x632x64xf32, #tpu.memory_space<hbm>> -> memref<632x64xf32, #tpu.memory_space<hbm>>
      %dma_start3A_144 = arith.constant 0 : i32
      %dma_start3A_145 = tpu.memref_slice %arg9[%mul3A_137, %dma_start3A_144] : memref<10112x64xf32, #tpu.memory_space<vmem_shared>> -> memref<632x64xf32, #tpu.memory_space<vmem_shared>>
      tpu.enqueue_dma source(%dma_start3A_145 : memref<632x64xf32, #tpu.memory_space<vmem_shared>>) target(%dma_start3A_143 : memref<632x64xf32, #tpu.memory_space<hbm>>) target_semaphore(%run_scoped3A_140 : memref<!tpu.dma_semaphore, #tpu.memory_space<semaphore_mem>>)
      %dma_wait3A = arith.constant 0 : i32
      %dma_wait3A_146 = tpu.memref_slice %arg5[%arg0, %mul3A_139, %dma_wait3A] : memref<2x10112x64xf32, #tpu.memory_space<hbm>> -> memref<1x632x64xf32, #tpu.memory_space<hbm>>
      %dma_wait3A_147 = tpu.memref_squeeze %dma_wait3A_146 : memref<1x632x64xf32, #tpu.memory_space<hbm>> -> memref<632x64xf32, #tpu.memory_space<hbm>>
      %dma_wait3A_148 = arith.constant 0 : i32
      %dma_wait3A_149 = tpu.memref_slice %arg9[%mul3A_137, %dma_wait3A_148] : memref<10112x64xf32, #tpu.memory_space<vmem_shared>> -> memref<632x64xf32, #tpu.memory_space<vmem_shared>>
      tpu.wait_dma2 semaphore(%run_scoped3A_140 : memref<!tpu.dma_semaphore, #tpu.memory_space<semaphore_mem>>) src(%dma_wait3A_149 : memref<632x64xf32, #tpu.memory_space<vmem_shared>>) dst(%dma_wait3A_147 : memref<632x64xf32, #tpu.memory_space<hbm>>)
      tpu.yield
    }) : () -> ()
    return
  }
}

module attributes {stable_mosaic.version = 14 : i64} {
  func.func @_h_body(%arg0: i32, %arg1: i32, %arg2: memref<1000x128xf32, #tpu.memory_space<vmem>>, %arg3: memref<1x128x64xf32, #tpu.memory_space<vmem>>, %arg4: memref<1x1x64xf32, #tpu.memory_space<vmem>>, %arg5: memref<2x1x1000x16xf32, #tpu.memory_space<vmem>>, %arg6: memref<1x1000x64xf32, #tpu.memory_space<vmem>>) attributes {dimension_semantics = [#tpu.dimension_semantics<arbitrary>, #tpu.dimension_semantics<arbitrary>], iteration_bounds = array<i64: 2, 10>, scalar_prefetch = 0 : i64, scratch_operands = 0 : i64, tpu.core_type = #tpu.core_type<tc>, window_params = [{transform_indices = @transform_0, window_bounds = array<i64: 1000, 128>}, {transform_indices = @transform_1, window_bounds = array<i64: 1, 128, 64>}, {transform_indices = @transform_2, window_bounds = array<i64: 1, 1, 64>}, {transform_indices = @transform_3, window_bounds = array<i64: 2, 1, 1000, 16>}, {transform_indices = @transform_4, window_bounds = array<i64: 1, 1000, 64>}]} {
    %get3A = arith.constant 0 : index
    %get3A_0 = arith.constant 0 : index
    %get3A_1 = arith.constant 0 : index
    %get3A_2 = arith.constant 0 : index
    %get3A_3 = vector.load %arg5[%get3A, %get3A_0, %get3A_1, %get3A_2] : memref<2x1x1000x16xf32, #tpu.memory_space<vmem>>, vector<2x1x1000x16xf32>
    %slice3A = vector.extract_strided_slice %get3A_3 {offsets = [0, 0, 0, 0], sizes = [1, 1, 1000, 16], strides = [1, 1, 1, 1]} : vector<2x1x1000x16xf32> to vector<1x1x1000x16xf32>
    %squeeze3A = vector.shape_cast %slice3A : vector<1x1x1000x16xf32> to vector<1000x16xf32>
    %slice3A_4 = vector.extract_strided_slice %get3A_3 {offsets = [1, 0, 0, 0], sizes = [1, 1, 1000, 16], strides = [1, 1, 1, 1]} : vector<2x1x1000x16xf32> to vector<1x1x1000x16xf32>
    %squeeze3A_5 = vector.shape_cast %slice3A_4 : vector<1x1x1000x16xf32> to vector<1000x16xf32>
    %add3A = arith.addf %squeeze3A, %squeeze3A_5 : vector<1000x16xf32>
    %reduce_sum3A = arith.constant dense<0.000000e+00> : vector<1000xf32>
    %reduce_sum3A_6 = vector.multi_reduction <add>, %add3A, %reduce_sum3A [1] : vector<1000x16xf32> to vector<1000xf32>
    %broadcast_in_dim3A = vector.shape_cast %reduce_sum3A_6 : vector<1000xf32> to vector<1000x1xf32>
    %add3A_7 = arith.constant 9.99999974E-6 : f32
    %add3A_8 = vector.broadcast %add3A_7 : f32 to vector<1000x1xf32>
    %add3A_9 = arith.addf %broadcast_in_dim3A, %add3A_8 : vector<1000x1xf32>
    %rsqrt3A = math.rsqrt %add3A_9 : vector<1000x1xf32>
    %get3A_10 = arith.constant 0 : index
    %get3A_11 = arith.constant 0 : index
    %get3A_12 = vector.load %arg2[%get3A_10, %get3A_11] : memref<1000x128xf32, #tpu.memory_space<vmem>>, vector<1000x128xf32>
    %get3A_13 = arith.constant 0 : index
    %get3A_14 = arith.constant 0 : index
    %get3A_15 = arith.constant 0 : index
    %get3A_16 = vector.load %arg3[%get3A_13, %get3A_14, %get3A_15] : memref<1x128x64xf32, #tpu.memory_space<vmem>>, vector<1x128x64xf32>
    %get3A_17 = vector.shape_cast %get3A_16 : vector<1x128x64xf32> to vector<128x64xf32>
    %dot_general3A = arith.constant dense<0.000000e+00> : vector<1000x64xf32>
    %dot_general3A_18 = tpu.matmul %get3A_12, %get3A_17, %dot_general3A {dimension_numbers = #tpu.dot_dimension_numbers<[1], [0], [0], [1], [0, 0, 1, 1], [], []>, transpose_lhs_hint = false} : vector<1000x128xf32>, vector<128x64xf32>, vector<1000x64xf32> -> vector<1000x64xf32>
    %get3A_19 = arith.constant 0 : index
    %get3A_20 = arith.constant 0 : index
    %get3A_21 = arith.constant 0 : index
    %get3A_22 = vector.load %arg4[%get3A_19, %get3A_20, %get3A_21] : memref<1x1x64xf32, #tpu.memory_space<vmem>>, vector<1x1x64xf32>
    %get3A_23 = vector.shape_cast %get3A_22 : vector<1x1x64xf32> to vector<1x64xf32>
    %add3A_24 = vector.broadcast %get3A_23 : vector<1x64xf32> to vector<1000x64xf32>
    %add3A_25 = arith.addf %dot_general3A_18, %add3A_24 : vector<1000x64xf32>
    %mul3A = vector.broadcast %rsqrt3A : vector<1000x1xf32> to vector<1000x64xf32>
    %mul3A_26 = arith.mulf %add3A_25, %mul3A : vector<1000x64xf32>
    %swap3A = arith.constant 0 : index
    %swap3A_27 = arith.constant 0 : index
    %swap3A_28 = arith.constant 0 : index
    %swap3A_29 = vector.load %arg6[%swap3A, %swap3A_27, %swap3A_28] : memref<1x1000x64xf32, #tpu.memory_space<vmem>>, vector<1x1000x64xf32>
    %swap3A_30 = vector.shape_cast %swap3A_29 : vector<1x1000x64xf32> to vector<1000x64xf32>
    %swap3A_31 = vector.shape_cast %mul3A_26 : vector<1000x64xf32> to vector<1x1000x64xf32>
    tpu.vector_store %arg6[%swap3A, %swap3A_27, %swap3A_28], %swap3A_31 {strides = array<i32>} : memref<1x1000x64xf32, #tpu.memory_space<vmem>>, vector<1x1000x64xf32>,
    return
  }
  func.func @transform_0(%arg0: i32, %arg1: i32) -> (i32, i32) {
    %c0_i32 = arith.constant 0 : i32
    %c0_i32_0 = arith.constant 0 : i32
    return %arg1, %c0_i32 : i32, i32
  }
  func.func @transform_1(%arg0: i32, %arg1: i32) -> (i32, i32, i32) {
    %c0_i32 = arith.constant 0 : i32
    %c0_i32_0 = arith.constant 0 : i32
    %c0_i32_1 = arith.constant 0 : i32
    return %arg0, %c0_i32, %c0_i32_0 : i32, i32, i32
  }
  func.func @transform_2(%arg0: i32, %arg1: i32) -> (i32, i32, i32) {
    %c0_i32 = arith.constant 0 : i32
    %c0_i32_0 = arith.constant 0 : i32
    %c0_i32_1 = arith.constant 0 : i32
    return %arg0, %c0_i32, %c0_i32_0 : i32, i32, i32
  }
  func.func @transform_3(%arg0: i32, %arg1: i32) -> (i32, i32, i32, i32) {
    %c0_i32 = arith.constant 0 : i32
    %c0_i32_0 = arith.constant 0 : i32
    %c0_i32_1 = arith.constant 0 : i32
    %c0_i32_2 = arith.constant 0 : i32
    return %c0_i32, %c0_i32_0, %arg1, %c0_i32_1 : i32, i32, i32, i32
  }
  func.func @transform_4(%arg0: i32, %arg1: i32) -> (i32, i32, i32) {
    %c0_i32 = arith.constant 0 : i32
    %c0_i32_0 = arith.constant 0 : i32
    return %arg0, %arg1, %c0_i32 : i32, i32, i32
  }
}

module attributes {stable_mosaic.version = 14 : i64} {
  func.func @_out_body(%arg0: i32, %arg1: memref<2x1000x64xf32, #tpu.memory_space<vmem>>, %arg2: memref<2x1x1000x16xf32, #tpu.memory_space<vmem>>, %arg3: memref<1000x128xf32, #tpu.memory_space<vmem>>) attributes {dimension_semantics = [#tpu.dimension_semantics<arbitrary>], iteration_bounds = array<i64: 10>, scalar_prefetch = 0 : i64, scratch_operands = 0 : i64, tpu.core_type = #tpu.core_type<tc>, window_params = [{transform_indices = @transform_0, window_bounds = array<i64: 2, 1000, 64>}, {transform_indices = @transform_1, window_bounds = array<i64: 2, 1, 1000, 16>}, {transform_indices = @transform_2, window_bounds = array<i64: 1000, 128>}]} {
    %get3A = arith.constant 0 : index
    %get3A_0 = arith.constant 0 : index
    %get3A_1 = arith.constant 0 : index
    %get3A_2 = vector.load %arg1[%get3A, %get3A_0, %get3A_1] : memref<2x1000x64xf32, #tpu.memory_space<vmem>>, vector<2x1000x64xf32>
    %get3A_3 = arith.constant 0 : index
    %get3A_4 = arith.constant 0 : index
    %get3A_5 = arith.constant 0 : index
    %get3A_6 = arith.constant 0 : index
    %get3A_7 = vector.load %arg2[%get3A_3, %get3A_4, %get3A_5, %get3A_6] : memref<2x1x1000x16xf32, #tpu.memory_space<vmem>>, vector<2x1x1000x16xf32>
    %slice3A = vector.extract_strided_slice %get3A_7 {offsets = [0, 0, 0, 0], sizes = [1, 1, 1000, 16], strides = [1, 1, 1, 1]} : vector<2x1x1000x16xf32> to vector<1x1x1000x16xf32>
    %squeeze3A = vector.shape_cast %slice3A : vector<1x1x1000x16xf32> to vector<1000x16xf32>
    %slice3A_8 = vector.extract_strided_slice %get3A_7 {offsets = [1, 0, 0, 0], sizes = [1, 1, 1000, 16], strides = [1, 1, 1, 1]} : vector<2x1x1000x16xf32> to vector<1x1x1000x16xf32>
    %squeeze3A_9 = vector.shape_cast %slice3A_8 : vector<1x1x1000x16xf32> to vector<1000x16xf32>
    %add3A = arith.addf %squeeze3A, %squeeze3A_9 : vector<1000x16xf32>
    %reduce_sum3A = arith.constant dense<0.000000e+00> : vector<1000xf32>
    %reduce_sum3A_10 = vector.multi_reduction <add>, %add3A, %reduce_sum3A [1] : vector<1000x16xf32> to vector<1000xf32>
    %broadcast_in_dim3A = vector.shape_cast %reduce_sum3A_10 : vector<1000xf32> to vector<1000x1xf32>
    %add3A_11 = arith.constant 9.99999974E-6 : f32
    %add3A_12 = vector.broadcast %add3A_11 : f32 to vector<1000x1xf32>
    %add3A_13 = arith.addf %broadcast_in_dim3A, %add3A_12 : vector<1000x1xf32>
    %rsqrt3A = math.rsqrt %add3A_13 : vector<1000x1xf32>
    %slice3A_14 = vector.extract_strided_slice %get3A_2 {offsets = [0, 0, 0], sizes = [1, 1000, 64], strides = [1, 1, 1]} : vector<2x1000x64xf32> to vector<1x1000x64xf32>
    %squeeze3A_15 = vector.shape_cast %slice3A_14 : vector<1x1000x64xf32> to vector<1000x64xf32>
    %slice3A_16 = vector.extract_strided_slice %get3A_2 {offsets = [1, 0, 0], sizes = [1, 1000, 64], strides = [1, 1, 1]} : vector<2x1000x64xf32> to vector<1x1000x64xf32>
    %squeeze3A_17 = vector.shape_cast %slice3A_16 : vector<1x1000x64xf32> to vector<1000x64xf32>
    %concatenate3A = tpu.concatenate %squeeze3A_15, %squeeze3A_17 in 1 : vector<1000x64xf32>, vector<1000x64xf32> -> vector<1000x128xf32>
    %mul3A = vector.broadcast %rsqrt3A : vector<1000x1xf32> to vector<1000x128xf32>
    %mul3A_18 = arith.mulf %concatenate3A, %mul3A : vector<1000x128xf32>
    %swap3A = arith.constant 0 : index
    %swap3A_19 = arith.constant 0 : index
    %swap3A_20 = vector.load %arg3[%swap3A, %swap3A_19] : memref<1000x128xf32, #tpu.memory_space<vmem>>, vector<1000x128xf32>
    tpu.vector_store %arg3[%swap3A, %swap3A_19], %mul3A_18 {strides = array<i32>} : memref<1000x128xf32, #tpu.memory_space<vmem>>, vector<1000x128xf32>,
    return
  }
  func.func @transform_0(%arg0: i32) -> (i32, i32, i32) {
    %c0_i32 = arith.constant 0 : i32
    %c0_i32_0 = arith.constant 0 : i32
    %c0_i32_1 = arith.constant 0 : i32
    return %c0_i32, %arg0, %c0_i32_0 : i32, i32, i32
  }
  func.func @transform_1(%arg0: i32) -> (i32, i32, i32, i32) {
    %c0_i32 = arith.constant 0 : i32
    %c1_i32 = arith.constant 1 : i32
    %c0_i32_0 = arith.constant 0 : i32
    %c0_i32_1 = arith.constant 0 : i32
    return %c0_i32, %c1_i32, %arg0, %c0_i32_0 : i32, i32, i32, i32
  }
  func.func @transform_2(%arg0: i32) -> (i32, i32) {
    %c0_i32 = arith.constant 0 : i32
    %c0_i32_0 = arith.constant 0 : i32
    return %arg0, %c0_i32 : i32, i32
  }
}

</mosaic_0001>

<sc_bundles>
// kernel: kernel.6.cloned.1.call-start
scs
__scs_entry_jumppad:
0x0: {  	(pc) =	sbr.rel $0x88, $3  }
0x1: {  	(tag) =	ssettag $0x0;
	lr =	simm.s32 $0x1  }
0x2: {  	[smem:$0x3F9D] =	sst lr;
	_ =	strace $0xD0000000  }
0x3: {  	_ = 	snop  }
0x4: {  	_ = 	snop  }
0x5: {  	_ = 	snop  }
0x6: {  	_ = 	snop  }
0x7: {  	_ = 	snop  }
__scs_overlays_trampoline_lowered:
0x8: {  	[smem:$0x3FAC] =	sst s0  }
0x9: {  	[smem:$0x3FAD] =	sst s1  }
0xa: {  	[smem:$0x3FAE] =	sst s2  }
0xb: {  	[smem:$0x3FAF] =	sst s3  }
0xc: {  	[smem:$0x3FB0] =	sst s4  }
0xd: {  	[smem:$0x3FB1] =	sst s5  }
0xe: {  	[smem:$0x3FB2] =	sst s6  }
0xf: {  	[smem:$0x3FB3] =	sst s7  }
0x10: {  	[smem:$0x3FB4] =	sst s8  }
0x11: {  	[smem:$0x3FB5] =	sst s9;
	s0 =	simm.s32 @!p0 $0x0  }
0x12: {  	s1 =	sld [smem:$0x3F9B];
	s0 =	simm.s32 @p0 $0x1  }
0x13: {  	[smem:$0x3FB6] =	sst s0;
	s0 =	simm.s32 @!p1 $0x0  }
0x14: {  	s2 =	sld [smem:$0x3F9A];
	s0 =	simm.s32 @p1 $0x1  }
0x15: {  	[smem:$0x3FB7] =	sst s0;
	s0 =	simm.s32 @!p2 $0x0  }
0x16: {  	s3 =	sld [smem:$0x3FDB];
	s0 =	simm.s32 @p2 $0x1  }
0x17: {  	s4 =	simm.s32 $0x1BF5;
	[smem:$0x3FB9] =	sst s0  }
0x18: {  	s0 =	sld [smem:$0x3F9C];
	_ =	swait.ge [sflag:s4], $0x0  }
0x19: {  	s7 =	sld [smem:$0x3F9D]  }
0x1a: {  	s8 =	sadd.s32 $0xFFFFE003, lr  }
0x1b: {  	s9 =	sadd.s32 $0xFFFFFEF7, lr;
	s5 =	simm.s32 $0xFFFFFFFF;
	p2 =	slt.u32 s8, $0xFFFFF086  }
0x1c: {  	p1 =	slt.u32 s9, $0xF7A;
	s5 =	simm.s32 @!p2 $0x0  }
0x1d: {  	s5 =	simm.s32 @p1 $0x1;
	p0 =	seq.s32 s7, s2  }
0x1e: {  	s7 =	smul.u32 @!p0 $0xF7A, s2;
	p2 =	seq.s32 @!p0 s5, $0x0  }
0x1f: {  	s9 =	smul.u32 $0xF7A, s1;
	s8 =	simm.s32 @!p0 $0x1BF5;
	p2 =	por !p2, p0  }
0x20: {  	[sflag:s8] =	ssyncset.s32 @!p0 $0xFFFFF086;
	s6 =	sadd.s32 @!p0 s3, s7;
	s7 =	simm.s32 @!p0 $0x108  }
0x21: {  	s3 =	sadd.s32 s3, s9;
	s6 =	sadd.s32 @!p0 $0x88, s6;
	s7 =	simm.s32 @p2 $0x1082  }
0x22: {  	[simem:s7], [sflag:s8] =	dma.local @!p0 [hbm:s6], $0xF7A  }
0x23: {  	s9 =	sor.u32 $0xD0000000, s2;
	s6 =	simm.s32 $0x108;
	_ =	swait.ge @!p0 [sflag:s8], $0x0  }
0x24: {  	s3 =	sadd.s32 $0x88, s3;
	s6 =	simm.s32 @!p1 $0x1082;
	[sflag:s4] =	ssyncset.s32 $0xFFFFF086  }
0x25: {  	[simem:s6], [sflag:s4] =	dma.local [hbm:s3], $0xF7A  }
0x26: {  	[smem:$0x3F9D] =	sst s1;
	(tag) =	ssettag s2;
	_ =	strace s9  }
0x27: {  	s1 =	sld [smem:$0x3FAD]  }
0x28: {  	s2 =	sld [smem:$0x3FAE]  }
0x29: {  	s4 =	sld [smem:$0x3FB0]  }
0x2a: {  	p0 =	seq.s32 s5, $0x0;
	s5 =	sld [smem:$0x3FB1]  }
0x2b: {  	s6 =	sld [smem:$0x3FB2]  }
0x2c: {  	s7 =	sld [smem:$0x3FB3]  }
0x2d: {  	s3 =	simm.s32 $0x108;
	s8 =	sld [smem:$0x3FB4]  }
0x2e: {  	s3 =	simm.s32 @!p0 $0x1082;
	s9 =	sld [smem:$0x3FB5]  }
0x2f: {  	lr =	sadd.s32 s0, s3;
	s0 =	sld [smem:$0x3FAC]  }
0x30: {  	s3 =	sld [smem:$0x3FAF]  }
0x31: {  	[smem:$0x3FB8] =	sst s10  }
0x32: {  	s10 =	sld [smem:$0x3FB6];
	_ =	sdelay $0x3  }
0x33: {  	p0 =	seq.s32 s10, $0x1;
	s10 =	sld [smem:$0x3FB8];
	_ =	sdelay $0x3  }
0x34: {  	[smem:$0x3FB8] =	sst s10  }
0x35: {  	s10 =	sld [smem:$0x3FB7];
	_ =	sdelay $0x3  }
0x36: {  	p1 =	seq.s32 s10, $0x1;
	s10 =	sld [smem:$0x3FB8];
	_ =	sdelay $0x3  }
0x37: {  	[smem:$0x3FB8] =	sst s10  }
0x38: {  	s10 =	sld [smem:$0x3FB9]  }
0x39: {  	_ = 	snop;
	(pc) =	sbr.ind lr, $3  }
0x3a: {  	_ = 	snop  }
0x3b: {  	_ = 	snop  }
0x3c: {  	p2 =	seq.s32 s10, $0x1;
	s10 =	sld [smem:$0x3FB8]  }
0x3d: {  	_ =	shalt  }
0x3e: {  	_ =	shalt  }
0x3f: {  	_ =	shalt  }
0x40: {  	_ =	shalt  }
0x41: {  	_ =	shalt  }
0x42: {  	_ =	shalt  }
0x43: {  	_ =	shalt  }
0x44: {  	_ =	shalt  }
0x45: {  	_ =	shalt  }
0x46: {  	_ =	shalt  }
0x47: {  	_ =	shalt  }
0x48: {  	_ =	shalt  }
0x49: {  	_ =	shalt  }
0x4a: {  	_ =	shalt  }
0x4b: {  	_ =	shalt  }
0x4c: {  	_ =	shalt  }
0x4d: {  	_ =	shalt  }
0x4e: {  	_ =	shalt  }
0x4f: {  	_ =	shalt  }
0x50: {  	_ =	shalt  }
0x51: {  	_ =	shalt  }
0x52: {  	_ =	shalt  }
0x53: {  	_ =	shalt  }
0x54: {  	_ =	shalt  }
0x55: {  	_ =	shalt  }
0x56: {  	_ =	shalt  }
0x57: {  	_ =	shalt  }
0x58: {  	_ =	shalt  }
0x59: {  	_ =	shalt  }
0x5a: {  	_ =	shalt  }
0x5b: {  	_ =	shalt  }
0x5c: {  	_ =	shalt  }
0x5d: {  	_ =	shalt  }
0x5e: {  	_ =	shalt  }
0x5f: {  	_ =	shalt  }
0x60: {  	_ =	shalt  }
0x61: {  	_ =	shalt  }
0x62: {  	_ =	shalt  }
0x63: {  	_ =	shalt  }
0x64: {  	_ =	shalt  }
0x65: {  	_ =	shalt  }
0x66: {  	_ =	shalt  }
0x67: {  	_ =	shalt  }
0x68: {  	_ =	shalt  }
0x69: {  	_ =	shalt  }
0x6a: {  	_ =	shalt  }
0x6b: {  	_ =	shalt  }
0x6c: {  	_ =	shalt  }
0x6d: {  	_ =	shalt  }
0x6e: {  	_ =	shalt  }
0x6f: {  	_ =	shalt  }
0x70: {  	_ =	shalt  }
0x71: {  	_ =	shalt  }
0x72: {  	_ =	shalt  }
0x73: {  	_ =	shalt  }
0x74: {  	_ =	shalt  }
0x75: {  	_ =	shalt  }
0x76: {  	_ =	shalt  }
0x77: {  	_ =	shalt  }
0x78: {  	_ =	shalt  }
0x79: {  	_ =	shalt  }
0x7a: {  	_ =	shalt  }
0x7b: {  	_ =	shalt  }
0x7c: {  	_ =	shalt  }
0x7d: {  	_ =	shalt  }
0x7e: {  	_ =	shalt  }
0x7f: {  	_ =	shalt  }
0x80: {  	_ =	shalt  }
0x81: {  	_ =	shalt  }
0x82: {  	_ =	shalt  }
0x83: {  	_ =	shalt  }
0x84: {  	_ =	shalt  }
0x85: {  	_ =	shalt  }
0x86: {  	_ =	shalt  }
0x87: {  	_ =	shalt  }
.Lfunc_end0:
.L_simem_size_0:
called_computation_lowered:
.L_overlay_start_0:
0x88: {  	s2 =	sld [smem:$0x3FD9]  }
0x89: {  	s3 =	sld [smem:$0x3FFE];
	_ =	sdelay $0x1  }
0x8a: {  	s1 =	srdreg.scid  }
0x8b: {  	s0 =	sand.u32 $0x1, s1  }
0x8c: {  	s17 =	sshll.u32 s0, $0xA;
	s2 =	sadd.s32 s3, s2  }
0x8d: {  	s2 =	sadd.s32 s2, s17  }
0x8e: {  	[smem:$0x3FC4] =	sst s2  }
0x8f: {  	_ = 	snop  }
0x90: {  	s2 =	sld [smem:$0x3FD0];
	(tm) =	ssettm $0x1  }
0x91: {  	s18 =	sld [smem:$0x3FFB];
	_ =	sdelay $0x3  }
0x92: {  	_ =	strace s18  }
0x93: {  	s3 =	sld [smem:$0x3FFC];
	_ =	sdelay $0x3  }
0x94: {  	_ =	strace s3  }
0x95: {  	s3 =	sld [smem:$0x3FFD];
	_ =	sdelay $0x3  }
0x96: {  	_ =	strace s3  }
0x97: {  	_ =	strace $0x8FFFFFFF  }
0x98: {  	s19 =	sld [smem:$0x3FDB];
	_ =	sdelay $0x1  }
0x99: {  	s4 =	simm.s32 $_scs_section_size  }
0x9a: {  	s5 =	simm.s32 $_size__tile_overlayer_lowered;
	s6 =	simm.s32 $_tile_overlayer_lowered  }
0x9b: {  	s22 =	simm.s32 $0x1BFF;
	s21 =	sshll.u32 s6, $0x1;
	s3 =	sadd.s32 s4, s19  }
0x9c: {  	s7 =	simm.s32 $0x0;
	s20 =	sshll.u32 s5, $0x1;
	s5 =	sadd.s32 s21, s3  }
0x9d: {  	[timem:s7], [sflag:s22] =	dma.local [hbm:s5], s20  }
0x9e: {  	_ =	swait.ge [sflag:s22], s20  }
0x9f: {  	s4 =	ssub.s32 $0x0, s20;
	[sflag:s22] =	ssyncset.done $0x0  }
0xa0: {  	[sflag:s22] =	ssyncadd.s32 s4;
	_ =	sdelay $0x1  }
0xa1: {  	s23 =	simm.s32 $0x1B8B  }
0xa2: {  	_ =	swait.ge [sflag:s23], $0x1  }
0xa3: {  	[sflag:s23] =	ssyncset.done $0x0  }
0xa4: {  	s25 =	simm.s32 $0x1B8E;
	s24 =	sld [smem:$0x3FFE];
	[sflag:s23] =	ssyncadd.s32 $0xFFFFFFFF  }
0xa5: {  	s26 =	simm.s32 $execute0_lowered;
	[smem:$0x3FD2] =	sst s25  }
0xa6: {  	s5 =	sshll.u32 s26, $0x1;
	_ =	strace $0x80000046;
	[dreg:$0x1] =	wrdreg $0xFFFFFFFF  }
0xa7: {  	s28 =	simm.s32 $_size_execute0_lowered;
	s3 =	sadd.s32 s3, s5;
	[dreg:$0x0] =	wrdreg $0x0  }
0xa8: {  	s5 =	sshll.u32 s28, $0x1;
	[dreg:$0x2] =	wrdreg s3  }
0xa9: {  	[dreg:$0x3] =	wrdreg s5  }
0xaa: {  	[dreg:$0x4] =	wrdreg $0xC0  }
0xab: {  	_ =	task [dreg:s7], $0x5FFFF  }
0xac: {  	[dreg:$0x1] =	wrdreg $0xFFFFFFFF  }
0xad: {  	[dreg:$0x0] =	wrdreg $0x60  }
0xae: {  	[dreg:$0x2] =	wrdreg s24  }
0xaf: {  	[dreg:$0x3] =	wrdreg s2  }
0xb0: {  	[dreg:$0x4] =	wrdreg $0x7F500  }
0xb1: {  	[dreg:$0x5] =	wrdreg $0xA6D00  }
0xb2: {  	[dreg:$0x6] =	wrdreg $0x9  }
0xb3: {  	_ =	task.clear_ibuf [dreg:s7], $0x7FFFF;
	_ =	strace $0x90000046  }
0xb4: {  	s29 =	simm.s32 $0x9;
	_ =	strace $0x80000048  }
0xb5: {  	_ =	swait.ge [sflag:s29], $0x1  }
0xb6: {  	[sflag:s29] =	ssyncadd.s32 $0xFFFFFFFF  }
0xb7: {  	_ =	strace $0x90000048  }
0xb8: {  	_ =	sfence  }
0xb9: {  	s30 =	sld [smem:$0x0];
	_ =	sdelay $0x2  }
0xba: {  	s31 =	sshll.u32 s1, $0xD;
	s1 =	sshrl.u32 s1, $0x2  }
0xbb: {  	s3 =	sand.u32 $0x4000, s31;
	s1 =	sadd.s32 s1, s30  }
0xbc: {  	s0 =	sor.u32 s3, s0;
	s1 =	sshll.u32 s1, $0x11  }
0xbd: {  	s0 =	sor.u32 s1, s0  }
0xbe: {  	s0 =	sadd.s32 $0x8F2B, s0  }
0xbf: {  	[sflag:s0] =	ssyncadd.remote.s32 $0x1  }
0xc0: {  	_ =	sfence.sel $0xFFFF  }
0xc1: {  	[dreg:$0x0] =	wrdreg $0xFFFFFFFF;
	(pc) =	sbr.abs _section_cstart, $3  }
0xc2: {  	[dreg:$0x1] =	wrdreg $0xFFFFFFFF  }
0xc3: {  	_ =	task.clear_ibuf [dreg:s7], $0x2FFFF;
	_ =	strace $0x9FFFFFFF  }
0xc4: {  	(tm) =	ssettm $0x7FFFFFFF  }
0xc5: {  	_ =	shalt  }
tec
execute0_lowered:
.L_overlay_start_1:
0x0: {  	(tag) =	ssettag $0x1  }
0x1: {  	s5 =	rddreg [dreg:$0x0]  }
0x2: {  	s1 =	srdreg.scid;
	s9 =	rddreg [dreg:$0x1]  }
0x3: {  	s0 =	stileid.u32;
	s2 =	rddreg [dreg:$0x2]  }
0x4: {  	s3 =	rddreg [dreg:$0x3];
	s4 =	simm.s32 $0x0;
	s12 =	simm.s32 $0xB  }
0x5: {  	s13 =	simm.s32 $0x2800;
	s14 =	simm.s32 $0x57D0;
	s15 =	simm.s32 $0x7D  }
0x6: {  	s16 =	simm.s32 $0x5000;
	s17 =	simm.s32 $0x1;
	s18 =	simm.s32 $0x6  }
0x7: {  	s19 =	simm.s32 $0x2;
	s20 =	simm.s32 $0x7;
	s21 =	simm.s32 $0x3  }
0x8: {  	s22 =	simm.s32 $0x8;
	s23 =	simm.s32 $0x4;
	s24 =	simm.s32 $0x9  }
0x9: {  	s25 =	simm.s32 $0x5;
	s26 =	simm.s32 $0xA;
	s28 =	simm.s32 $0x0  }
0xa: {  	s6 =	sand.u32 $0x1, s1;
	s30 =	sshll.u32 s0, $0x1;
	s8 =	smul.u32 $0x2780, s0  }
0xb: {  	s1 =	sor.u32 s6, s30;
	s10 =	ssub.s32 $0x2, s6;
	s6 =	smul.u32 $0x4F000, s6  }
0xc: {  	[smem:$0x7FF] =	sst s4;
	s7 =	smul.u32 $0x500, s1;
	s11 =	sshrl.u32 s10, $0x1  }
0xd: {  	_ =	strace $0x80000047;
	s11 =	ssub.s32 s10, s11;
	s31 =	sadd.s32 s8, s6  }
0xe: {  	s7 =	sadd.s32 s7, s5;
	s10 =	sshrl.u32 s31, $0x3;
	s11 =	smax.u32 s11, $0x1  }
0xf: {  	v0 =	vimm.f32 $0.0e+00;
	vm0 =	vcmask $0x300;
	s5 =	sadd.s32 $0xB000, s7;
	s6 =	sadd.s32 $0x1000, s7;
	s9 =	sadd.s32 s9, s10  }
0x10: {  	v1 =	vsel vm0, $0x3F800000, v0;
	s7 =	sadd.s32 s8, s2;
	s8 =	sadd.s32 s8, s3;
	s10 =	sadd.s32 $0x4F00, s9  }
.LBB2_1:
0x11: {  	[tilespmem:s4], [sflag:$0xB] =	stream.linear.gather [hbm4b:s5+s4], $0x2800, $0x38;
	[tilespmem:$0xCE50] =	vst v63  }
0x12: {  	_ =	swait.ge [sflag:s12], $0x2800  }
0x13: {  	[sflag:s12] =	ssyncset.done $0x0  }
0x14: {  	[sflag:s12] =	ssyncadd.s32 $0xFFFFD800  }
0x15: {  	[tilespmem:s13], [sflag:$0xB] =	stream.linear.gather [hbm4b:s6+s4], $0x2800, $0x38;
	[tilespmem:$0xCE50] =	vst v63  }
0x16: {  	_ =	swait.ge [sflag:s12], $0x2800  }
0x17: {  	[sflag:s12] =	ssyncset.done $0x0  }
0x18: {  	s29 =	simm.s32 $0x0;
	[sflag:s12] =	ssyncadd.s32 $0xFFFFD800  }
.LBB2_2:
0x19: {  	p0 =	sne.s32 s29, $0x9DC0  }
.Ltmp0:
0x1a: {  	_ = 	snop;
	(pc) =	sbr.rel @p0 .LBB2_2-.Ltmp0, $3  }
0x1b: {  	_ =	sdelay $0x1  }
0x1c: {  	s30 =	sshra.s32 s29, $0x2  }
0x1d: {  	s29 =	sadd.s32 $0x40, s29;
	[tilespmem:s30+$0x57D0] =	vst v0  }
0x1e: {  	s29 =	simm.s32 $0x40;
	s30 =	simm.s32 $0x0  }
.LBB2_4:
0x1f: {  	p0 =	sne.s32 s29, $0x1F00;
	[tilespmem:s30+$0x5000] =	vst v1;
	s30 =	smov.u32 s29;
	s29 =	sadd.s32 $0x40, s29  }
.Ltmp1:
0x20: {  	(pc) =	sbr.rel @p0 .LBB2_4-.Ltmp1, $2  }
0x21: {  	_ =	sdelay $0x2  }
0x22: {  	s30 =	sshra.s32 s30, $0x2  }
0x23: {  	[tilespmem:s30+$0x5000] =	vst v1  }
0x24: {  	[spmem:s7] =	stream.linear.scatter [tilespmem:s14], [sflag:$0xB], $0x2780, $0x38;
	[tilespmem:$0xCE50] =	vst v63  }
0x25: {  	_ =	swait.ge [sflag:s12], $0x2780  }
0x26: {  	[sflag:s12] =	ssyncset.done $0x0  }
0x27: {  	[sflag:s12] =	ssyncadd.s32 $0xFFFFD880  }
0x28: {  	[spmem:s8] =	stream.linear.scatter [tilespmem:s14], [sflag:$0xB], $0x2780, $0x38;
	[tilespmem:$0xCE50] =	vst v63  }
0x29: {  	_ =	swait.ge [sflag:s12], $0x2780  }
0x2a: {  	[sflag:s12] =	ssyncset.done $0x0  }
0x2b: {  	[sflag:s12] =	ssyncadd.s32 $0xFFFFD880  }
0x2c: {  	s29 =	simm.s32 $0x0;
	[bflag:$0x0] =	sbarrier.arrive $0xFFFF  }
0x2d: {  	[spmem:s2] =	stream.indirect.scatter.add.f32 [tilespmem:s16], [sflag:$0x1], $0x10, s29, s15, $0xb8;
	[tilespmem:$0xCE50] =	vst v63  }
0x2e: {  	s29 =	simm.s32 $0x2800  }
0x2f: {  	[spmem:s3] =	stream.indirect.scatter.add.f32 [tilespmem:s16], [sflag:$0x6], $0x10, s29, s15, $0xb8;
	[tilespmem:$0xCE50] =	vst v63  }
0x30: {  	s29 =	simm.s32 $0x80  }
0x31: {  	[spmem:s2] =	stream.indirect.scatter.add.f32 [tilespmem:s16], [sflag:$0x2], $0x10, s29, s15, $0xb8;
	[tilespmem:$0xCE50] =	vst v63  }
0x32: {  	s29 =	simm.s32 $0x2880  }
0x33: {  	[spmem:s3] =	stream.indirect.scatter.add.f32 [tilespmem:s16], [sflag:$0x7], $0x10, s29, s15, $0xb8;
	[tilespmem:$0xCE50] =	vst v63  }
0x34: {  	s29 =	simm.s32 $0x100  }
0x35: {  	[spmem:s2] =	stream.indirect.scatter.add.f32 [tilespmem:s16], [sflag:$0x3], $0x10, s29, s15, $0xb8;
	[tilespmem:$0xCE50] =	vst v63  }
0x36: {  	s29 =	simm.s32 $0x2900  }
0x37: {  	[spmem:s3] =	stream.indirect.scatter.add.f32 [tilespmem:s16], [sflag:$0x8], $0x10, s29, s15, $0xb8;
	[tilespmem:$0xCE50] =	vst v63  }
0x38: {  	s29 =	simm.s32 $0x180  }
0x39: {  	[spmem:s2] =	stream.indirect.scatter.add.f32 [tilespmem:s16], [sflag:$0x4], $0x10, s29, s15, $0xb8;
	[tilespmem:$0xCE50] =	vst v63  }
0x3a: {  	s29 =	simm.s32 $0x2980  }
0x3b: {  	[spmem:s3] =	stream.indirect.scatter.add.f32 [tilespmem:s16], [sflag:$0x9], $0x10, s29, s15, $0xb8;
	[tilespmem:$0xCE50] =	vst v63  }
0x3c: {  	s29 =	simm.s32 $0x200  }
0x3d: {  	[spmem:s2] =	stream.indirect.scatter.add.f32 [tilespmem:s16], [sflag:$0x5], $0x10, s29, s15, $0xb8;
	[tilespmem:$0xCE50] =	vst v63  }
0x3e: {  	s29 =	simm.s32 $0x2A00  }
0x3f: {  	[spmem:s3] =	stream.indirect.scatter.add.f32 [tilespmem:s16], [sflag:$0xA], $0x10, s29, s15, $0xb8;
	[tilespmem:$0xCE50] =	vst v63  }
0x40: {  	_ =	swait.ge [sflag:s17], $0x7D0  }
0x41: {  	[sflag:s17] =	ssyncset.done $0x0  }
0x42: {  	[sflag:s17] =	ssyncadd.s32 $0xFFFFF830  }
0x43: {  	_ =	swait.ge [sflag:s18], $0x7D0  }
0x44: {  	[sflag:s18] =	ssyncset.done $0x0  }
0x45: {  	[sflag:s18] =	ssyncadd.s32 $0xFFFFF830  }
0x46: {  	_ =	swait.ge [sflag:s19], $0x7D0  }
0x47: {  	[sflag:s19] =	ssyncset.done $0x0  }
0x48: {  	[sflag:s19] =	ssyncadd.s32 $0xFFFFF830  }
0x49: {  	_ =	swait.ge [sflag:s20], $0x7D0  }
0x4a: {  	[sflag:s20] =	ssyncset.done $0x0  }
0x4b: {  	[sflag:s20] =	ssyncadd.s32 $0xFFFFF830  }
0x4c: {  	_ =	swait.ge [sflag:s21], $0x7D0  }
0x4d: {  	[sflag:s21] =	ssyncset.done $0x0  }
0x4e: {  	[sflag:s21] =	ssyncadd.s32 $0xFFFFF830  }
0x4f: {  	_ =	swait.ge [sflag:s22], $0x7D0  }
0x50: {  	[sflag:s22] =	ssyncset.done $0x0  }
0x51: {  	[sflag:s22] =	ssyncadd.s32 $0xFFFFF830  }
0x52: {  	_ =	swait.ge [sflag:s23], $0x7D0  }
0x53: {  	[sflag:s23] =	ssyncset.done $0x0  }
0x54: {  	[sflag:s23] =	ssyncadd.s32 $0xFFFFF830  }
0x55: {  	_ =	swait.ge [sflag:s24], $0x7D0  }
0x56: {  	[sflag:s24] =	ssyncset.done $0x0  }
0x57: {  	[sflag:s24] =	ssyncadd.s32 $0xFFFFF830  }
0x58: {  	_ =	swait.ge [sflag:s25], $0x7D0  }
0x59: {  	[sflag:s25] =	ssyncset.done $0x0  }
0x5a: {  	[sflag:s25] =	ssyncadd.s32 $0xFFFFF830  }
0x5b: {  	_ =	swait.ge [sflag:s26], $0x7D0  }
0x5c: {  	s31 =	simm.s32 $0x1400;
	s29 =	simm.s32 $0xA00;
	[sflag:s26] =	ssyncset.done $0x0  }
.LBB2_6:
0x5d: {  	s1 =	sshra.s32 s29, $0x2  }
0x5e: {  	[sflag:s26] =	ssyncadd.s32 $0xFFFFF830;
	s29 =	smov.u32 s31;
	s30 =	sadd.s32 $0xA00, s31  }
0x5f: {  	[spmem:s2] =	stream.indirect.scatter.add.f32 [tilespmem:s16], [sflag:$0x1], $0x10, s1, s15, $0xb8;
	[tilespmem:$0xCE50] =	vst v63  }
0x60: {  	p0 =	sne.s32 s31, $0x9600;
	s31 =	sadd.s32 $0x2800, s1  }
0x61: {  	[spmem:s3] =	stream.indirect.scatter.add.f32 [tilespmem:s16], [sflag:$0x6], $0x10, s31, s15, $0xb8;
	[tilespmem:$0xCE50] =	vst v63  }
0x62: {  	s31 =	sadd.s32 $0x80, s1  }
0x63: {  	[spmem:s2] =	stream.indirect.scatter.add.f32 [tilespmem:s16], [sflag:$0x2], $0x10, s31, s15, $0xb8;
	[tilespmem:$0xCE50] =	vst v63  }
0x64: {  	s31 =	sadd.s32 $0x2880, s1  }
0x65: {  	[spmem:s3] =	stream.indirect.scatter.add.f32 [tilespmem:s16], [sflag:$0x7], $0x10, s31, s15, $0xb8;
	[tilespmem:$0xCE50] =	vst v63  }
0x66: {  	s31 =	sadd.s32 $0x100, s1  }
0x67: {  	[spmem:s2] =	stream.indirect.scatter.add.f32 [tilespmem:s16], [sflag:$0x3], $0x10, s31, s15, $0xb8;
	[tilespmem:$0xCE50] =	vst v63  }
0x68: {  	s31 =	sadd.s32 $0x2900, s1  }
0x69: {  	[spmem:s3] =	stream.indirect.scatter.add.f32 [tilespmem:s16], [sflag:$0x8], $0x10, s31, s15, $0xb8;
	[tilespmem:$0xCE50] =	vst v63  }
0x6a: {  	s31 =	sadd.s32 $0x180, s1  }
0x6b: {  	[spmem:s2] =	stream.indirect.scatter.add.f32 [tilespmem:s16], [sflag:$0x4], $0x10, s31, s15, $0xb8;
	[tilespmem:$0xCE50] =	vst v63  }
0x6c: {  	s31 =	sadd.s32 $0x2980, s1  }
0x6d: {  	[spmem:s3] =	stream.indirect.scatter.add.f32 [tilespmem:s16], [sflag:$0x9], $0x10, s31, s15, $0xb8;
	[tilespmem:$0xCE50] =	vst v63  }
0x6e: {  	s31 =	sadd.s32 $0x200, s1  }
0x6f: {  	[spmem:s2] =	stream.indirect.scatter.add.f32 [tilespmem:s16], [sflag:$0x5], $0x10, s31, s15, $0xb8;
	[tilespmem:$0xCE50] =	vst v63  }
0x70: {  	s1 =	sadd.s32 $0x2A00, s1  }
0x71: {  	[spmem:s3] =	stream.indirect.scatter.add.f32 [tilespmem:s16], [sflag:$0xA], $0x10, s1, s15, $0xb8;
	[tilespmem:$0xCE50] =	vst v63  }
0x72: {  	_ =	swait.ge [sflag:s17], $0x7D0  }
0x73: {  	[sflag:s17] =	ssyncset.done $0x0  }
0x74: {  	[sflag:s17] =	ssyncadd.s32 $0xFFFFF830  }
0x75: {  	_ =	swait.ge [sflag:s18], $0x7D0  }
0x76: {  	[sflag:s18] =	ssyncset.done $0x0  }
0x77: {  	[sflag:s18] =	ssyncadd.s32 $0xFFFFF830  }
0x78: {  	_ =	swait.ge [sflag:s19], $0x7D0  }
0x79: {  	[sflag:s19] =	ssyncset.done $0x0  }
0x7a: {  	[sflag:s19] =	ssyncadd.s32 $0xFFFFF830  }
0x7b: {  	_ =	swait.ge [sflag:s20], $0x7D0  }
0x7c: {  	[sflag:s20] =	ssyncset.done $0x0  }
0x7d: {  	[sflag:s20] =	ssyncadd.s32 $0xFFFFF830  }
0x7e: {  	_ =	swait.ge [sflag:s21], $0x7D0  }
0x7f: {  	[sflag:s21] =	ssyncset.done $0x0  }
0x80: {  	[sflag:s21] =	ssyncadd.s32 $0xFFFFF830  }
0x81: {  	_ =	swait.ge [sflag:s22], $0x7D0  }
0x82: {  	[sflag:s22] =	ssyncset.done $0x0  }
0x83: {  	[sflag:s22] =	ssyncadd.s32 $0xFFFFF830  }
0x84: {  	_ =	swait.ge [sflag:s23], $0x7D0  }
0x85: {  	[sflag:s23] =	ssyncset.done $0x0  }
0x86: {  	[sflag:s23] =	ssyncadd.s32 $0xFFFFF830  }
0x87: {  	_ =	swait.ge [sflag:s24], $0x7D0  }
0x88: {  	[sflag:s24] =	ssyncset.done $0x0  }
0x89: {  	[sflag:s24] =	ssyncadd.s32 $0xFFFFF830  }
.Ltmp2:
0x8a: {  	_ =	swait.ge [sflag:s25], $0x7D0;
	(pc) =	sbr.rel @p0 .LBB2_6-.Ltmp2, $4  }
0x8b: {  	[sflag:s25] =	ssyncset.done $0x0  }
0x8c: {  	[sflag:s25] =	ssyncadd.s32 $0xFFFFF830  }
0x8d: {  	_ =	swait.ge [sflag:s26], $0x7D0  }
0x8e: {  	s31 =	smov.u32 s30;
	[sflag:s26] =	ssyncset.done $0x0  }
0x8f: {  	s1 =	sshra.s32 s29, $0x2;
	[sflag:s26] =	ssyncadd.s32 $0xFFFFF830  }
0x90: {  	[spmem:s2] =	stream.indirect.scatter.add.f32 [tilespmem:s16], [sflag:$0x1], $0x10, s1, s15, $0xb8;
	[tilespmem:$0xCE50] =	vst v63  }
0x91: {  	s29 =	sadd.s32 $0x2800, s1  }
0x92: {  	[spmem:s3] =	stream.indirect.scatter.add.f32 [tilespmem:s16], [sflag:$0x6], $0x10, s29, s15, $0xb8;
	[tilespmem:$0xCE50] =	vst v63  }
0x93: {  	s31 =	sadd.s32 $0x80, s1  }
0x94: {  	[spmem:s2] =	stream.indirect.scatter.add.f32 [tilespmem:s16], [sflag:$0x2], $0x10, s31, s15, $0xb8;
	[tilespmem:$0xCE50] =	vst v63  }
0x95: {  	s30 =	sadd.s32 $0x2880, s1  }
0x96: {  	[spmem:s3] =	stream.indirect.scatter.add.f32 [tilespmem:s16], [sflag:$0x7], $0x10, s30, s15, $0xb8;
	[tilespmem:$0xCE50] =	vst v63  }
0x97: {  	s31 =	sadd.s32 $0x100, s1  }
0x98: {  	[spmem:s2] =	stream.indirect.scatter.add.f32 [tilespmem:s16], [sflag:$0x3], $0x10, s31, s15, $0xb8;
	[tilespmem:$0xCE50] =	vst v63  }
0x99: {  	s30 =	sadd.s32 $0x2900, s1  }
0x9a: {  	[spmem:s3] =	stream.indirect.scatter.add.f32 [tilespmem:s16], [sflag:$0x8], $0x10, s30, s15, $0xb8;
	[tilespmem:$0xCE50] =	vst v63  }
0x9b: {  	s31 =	sadd.s32 $0x180, s1  }
0x9c: {  	[spmem:s2] =	stream.indirect.scatter.add.f32 [tilespmem:s16], [sflag:$0x4], $0x10, s31, s15, $0xb8;
	[tilespmem:$0xCE50] =	vst v63  }
0x9d: {  	s30 =	sadd.s32 $0x2980, s1  }
0x9e: {  	[spmem:s3] =	stream.indirect.scatter.add.f32 [tilespmem:s16], [sflag:$0x9], $0x10, s30, s15, $0xb8;
	[tilespmem:$0xCE50] =	vst v63  }
0x9f: {  	s31 =	sadd.s32 $0x200, s1  }
0xa0: {  	[spmem:s2] =	stream.indirect.scatter.add.f32 [tilespmem:s16], [sflag:$0x5], $0x10, s31, s15, $0xb8;
	[tilespmem:$0xCE50] =	vst v63  }
0xa1: {  	s1 =	sadd.s32 $0x2A00, s1  }
0xa2: {  	[spmem:s3] =	stream.indirect.scatter.add.f32 [tilespmem:s16], [sflag:$0xA], $0x10, s1, s15, $0xb8;
	[tilespmem:$0xCE50] =	vst v63  }
0xa3: {  	_ =	swait.ge [sflag:s17], $0x7D0  }
0xa4: {  	[sflag:s17] =	ssyncset.done $0x0  }
0xa5: {  	[sflag:s17] =	ssyncadd.s32 $0xFFFFF830  }
0xa6: {  	_ =	swait.ge [sflag:s18], $0x7D0  }
0xa7: {  	[sflag:s18] =	ssyncset.done $0x0  }
0xa8: {  	[sflag:s18] =	ssyncadd.s32 $0xFFFFF830  }
0xa9: {  	_ =	swait.ge [sflag:s19], $0x7D0  }
0xaa: {  	[sflag:s19] =	ssyncset.done $0x0  }
0xab: {  	[sflag:s19] =	ssyncadd.s32 $0xFFFFF830  }
0xac: {  	_ =	swait.ge [sflag:s20], $0x7D0  }
0xad: {  	[sflag:s20] =	ssyncset.done $0x0  }
0xae: {  	[sflag:s20] =	ssyncadd.s32 $0xFFFFF830  }
0xaf: {  	_ =	swait.ge [sflag:s21], $0x7D0  }
0xb0: {  	[sflag:s21] =	ssyncset.done $0x0  }
0xb1: {  	[sflag:s21] =	ssyncadd.s32 $0xFFFFF830  }
0xb2: {  	_ =	swait.ge [sflag:s22], $0x7D0  }
0xb3: {  	[sflag:s22] =	ssyncset.done $0x0  }
0xb4: {  	[sflag:s22] =	ssyncadd.s32 $0xFFFFF830  }
0xb5: {  	_ =	swait.ge [sflag:s23], $0x7D0  }
0xb6: {  	[sflag:s23] =	ssyncset.done $0x0  }
0xb7: {  	[sflag:s23] =	ssyncadd.s32 $0xFFFFF830  }
0xb8: {  	_ =	swait.ge [sflag:s24], $0x7D0  }
0xb9: {  	[sflag:s24] =	ssyncset.done $0x0  }
0xba: {  	[sflag:s24] =	ssyncadd.s32 $0xFFFFF830  }
0xbb: {  	_ =	swait.ge [sflag:s25], $0x7D0  }
0xbc: {  	[sflag:s25] =	ssyncset.done $0x0  }
0xbd: {  	[sflag:s25] =	ssyncadd.s32 $0xFFFFF830  }
0xbe: {  	_ =	swait.ge [sflag:s26], $0x7D0  }
0xbf: {  	[sflag:s26] =	ssyncset.done $0x0  }
0xc0: {  	s29 =	sshll.u32 s0, $0x6;
	[sflag:s26] =	ssyncadd.s32 $0xFFFFF830  }
0xc1: {  	s30 =	sshrl.u32 s7, $0x3;
	s1 =	sor.u32 $0x1C0B, s29;
	[bflag:$0x0] =	sbarrier.arrive $0xFFFF  }
0xc2: {  	[hbm:s9], [sflag:s1] =	dma.local [spmem:s30], $0x4F0  }
0xc3: {  	s28 =	sadd.s32 $0x1, s28;
	_ =	swait.ge [sflag:s12], $0x4F0  }
0xc4: {  	p0 =	sne.s32 s28, s11;
	[sflag:s12] =	ssyncset.done $0x0  }
.Ltmp3:
0xc5: {  	s31 =	sshrl.u32 s8, $0x3;
	[sflag:s12] =	ssyncadd.s32 $0xFFFFFB10;
	(pc) =	sbr.rel @p0 .LBB2_1-.Ltmp3, $4  }
0xc6: {  	[hbm:s10], [sflag:s1] =	dma.local [spmem:s31], $0x4F0  }
0xc7: {  	_ =	swait.ge [sflag:s12], $0x4F0  }
0xc8: {  	[sflag:s12] =	ssyncset.done $0x0  }
0xc9: {  	[sflag:s12] =	ssyncadd.s32 $0xFFFFFB10  }
0xca: {  	_ =	sfence.sel $0x180000  }
0xcb: {  	[bflag:$0x0] =	sbarrier.arrive $0xFFFF  }
0xcc: {  	_ =	strace $0x90000047  }
0xcd: {  	[bflag:$0x2] =	sbarrier.arrive $0xFFFF  }
0xce: {  	p0 =	sne.s32 s0, $0x0;
	s0 =	rddreg [dreg:$0x4]  }
0xcf: {  	s0 =	sadd.s32 @!p0 $0x100000, s0  }
0xd0: {  	[sflag:s0] =	ssyncadd.tile.s32 @!p0 $0x1;
	_ =	shalt  }
.Lfunc_end2:
_tile_overlayer_lowered:
.L_overlay_start_2:
0xd1: {  	(tag) =	ssettag $0x2  }
0xd2: {  	s0 =	rddreg [dreg:$0x0];
	s2 =	stileid.u32  }
0xd3: {  	s1 =	rddreg [dreg:$0x1];
	p0 =	sne.s32 s2, $0x0  }
0xd4: {  	s3 =	rddreg [dreg:$0x2];
	[bflag:$0x3] =	sbarrier.arrive $0xFFFF;
	s2 =	simm.s32 @!p0 $0x1C0B  }
0xd5: {  	[timem:s3], [sflag:s2] =	dma.local @!p0 [hbm:s0], s1  }
0xd6: {  	s0 =	simm.s32 @!p0 $0xB  }
0xd7: {  	_ =	swait.ge @!p0 [sflag:s0], s1  }
0xd8: {  	s1 =	ssub.s32 @!p0 $0x0, s1;
	[sflag:s0] =	ssyncset.done @!p0 $0x0  }
0xd9: {  	[sflag:s0] =	ssyncadd.s32 @!p0 s1  }
0xda: {  	[bflag:$0x3] =	sbarrier.arrive $0xFFFF  }
0xdb: {  	_ =	shalt  }

// kernel: kernel.9.cloned.1.call-start
scs
__scs_entry_jumppad:
0x0: {  	(pc) =	sbr.rel $0x88, $3  }
0x1: {  	(tag) =	ssettag $0x0;
	lr =	simm.s32 $0x1  }
0x2: {  	[smem:$0x3F9D] =	sst lr;
	_ =	strace $0xD0000000  }
0x3: {  	_ = 	snop  }
0x4: {  	_ = 	snop  }
0x5: {  	_ = 	snop  }
0x6: {  	_ = 	snop  }
0x7: {  	_ = 	snop  }
__scs_overlays_trampoline_lowered:
0x8: {  	[smem:$0x3FAC] =	sst s0  }
0x9: {  	[smem:$0x3FAD] =	sst s1  }
0xa: {  	[smem:$0x3FAE] =	sst s2  }
0xb: {  	[smem:$0x3FAF] =	sst s3  }
0xc: {  	[smem:$0x3FB0] =	sst s4  }
0xd: {  	[smem:$0x3FB1] =	sst s5  }
0xe: {  	[smem:$0x3FB2] =	sst s6  }
0xf: {  	[smem:$0x3FB3] =	sst s7  }
0x10: {  	[smem:$0x3FB4] =	sst s8  }
0x11: {  	[smem:$0x3FB5] =	sst s9;
	s0 =	simm.s32 @!p0 $0x0  }
0x12: {  	s1 =	sld [smem:$0x3F9B];
	s0 =	simm.s32 @p0 $0x1  }
0x13: {  	[smem:$0x3FB6] =	sst s0;
	s0 =	simm.s32 @!p1 $0x0  }
0x14: {  	s2 =	sld [smem:$0x3F9A];
	s0 =	simm.s32 @p1 $0x1  }
0x15: {  	[smem:$0x3FB7] =	sst s0;
	s0 =	simm.s32 @!p2 $0x0  }
0x16: {  	s3 =	sld [smem:$0x3FDB];
	s0 =	simm.s32 @p2 $0x1  }
0x17: {  	s4 =	simm.s32 $0x1BF5;
	[smem:$0x3FB9] =	sst s0  }
0x18: {  	s0 =	sld [smem:$0x3F9C];
	_ =	swait.ge [sflag:s4], $0x0  }
0x19: {  	s7 =	sld [smem:$0x3F9D]  }
0x1a: {  	s8 =	sadd.s32 $0xFFFFE003, lr  }
0x1b: {  	s9 =	sadd.s32 $0xFFFFFEF7, lr;
	s5 =	simm.s32 $0xFFFFFFFF;
	p2 =	slt.u32 s8, $0xFFFFF086  }
0x1c: {  	p1 =	slt.u32 s9, $0xF7A;
	s5 =	simm.s32 @!p2 $0x0  }
0x1d: {  	s5 =	simm.s32 @p1 $0x1;
	p0 =	seq.s32 s7, s2  }
0x1e: {  	s7 =	smul.u32 @!p0 $0xF7A, s2;
	p2 =	seq.s32 @!p0 s5, $0x0  }
0x1f: {  	s9 =	smul.u32 $0xF7A, s1;
	s8 =	simm.s32 @!p0 $0x1BF5;
	p2 =	por !p2, p0  }
0x20: {  	[sflag:s8] =	ssyncset.s32 @!p0 $0xFFFFF086;
	s6 =	sadd.s32 @!p0 s3, s7;
	s7 =	simm.s32 @!p0 $0x108  }
0x21: {  	s3 =	sadd.s32 s3, s9;
	s6 =	sadd.s32 @!p0 $0x88, s6;
	s7 =	simm.s32 @p2 $0x1082  }
0x22: {  	[simem:s7], [sflag:s8] =	dma.local @!p0 [hbm:s6], $0xF7A  }
0x23: {  	s9 =	sor.u32 $0xD0000000, s2;
	s6 =	simm.s32 $0x108;
	_ =	swait.ge @!p0 [sflag:s8], $0x0  }
0x24: {  	s3 =	sadd.s32 $0x88, s3;
	s6 =	simm.s32 @!p1 $0x1082;
	[sflag:s4] =	ssyncset.s32 $0xFFFFF086  }
0x25: {  	[simem:s6], [sflag:s4] =	dma.local [hbm:s3], $0xF7A  }
0x26: {  	[smem:$0x3F9D] =	sst s1;
	(tag) =	ssettag s2;
	_ =	strace s9  }
0x27: {  	s1 =	sld [smem:$0x3FAD]  }
0x28: {  	s2 =	sld [smem:$0x3FAE]  }
0x29: {  	s4 =	sld [smem:$0x3FB0]  }
0x2a: {  	p0 =	seq.s32 s5, $0x0;
	s5 =	sld [smem:$0x3FB1]  }
0x2b: {  	s6 =	sld [smem:$0x3FB2]  }
0x2c: {  	s7 =	sld [smem:$0x3FB3]  }
0x2d: {  	s3 =	simm.s32 $0x108;
	s8 =	sld [smem:$0x3FB4]  }
0x2e: {  	s3 =	simm.s32 @!p0 $0x1082;
	s9 =	sld [smem:$0x3FB5]  }
0x2f: {  	lr =	sadd.s32 s0, s3;
	s0 =	sld [smem:$0x3FAC]  }
0x30: {  	s3 =	sld [smem:$0x3FAF]  }
0x31: {  	[smem:$0x3FB8] =	sst s10  }
0x32: {  	s10 =	sld [smem:$0x3FB6];
	_ =	sdelay $0x3  }
0x33: {  	p0 =	seq.s32 s10, $0x1;
	s10 =	sld [smem:$0x3FB8];
	_ =	sdelay $0x3  }
0x34: {  	[smem:$0x3FB8] =	sst s10  }
0x35: {  	s10 =	sld [smem:$0x3FB7];
	_ =	sdelay $0x3  }
0x36: {  	p1 =	seq.s32 s10, $0x1;
	s10 =	sld [smem:$0x3FB8];
	_ =	sdelay $0x3  }
0x37: {  	[smem:$0x3FB8] =	sst s10  }
0x38: {  	s10 =	sld [smem:$0x3FB9]  }
0x39: {  	_ = 	snop;
	(pc) =	sbr.ind lr, $3  }
0x3a: {  	_ = 	snop  }
0x3b: {  	_ = 	snop  }
0x3c: {  	p2 =	seq.s32 s10, $0x1;
	s10 =	sld [smem:$0x3FB8]  }
0x3d: {  	_ =	shalt  }
0x3e: {  	_ =	shalt  }
0x3f: {  	_ =	shalt  }
0x40: {  	_ =	shalt  }
0x41: {  	_ =	shalt  }
0x42: {  	_ =	shalt  }
0x43: {  	_ =	shalt  }
0x44: {  	_ =	shalt  }
0x45: {  	_ =	shalt  }
0x46: {  	_ =	shalt  }
0x47: {  	_ =	shalt  }
0x48: {  	_ =	shalt  }
0x49: {  	_ =	shalt  }
0x4a: {  	_ =	shalt  }
0x4b: {  	_ =	shalt  }
0x4c: {  	_ =	shalt  }
0x4d: {  	_ =	shalt  }
0x4e: {  	_ =	shalt  }
0x4f: {  	_ =	shalt  }
0x50: {  	_ =	shalt  }
0x51: {  	_ =	shalt  }
0x52: {  	_ =	shalt  }
0x53: {  	_ =	shalt  }
0x54: {  	_ =	shalt  }
0x55: {  	_ =	shalt  }
0x56: {  	_ =	shalt  }
0x57: {  	_ =	shalt  }
0x58: {  	_ =	shalt  }
0x59: {  	_ =	shalt  }
0x5a: {  	_ =	shalt  }
0x5b: {  	_ =	shalt  }
0x5c: {  	_ =	shalt  }
0x5d: {  	_ =	shalt  }
0x5e: {  	_ =	shalt  }
0x5f: {  	_ =	shalt  }
0x60: {  	_ =	shalt  }
0x61: {  	_ =	shalt  }
0x62: {  	_ =	shalt  }
0x63: {  	_ =	shalt  }
0x64: {  	_ =	shalt  }
0x65: {  	_ =	shalt  }
0x66: {  	_ =	shalt  }
0x67: {  	_ =	shalt  }
0x68: {  	_ =	shalt  }
0x69: {  	_ =	shalt  }
0x6a: {  	_ =	shalt  }
0x6b: {  	_ =	shalt  }
0x6c: {  	_ =	shalt  }
0x6d: {  	_ =	shalt  }
0x6e: {  	_ =	shalt  }
0x6f: {  	_ =	shalt  }
0x70: {  	_ =	shalt  }
0x71: {  	_ =	shalt  }
0x72: {  	_ =	shalt  }
0x73: {  	_ =	shalt  }
0x74: {  	_ =	shalt  }
0x75: {  	_ =	shalt  }
0x76: {  	_ =	shalt  }
0x77: {  	_ =	shalt  }
0x78: {  	_ =	shalt  }
0x79: {  	_ =	shalt  }
0x7a: {  	_ =	shalt  }
0x7b: {  	_ =	shalt  }
0x7c: {  	_ =	shalt  }
0x7d: {  	_ =	shalt  }
0x7e: {  	_ =	shalt  }
0x7f: {  	_ =	shalt  }
0x80: {  	_ =	shalt  }
0x81: {  	_ =	shalt  }
0x82: {  	_ =	shalt  }
0x83: {  	_ =	shalt  }
0x84: {  	_ =	shalt  }
0x85: {  	_ =	shalt  }
0x86: {  	_ =	shalt  }
0x87: {  	_ =	shalt  }
.Lfunc_end0:
.L_simem_size_0:
called_computation.1_lowered:
.L_overlay_start_0:
0x88: {  	s2 =	sld [smem:$0x3FD9]  }
0x89: {  	s3 =	sld [smem:$0x3FFE];
	_ =	sdelay $0x1  }
0x8a: {  	s1 =	srdreg.scid  }
0x8b: {  	s0 =	sand.u32 $0x1, s1  }
0x8c: {  	s17 =	sshll.u32 s0, $0xA;
	s2 =	sadd.s32 s3, s2  }
0x8d: {  	s2 =	sadd.s32 s2, s17  }
0x8e: {  	[smem:$0x3FC4] =	sst s2  }
0x8f: {  	_ = 	snop  }
0x90: {  	s2 =	sld [smem:$0x3FD0];
	(tm) =	ssettm $0x1  }
0x91: {  	s18 =	sld [smem:$0x3FFB];
	_ =	sdelay $0x3  }
0x92: {  	_ =	strace s18  }
0x93: {  	s3 =	sld [smem:$0x3FFC];
	_ =	sdelay $0x3  }
0x94: {  	_ =	strace s3  }
0x95: {  	s3 =	sld [smem:$0x3FFD];
	_ =	sdelay $0x3  }
0x96: {  	_ =	strace s3  }
0x97: {  	_ =	strace $0x8FFFFFFF  }
0x98: {  	s19 =	sld [smem:$0x3FDB];
	_ =	sdelay $0x1  }
0x99: {  	s4 =	simm.s32 $_scs_section_size  }
0x9a: {  	s5 =	simm.s32 $_size__tile_overlayer_lowered;
	s6 =	simm.s32 $_tile_overlayer_lowered  }
0x9b: {  	s22 =	simm.s32 $0x1BFF;
	s21 =	sshll.u32 s6, $0x1;
	s3 =	sadd.s32 s4, s19  }
0x9c: {  	s7 =	simm.s32 $0x0;
	s20 =	sshll.u32 s5, $0x1;
	s5 =	sadd.s32 s21, s3  }
0x9d: {  	[timem:s7], [sflag:s22] =	dma.local [hbm:s5], s20  }
0x9e: {  	_ =	swait.ge [sflag:s22], s20  }
0x9f: {  	s4 =	ssub.s32 $0x0, s20;
	[sflag:s22] =	ssyncset.done $0x0  }
0xa0: {  	[sflag:s22] =	ssyncadd.s32 s4;
	_ =	sdelay $0x1  }
0xa1: {  	s23 =	simm.s32 $0x1B8B  }
0xa2: {  	_ =	swait.ge [sflag:s23], $0x1  }
0xa3: {  	[sflag:s23] =	ssyncset.done $0x0  }
0xa4: {  	s25 =	simm.s32 $0x1B8E;
	s24 =	sld [smem:$0x3FFE];
	[sflag:s23] =	ssyncadd.s32 $0xFFFFFFFF  }
0xa5: {  	s26 =	simm.s32 $execute0_lowered;
	[smem:$0x3FD2] =	sst s25  }
0xa6: {  	s5 =	sshll.u32 s26, $0x1;
	_ =	strace $0x80000049;
	[dreg:$0x1] =	wrdreg $0xFFFFFFFF  }
0xa7: {  	s28 =	simm.s32 $_size_execute0_lowered;
	s3 =	sadd.s32 s3, s5;
	[dreg:$0x0] =	wrdreg $0x0  }
0xa8: {  	s5 =	sshll.u32 s28, $0x1;
	[dreg:$0x2] =	wrdreg s3  }
0xa9: {  	[dreg:$0x3] =	wrdreg s5  }
0xaa: {  	[dreg:$0x4] =	wrdreg $0xC0  }
0xab: {  	_ =	task [dreg:s7], $0x5FFFF  }
0xac: {  	[dreg:$0x1] =	wrdreg $0xFFFFFFFF  }
0xad: {  	[dreg:$0x0] =	wrdreg $0x60  }
0xae: {  	[dreg:$0x2] =	wrdreg s2  }
0xaf: {  	[dreg:$0x3] =	wrdreg s24  }
0xb0: {  	[dreg:$0x4] =	wrdreg $0x13C400  }
0xb1: {  	[dreg:$0x5] =	wrdreg $0x9  }
0xb2: {  	_ =	task.clear_ibuf [dreg:s7], $0x6FFFF;
	_ =	strace $0x90000049  }
0xb3: {  	s29 =	simm.s32 $0x9;
	_ =	strace $0x8000004B  }
0xb4: {  	_ =	swait.ge [sflag:s29], $0x1  }
0xb5: {  	[sflag:s29] =	ssyncadd.s32 $0xFFFFFFFF  }
0xb6: {  	_ =	strace $0x9000004B  }
0xb7: {  	_ =	sfence  }
0xb8: {  	s30 =	sld [smem:$0x0];
	_ =	sdelay $0x2  }
0xb9: {  	s31 =	sshll.u32 s1, $0xD;
	s1 =	sshrl.u32 s1, $0x2  }
0xba: {  	s3 =	sand.u32 $0x4000, s31;
	s1 =	sadd.s32 s1, s30  }
0xbb: {  	s0 =	sor.u32 s3, s0;
	s1 =	sshll.u32 s1, $0x11  }
0xbc: {  	s0 =	sor.u32 s1, s0  }
0xbd: {  	s0 =	sadd.s32 $0x8F2B, s0  }
0xbe: {  	[sflag:s0] =	ssyncadd.remote.s32 $0x1  }
0xbf: {  	_ =	sfence.sel $0xFFFF  }
0xc0: {  	[dreg:$0x0] =	wrdreg $0xFFFFFFFF;
	(pc) =	sbr.abs _section_cstart, $3  }
0xc1: {  	[dreg:$0x1] =	wrdreg $0xFFFFFFFF  }
0xc2: {  	_ =	task.clear_ibuf [dreg:s7], $0x2FFFF;
	_ =	strace $0x9FFFFFFF  }
0xc3: {  	(tm) =	ssettm $0x7FFFFFFF  }
tec
execute0_lowered:
.L_overlay_start_1:
0x0: {  	(tag) =	ssettag $0x1  }
0x1: {  	s0 =	rddreg [dreg:$0x0]  }
0x2: {  	s1 =	rddreg [dreg:$0x1]  }
0x3: {  	s2 =	rddreg [dreg:$0x2]  }
0x4: {  	s9 =	stileid.u32;
	s3 =	srdreg.scid;
	s5 =	simm.s32 $0x0  }
0x5: {  	s15 =	simm.s32 $0xB;
	s17 =	simm.s32 $0xA000;
	s18 =	simm.s32 $0x7D  }
0x6: {  	s20 =	simm.s32 $0xBF40;
	s28 =	simm.s32 $0x1;
	s29 =	simm.s32 $0x2  }
0x7: {  	s30 =	simm.s32 $0x3;
	s31 =	simm.s32 $0x4;
	s4 =	smul.u32 $0x9E00, s9  }
0x8: {  	s16 =	simm.s32 $0x6;
	s19 =	simm.s32 $0x8;
	s6 =	smul.u32 $0xA00, s9  }
0x9: {  	s21 =	simm.s32 $0x9;
	s3 =	sand.u32 $0x1, s3;
	s9 =	smul.u32 $0x27800, s9  }
0xa: {  	[smem:$0x7FF] =	sst s5;
	s22 =	smul.u32 $0x9E000, s3;
	s7 =	ssub.s32 $0x2, s3  }
0xb: {  	_ =	strace $0x8000004A;
	s3 =	smul.u32 $0x13880, s3;
	s8 =	sshrl.u32 s7, $0x1  }
0xc: {  	s6 =	sadd.s32 s6, s1;
	s25 =	sshrl.u32 s9, $0x2;
	s5 =	sadd.s32 s4, s22  }
0xd: {  	s14 =	ssub.s32 s7, s8;
	s23 =	sadd.s32 $0x1F000, s6;
	s24 =	sadd.s32 $0x15000, s6  }
0xe: {  	s6 =	sadd.s32 s4, s2;
	s26 =	sadd.s32 s25, s2;
	s12 =	sadd.s32 s0, s3  }
0xf: {  	s22 =	simm.s32 $0xDE80;
	s0 =	simm.s32 $0x5;
	[dreg:$0x4] =	wrdreg s23  }
0x10: {  	s25 =	simm.s32 $0x0;
	s5 =	sshrl.u32 s5, $0x3;
	[dreg:$0x5] =	wrdreg s24  }
0x11: {  	s7 =	sadd.s32 $0x1F40, s26;
	s8 =	sadd.s32 $0x3E80, s26;
	s9 =	sadd.s32 $0x5DC0, s26  }
0x12: {  	s10 =	sadd.s32 $0x7D00, s26;
	s11 =	sadd.s32 $0x9C40, s26;
	s14 =	smax.u32 s14, $0x1  }
0x13: {  	s24 =	simm.s32 $0xFDC0;
	s26 =	simm.s32 $0x11D00;
	s1 =	sadd.s32 s5, s1  }
0x14: {  	v0 =	vimm.f32 $0.0e+00;
	s23 =	simm.s32 $0xA;
	s13 =	sadd.s32 $0xC7000, s1;
	s1 =	simm.s32 $0x7  }
.LBB2_1:
0x15: {  	s3 =	simm.s32 $0x0;
	s4 =	rddreg [dreg:$0x4]  }
0x16: {  	[tilespmem:s3], [sflag:$0xB] =	stream.linear.gather [hbm4b:s4+s3], $0x5000, $0x38;
	[tilespmem:$0x1DA40] =	vst v63  }
0x17: {  	_ =	swait.ge [sflag:s15], $0x5000  }
0x18: {  	[sflag:s15] =	ssyncset.done $0x0  }
0x19: {  	s5 =	simm.s32 $0x5000;
	s4 =	rddreg [dreg:$0x5];
	[sflag:s15] =	ssyncadd.s32 $0xFFFFB000  }
0x1a: {  	[tilespmem:s5], [sflag:$0xB] =	stream.linear.gather [hbm4b:s4+s3], $0x5000, $0x38;
	[tilespmem:$0x1DA40] =	vst v63  }
0x1b: {  	_ =	swait.ge [sflag:s15], $0x5000  }
0x1c: {  	[sflag:s15] =	ssyncset.done $0x0  }
0x1d: {  	s4 =	simm.s32 $0x100;
	s3 =	simm.s32 $0x0;
	[sflag:s15] =	ssyncadd.s32 $0xFFFFB000  }
.LBB2_2:
0x1e: {  	p0 =	sne.s32 s4, $0x7C00;
	[tilespmem:s3+$0xA030] =	vst v0;
	s5 =	smov.u32 s4;
	s4 =	sadd.s32 $0x100, s4  }
.Ltmp0:
0x1f: {  	[tilespmem:s3+$0xA020] =	vst v0;
	(pc) =	sbr.rel @p0 .LBB2_2-.Ltmp0, $3  }
0x20: {  	[tilespmem:s3+$0xA000] =	vst v0  }
0x21: {  	[tilespmem:s3+$0xA010] =	vst v0;
	_ =	sdelay $0x1  }
0x22: {  	s3 =	sshra.s32 s5, $0x2  }
0x23: {  	[tilespmem:s3+$0xA030] =	vst v0  }
0x24: {  	[tilespmem:s3+$0xA020] =	vst v0  }
0x25: {  	[tilespmem:s3+$0xA000] =	vst v0  }
0x26: {  	[tilespmem:s3+$0xA010] =	vst v0  }
0x27: {  	[spmem:s6] =	stream.linear.scatter [tilespmem:s17], [sflag:$0xB], $0x1F40, $0x38;
	[tilespmem:$0x1DA40] =	vst v63  }
0x28: {  	_ =	swait.ge [sflag:s15], $0x1F40  }
0x29: {  	[sflag:s15] =	ssyncset.done $0x0  }
0x2a: {  	[sflag:s15] =	ssyncadd.s32 $0xFFFFE0C0  }
0x2b: {  	[spmem:s7] =	stream.linear.scatter [tilespmem:s17], [sflag:$0xB], $0x1F40, $0x38;
	[tilespmem:$0x1DA40] =	vst v63  }
0x2c: {  	_ =	swait.ge [sflag:s15], $0x1F40  }
0x2d: {  	[sflag:s15] =	ssyncset.done $0x0  }
0x2e: {  	[sflag:s15] =	ssyncadd.s32 $0xFFFFE0C0  }
0x2f: {  	[spmem:s8] =	stream.linear.scatter [tilespmem:s17], [sflag:$0xB], $0x1F40, $0x38;
	[tilespmem:$0x1DA40] =	vst v63  }
0x30: {  	_ =	swait.ge [sflag:s15], $0x1F40  }
0x31: {  	[sflag:s15] =	ssyncset.done $0x0  }
0x32: {  	[sflag:s15] =	ssyncadd.s32 $0xFFFFE0C0  }
0x33: {  	[spmem:s9] =	stream.linear.scatter [tilespmem:s17], [sflag:$0xB], $0x1F40, $0x38;
	[tilespmem:$0x1DA40] =	vst v63  }
0x34: {  	_ =	swait.ge [sflag:s15], $0x1F40  }
0x35: {  	[sflag:s15] =	ssyncset.done $0x0  }
0x36: {  	[sflag:s15] =	ssyncadd.s32 $0xFFFFE0C0  }
0x37: {  	[spmem:s10] =	stream.linear.scatter [tilespmem:s17], [sflag:$0xB], $0x1F40, $0x38;
	[tilespmem:$0x1DA40] =	vst v63  }
0x38: {  	_ =	swait.ge [sflag:s15], $0x1F40  }
0x39: {  	[sflag:s15] =	ssyncset.done $0x0  }
0x3a: {  	[sflag:s15] =	ssyncadd.s32 $0xFFFFE0C0  }
0x3b: {  	[spmem:s11] =	stream.linear.scatter [tilespmem:s17], [sflag:$0xB], $0x1C0, $0x38;
	[tilespmem:$0x1DA40] =	vst v63  }
0x3c: {  	_ =	swait.ge [sflag:s15], $0x1C0  }
0x3d: {  	[sflag:s15] =	ssyncset.done $0x0  }
0x3e: {  	[sflag:s15] =	ssyncadd.s32 $0xFFFFFE40  }
0x3f: {  	s4 =	simm.s32 $0x0;
	[bflag:$0x0] =	sbarrier.arrive $0xFFFF  }
0x40: {  	[tilespmem:s17], [sflag:$0x1] =	stream.indirect.gather [hbm4b:s12+s18], $0x40, s4, s18, $0xb8;
	[tilespmem:$0x1DA40] =	vst v63  }
0x41: {  	s5 =	simm.s32 $0x80  }
0x42: {  	[tilespmem:s20], [sflag:$0x2] =	stream.indirect.gather [hbm4b:s12+s18], $0x40, s5, s18, $0xb8;
	[tilespmem:$0x1DA40] =	vst v63  }
0x43: {  	s4 =	simm.s32 $0x100  }
0x44: {  	[tilespmem:s22], [sflag:$0x3] =	stream.indirect.gather [hbm4b:s12+s18], $0x40, s4, s18, $0xb8;
	[tilespmem:$0x1DA40] =	vst v63  }
0x45: {  	s5 =	simm.s32 $0x180  }
0x46: {  	[tilespmem:s24], [sflag:$0x4] =	stream.indirect.gather [hbm4b:s12+s18], $0x40, s5, s18, $0xb8;
	[tilespmem:$0x1DA40] =	vst v63  }
0x47: {  	s4 =	simm.s32 $0x200  }
0x48: {  	[tilespmem:s26], [sflag:$0x5] =	stream.indirect.gather [hbm4b:s12+s18], $0x40, s4, s18, $0xb8;
	[tilespmem:$0x1DA40] =	vst v63  }
0x49: {  	_ =	swait.ge [sflag:s28], $0x1F40  }
0x4a: {  	[sflag:s28] =	ssyncset.done $0x0  }
0x4b: {  	[sflag:s28] =	ssyncadd.s32 $0xFFFFE0C0  }
0x4c: {  	_ =	swait.ge [sflag:s29], $0x1F40  }
0x4d: {  	[sflag:s29] =	ssyncset.done $0x0  }
0x4e: {  	[sflag:s29] =	ssyncadd.s32 $0xFFFFE0C0  }
0x4f: {  	_ =	swait.ge [sflag:s30], $0x1F40  }
0x50: {  	[sflag:s30] =	ssyncset.done $0x0  }
0x51: {  	[sflag:s30] =	ssyncadd.s32 $0xFFFFE0C0  }
0x52: {  	_ =	swait.ge [sflag:s31], $0x1F40  }
0x53: {  	[sflag:s31] =	ssyncset.done $0x0  }
0x54: {  	[sflag:s31] =	ssyncadd.s32 $0xFFFFE0C0  }
0x55: {  	_ =	swait.ge [sflag:s0], $0x1F40  }
0x56: {  	[sflag:s0] =	ssyncset.done $0x0  }
0x57: {  	s5 =	simm.s32 $0x5000;
	[sflag:s0] =	ssyncadd.s32 $0xFFFFE0C0  }
0x58: {  	[spmem:s2] =	stream.indirect.scatter.add.f32 [tilespmem:s17], [sflag:$0x6], $0x40, s5, s18, $0xb8;
	[tilespmem:$0x1DA40] =	vst v63  }
0x59: {  	s4 =	simm.s32 $0x5080  }
0x5a: {  	[spmem:s2] =	stream.indirect.scatter.add.f32 [tilespmem:s20], [sflag:$0x7], $0x40, s4, s18, $0xb8;
	[tilespmem:$0x1DA40] =	vst v63  }
0x5b: {  	s5 =	simm.s32 $0x5100  }
0x5c: {  	[spmem:s2] =	stream.indirect.scatter.add.f32 [tilespmem:s22], [sflag:$0x8], $0x40, s5, s18, $0xb8;
	[tilespmem:$0x1DA40] =	vst v63  }
0x5d: {  	s4 =	simm.s32 $0x5180  }
0x5e: {  	[spmem:s2] =	stream.indirect.scatter.add.f32 [tilespmem:s24], [sflag:$0x9], $0x40, s4, s18, $0xb8;
	[tilespmem:$0x1DA40] =	vst v63  }
0x5f: {  	s5 =	simm.s32 $0x5200  }
0x60: {  	[spmem:s2] =	stream.indirect.scatter.add.f32 [tilespmem:s26], [sflag:$0xA], $0x40, s5, s18, $0xb8;
	[tilespmem:$0x1DA40] =	vst v63  }
0x61: {  	_ =	swait.ge [sflag:s16], $0x1F40  }
0x62: {  	[sflag:s16] =	ssyncset.done $0x0  }
0x63: {  	s4 =	simm.s32 $0x280;
	[sflag:s16] =	ssyncadd.s32 $0xFFFFE0C0  }
0x64: {  	[tilespmem:s17], [sflag:$0x1] =	stream.indirect.gather [hbm4b:s12+s18], $0x40, s4, s18, $0xb8;
	[tilespmem:$0x1DA40] =	vst v63  }
0x65: {  	_ =	swait.ge [sflag:s1], $0x1F40  }
0x66: {  	[sflag:s1] =	ssyncset.done $0x0  }
0x67: {  	s5 =	simm.s32 $0x300;
	[sflag:s1] =	ssyncadd.s32 $0xFFFFE0C0  }
0x68: {  	[tilespmem:s20], [sflag:$0x2] =	stream.indirect.gather [hbm4b:s12+s18], $0x40, s5, s18, $0xb8;
	[tilespmem:$0x1DA40] =	vst v63  }
0x69: {  	_ =	swait.ge [sflag:s19], $0x1F40  }
0x6a: {  	[sflag:s19] =	ssyncset.done $0x0  }
0x6b: {  	s4 =	simm.s32 $0x380;
	[sflag:s19] =	ssyncadd.s32 $0xFFFFE0C0  }
0x6c: {  	[tilespmem:s22], [sflag:$0x3] =	stream.indirect.gather [hbm4b:s12+s18], $0x40, s4, s18, $0xb8;
	[tilespmem:$0x1DA40] =	vst v63  }
0x6d: {  	_ =	swait.ge [sflag:s21], $0x1F40  }
0x6e: {  	[sflag:s21] =	ssyncset.done $0x0  }
0x6f: {  	s5 =	simm.s32 $0x400;
	[sflag:s21] =	ssyncadd.s32 $0xFFFFE0C0  }
0x70: {  	[tilespmem:s24], [sflag:$0x4] =	stream.indirect.gather [hbm4b:s12+s18], $0x40, s5, s18, $0xb8;
	[tilespmem:$0x1DA40] =	vst v63  }
0x71: {  	_ =	swait.ge [sflag:s23], $0x1F40  }
0x72: {  	[sflag:s23] =	ssyncset.done $0x0  }
0x73: {  	s3 =	simm.s32 $0xA00;
	s4 =	simm.s32 $0x480;
	[sflag:s23] =	ssyncadd.s32 $0xFFFFE0C0  }
.LBB2_4:
0x74: {  	[tilespmem:s26], [sflag:$0x5] =	stream.indirect.gather [hbm4b:s12+s18], $0x40, s4, s18, $0xb8;
	[tilespmem:$0x1DA40] =	vst v63  }
0x75: {  	s4 =	smov.u32 s3  }
0x76: {  	p0 =	sne.s32 s3, $0x12C00;
	s3 =	sadd.s32 $0xA00, s3;
	_ =	swait.ge [sflag:s28], $0x1F40  }
0x77: {  	[sflag:s28] =	ssyncset.done $0x0  }
0x78: {  	[sflag:s28] =	ssyncadd.s32 $0xFFFFE0C0  }
0x79: {  	_ =	swait.ge [sflag:s29], $0x1F40  }
0x7a: {  	[sflag:s29] =	ssyncset.done $0x0  }
0x7b: {  	[sflag:s29] =	ssyncadd.s32 $0xFFFFE0C0  }
0x7c: {  	_ =	swait.ge [sflag:s30], $0x1F40  }
0x7d: {  	[sflag:s30] =	ssyncset.done $0x0  }
0x7e: {  	[sflag:s30] =	ssyncadd.s32 $0xFFFFE0C0  }
0x7f: {  	_ =	swait.ge [sflag:s31], $0x1F40  }
0x80: {  	[sflag:s31] =	ssyncset.done $0x0  }
0x81: {  	[sflag:s31] =	ssyncadd.s32 $0xFFFFE0C0  }
0x82: {  	_ =	swait.ge [sflag:s0], $0x1F40  }
0x83: {  	s4 =	sshra.s32 s4, $0x2;
	[sflag:s0] =	ssyncset.done $0x0  }
0x84: {  	s5 =	sadd.s32 $0x5000, s4;
	[sflag:s0] =	ssyncadd.s32 $0xFFFFE0C0  }
0x85: {  	[spmem:s2] =	stream.indirect.scatter.add.f32 [tilespmem:s17], [sflag:$0x6], $0x40, s5, s18, $0xb8;
	[tilespmem:$0x1DA40] =	vst v63  }
0x86: {  	s5 =	sadd.s32 $0x5080, s4  }
0x87: {  	[spmem:s2] =	stream.indirect.scatter.add.f32 [tilespmem:s20], [sflag:$0x7], $0x40, s5, s18, $0xb8;
	[tilespmem:$0x1DA40] =	vst v63  }
0x88: {  	s5 =	sadd.s32 $0x5100, s4  }
0x89: {  	[spmem:s2] =	stream.indirect.scatter.add.f32 [tilespmem:s22], [sflag:$0x8], $0x40, s5, s18, $0xb8;
	[tilespmem:$0x1DA40] =	vst v63  }
0x8a: {  	s5 =	sadd.s32 $0x5180, s4  }
0x8b: {  	[spmem:s2] =	stream.indirect.scatter.add.f32 [tilespmem:s24], [sflag:$0x9], $0x40, s5, s18, $0xb8;
	[tilespmem:$0x1DA40] =	vst v63  }
0x8c: {  	s5 =	sadd.s32 $0x5200, s4  }
0x8d: {  	[spmem:s2] =	stream.indirect.scatter.add.f32 [tilespmem:s26], [sflag:$0xA], $0x40, s5, s18, $0xb8;
	[tilespmem:$0x1DA40] =	vst v63  }
0x8e: {  	_ =	swait.ge [sflag:s16], $0x1F40  }
0x8f: {  	[sflag:s16] =	ssyncset.done $0x0  }
0x90: {  	s5 =	sadd.s32 $0x280, s4;
	[sflag:s16] =	ssyncadd.s32 $0xFFFFE0C0  }
0x91: {  	[tilespmem:s17], [sflag:$0x1] =	stream.indirect.gather [hbm4b:s12+s18], $0x40, s5, s18, $0xb8;
	[tilespmem:$0x1DA40] =	vst v63  }
0x92: {  	_ =	swait.ge [sflag:s1], $0x1F40  }
0x93: {  	[sflag:s1] =	ssyncset.done $0x0  }
0x94: {  	s5 =	sadd.s32 $0x300, s4;
	[sflag:s1] =	ssyncadd.s32 $0xFFFFE0C0  }
0x95: {  	[tilespmem:s20], [sflag:$0x2] =	stream.indirect.gather [hbm4b:s12+s18], $0x40, s5, s18, $0xb8;
	[tilespmem:$0x1DA40] =	vst v63  }
0x96: {  	_ =	swait.ge [sflag:s19], $0x1F40  }
0x97: {  	[sflag:s19] =	ssyncset.done $0x0  }
0x98: {  	s5 =	sadd.s32 $0x380, s4;
	[sflag:s19] =	ssyncadd.s32 $0xFFFFE0C0  }
0x99: {  	[tilespmem:s22], [sflag:$0x3] =	stream.indirect.gather [hbm4b:s12+s18], $0x40, s5, s18, $0xb8;
	[tilespmem:$0x1DA40] =	vst v63  }
0x9a: {  	_ =	swait.ge [sflag:s21], $0x1F40  }
0x9b: {  	[sflag:s21] =	ssyncset.done $0x0  }
.Ltmp1:
0x9c: {  	s5 =	sadd.s32 $0x400, s4;
	[sflag:s21] =	ssyncadd.s32 $0xFFFFE0C0;
	(pc) =	sbr.rel @p0 .LBB2_4-.Ltmp1, $4  }
0x9d: {  	[tilespmem:s24], [sflag:$0x4] =	stream.indirect.gather [hbm4b:s12+s18], $0x40, s5, s18, $0xb8;
	[tilespmem:$0x1DA40] =	vst v63  }
0x9e: {  	_ =	swait.ge [sflag:s23], $0x1F40  }
0x9f: {  	[sflag:s23] =	ssyncset.done $0x0  }
0xa0: {  	s4 =	sadd.s32 $0x480, s4;
	[sflag:s23] =	ssyncadd.s32 $0xFFFFE0C0  }
0xa1: {  	[tilespmem:s26], [sflag:$0x5] =	stream.indirect.gather [hbm4b:s12+s18], $0x40, s4, s18, $0xb8;
	[tilespmem:$0x1DA40] =	vst v63  }
0xa2: {  	_ =	swait.ge [sflag:s28], $0x1F40  }
0xa3: {  	[sflag:s28] =	ssyncset.done $0x0  }
0xa4: {  	[sflag:s28] =	ssyncadd.s32 $0xFFFFE0C0  }
0xa5: {  	_ =	swait.ge [sflag:s29], $0x1F40  }
0xa6: {  	[sflag:s29] =	ssyncset.done $0x0  }
0xa7: {  	[sflag:s29] =	ssyncadd.s32 $0xFFFFE0C0  }
0xa8: {  	_ =	swait.ge [sflag:s30], $0x1F40  }
0xa9: {  	[sflag:s30] =	ssyncset.done $0x0  }
0xaa: {  	[sflag:s30] =	ssyncadd.s32 $0xFFFFE0C0  }
0xab: {  	_ =	swait.ge [sflag:s31], $0x1F40  }
0xac: {  	[sflag:s31] =	ssyncset.done $0x0  }
0xad: {  	[sflag:s31] =	ssyncadd.s32 $0xFFFFE0C0  }
0xae: {  	_ =	swait.ge [sflag:s0], $0x1F40  }
0xaf: {  	[sflag:s0] =	ssyncset.done $0x0  }
0xb0: {  	s3 =	simm.s32 $0x9D80;
	[sflag:s0] =	ssyncadd.s32 $0xFFFFE0C0  }
0xb1: {  	[spmem:s2] =	stream.indirect.scatter.add.f32 [tilespmem:s17], [sflag:$0x6], $0x40, s3, s18, $0xb8;
	[tilespmem:$0x1DA40] =	vst v63  }
0xb2: {  	s4 =	simm.s32 $0x9E00  }
0xb3: {  	[spmem:s2] =	stream.indirect.scatter.add.f32 [tilespmem:s20], [sflag:$0x7], $0x40, s4, s18, $0xb8;
	[tilespmem:$0x1DA40] =	vst v63  }
0xb4: {  	s5 =	simm.s32 $0x9E80  }
0xb5: {  	[spmem:s2] =	stream.indirect.scatter.add.f32 [tilespmem:s22], [sflag:$0x8], $0x40, s5, s18, $0xb8;
	[tilespmem:$0x1DA40] =	vst v63  }
0xb6: {  	s4 =	simm.s32 $0x9F00  }
0xb7: {  	[spmem:s2] =	stream.indirect.scatter.add.f32 [tilespmem:s24], [sflag:$0x9], $0x40, s4, s18, $0xb8;
	[tilespmem:$0x1DA40] =	vst v63  }
0xb8: {  	s5 =	simm.s32 $0x9F80  }
0xb9: {  	[spmem:s2] =	stream.indirect.scatter.add.f32 [tilespmem:s26], [sflag:$0xA], $0x40, s5, s18, $0xb8;
	[tilespmem:$0x1DA40] =	vst v63  }
0xba: {  	_ =	swait.ge [sflag:s16], $0x1F40  }
0xbb: {  	[sflag:s16] =	ssyncset.done $0x0  }
0xbc: {  	[sflag:s16] =	ssyncadd.s32 $0xFFFFE0C0  }
0xbd: {  	_ =	swait.ge [sflag:s1], $0x1F40  }
0xbe: {  	[sflag:s1] =	ssyncset.done $0x0  }
0xbf: {  	[sflag:s1] =	ssyncadd.s32 $0xFFFFE0C0  }
0xc0: {  	_ =	swait.ge [sflag:s19], $0x1F40  }
0xc1: {  	[sflag:s19] =	ssyncset.done $0x0  }
0xc2: {  	[sflag:s19] =	ssyncadd.s32 $0xFFFFE0C0  }
0xc3: {  	_ =	swait.ge [sflag:s21], $0x1F40  }
0xc4: {  	[sflag:s21] =	ssyncset.done $0x0  }
0xc5: {  	[sflag:s21] =	ssyncadd.s32 $0xFFFFE0C0  }
0xc6: {  	s4 =	stileid.u32;
	_ =	swait.ge [sflag:s23], $0x1F40  }
0xc7: {  	s25 =	sadd.s32 $0x1, s25;
	s3 =	sshll.u32 s4, $0x6;
	[sflag:s23] =	ssyncset.done $0x0  }
0xc8: {  	p0 =	sne.s32 s25, s14;
	s3 =	sor.u32 $0x1C0B, s3;
	[sflag:s23] =	ssyncadd.s32 $0xFFFFE0C0  }
.Ltmp2:
0xc9: {  	s5 =	sshrl.u32 s6, $0x3;
	[bflag:$0x0] =	sbarrier.arrive $0xFFFF;
	(pc) =	sbr.rel @p0 .LBB2_1-.Ltmp2, $4  }
0xca: {  	[hbm:s13], [sflag:s3] =	dma.local [spmem:s5], $0x13C0  }
0xcb: {  	_ =	swait.ge [sflag:s15], $0x13C0  }
0xcc: {  	[sflag:s15] =	ssyncset.done $0x0  }
0xcd: {  	[sflag:s15] =	ssyncadd.s32 $0xFFFFEC40  }
0xce: {  	_ =	sfence.sel $0x180000  }
0xcf: {  	[bflag:$0x0] =	sbarrier.arrive $0xFFFF  }
0xd0: {  	_ =	strace $0x9000004A  }
0xd1: {  	s0 =	stileid.u32;
	[bflag:$0x2] =	sbarrier.arrive $0xFFFF  }
0xd2: {  	p0 =	sne.s32 s0, $0x0;
	s0 =	rddreg [dreg:$0x3]  }
0xd3: {  	s0 =	sadd.s32 @!p0 $0x100000, s0  }
0xd4: {  	[sflag:s0] =	ssyncadd.tile.s32 @!p0 $0x1;
	_ =	shalt  }
.Lfunc_end2:
_tile_overlayer_lowered:
.L_overlay_start_2:
0xd5: {  	(tag) =	ssettag $0x2  }
0xd6: {  	s0 =	rddreg [dreg:$0x0];
	s2 =	stileid.u32  }
0xd7: {  	s1 =	rddreg [dreg:$0x1];
	p0 =	sne.s32 s2, $0x0  }
0xd8: {  	s3 =	rddreg [dreg:$0x2];
	[bflag:$0x3] =	sbarrier.arrive $0xFFFF;
	s2 =	simm.s32 @!p0 $0x1C0B  }
0xd9: {  	[timem:s3], [sflag:s2] =	dma.local @!p0 [hbm:s0], s1  }
0xda: {  	s0 =	simm.s32 @!p0 $0xB  }
0xdb: {  	_ =	swait.ge @!p0 [sflag:s0], s1  }
0xdc: {  	s1 =	ssub.s32 @!p0 $0x0, s1;
	[sflag:s0] =	ssyncset.done @!p0 $0x0  }
0xdd: {  	[sflag:s0] =	ssyncadd.s32 @!p0 s1  }
0xde: {  	[bflag:$0x3] =	sbarrier.arrive $0xFFFF  }
0xdf: {  	_ =	shalt  }

</sc_bundles>
